<compile_context>
chip_gen: v7x
topology: tpu7x:2x2x1
jax: 0.10.2.dev20260603
libtpu: 0.0.44.dev20260713+nightly
codegen_flags: <defaults>
</compile_context>

<pallas_src>
import functools

import jax
import jax.numpy as jnp
from jax import lax
from jax.experimental import pallas as pl
from jax.experimental.pallas import tpu as pltpu
from jax.experimental.pallas import tpu_sc as plsc

T = 2048
D = 1024
H = 16
DH = 64
E = 8
K = 2
CAP = 512
HID = 256
EP = 128
TRASH = E * CAP
RB = 256
NSLOT = E * CAP

_f32 = jnp.float32
_bf16 = jnp.bfloat16


def _pack_bf16(x):
    r, c = x.shape
    y = pltpu.bitcast(x.reshape(r, c // 128, 128), jnp.int32)
    return y.reshape(r, c // 2)


def _unpack_bf16(u):
    r, c = u.shape
    y = pltpu.bitcast(u.reshape(r, c // 128, 128), _bf16)
    return y.reshape(r, 2 * c)


def _gelu(x):
    return 0.5 * x * (1.0 + lax.erf(x * (2.0 ** -0.5)))


def _softplus(x):
    return jnp.maximum(x, 0.0) + jnp.log1p(jnp.exp(-jnp.abs(x)))



def _ln_qkv_body(x_ref, g_ref, b_ref, w_ref, o_ref):
    xb = x_ref[...]
    m = jnp.mean(xb, axis=-1, keepdims=True)
    v = jnp.mean((xb - m) ** 2, axis=-1, keepdims=True)
    xn = (xb - m) * lax.rsqrt(v + 1e-5) * g_ref[...] + b_ref[...]
    o_ref[...] = jnp.dot(xn.astype(_bf16), w_ref[...],
                         preferred_element_type=_f32).astype(_bf16)


def _attn_body(q_ref, k_ref, v_ref, o_ref):
    KC = 256
    NH = 8
    sls = [slice(j * DH, (j + 1) * DH) for j in range(NH)]
    qs = [q_ref[:, sl] * _bf16(DH ** -0.5) for sl in sls]
    ones = jnp.ones((T, 1), _bf16)
    vaug = [jnp.concatenate([v_ref[:, sl], ones], axis=1) for sl in sls]
    accs = [None] * NH
    for c in range(T // KC):
        rows = slice(c * KC, (c + 1) * KC)
        for j in range(NH):
            s = lax.dot_general(qs[j], k_ref[rows, sls[j]],
                                (((1,), (1,)), ((), ())),
                                preferred_element_type=_f32)
            e = jnp.exp(s).astype(_bf16)
            o = jnp.dot(e, vaug[j][rows], preferred_element_type=_f32)
            accs[j] = o if accs[j] is None else accs[j] + o
    outs = [acc[:, :DH] * (1.0 / acc[:, DH:DH + 1]) for acc in accs]
    o_ref[...] = jnp.concatenate(outs, axis=1).astype(_bf16)


def _post_body(x_ref, ao_ref, pw_ref, pb_ref, g2_ref, b2_ref,
               f1w_ref, f1b_ref, f2w_ref, f2b_ref,
               wr_ref, br_ref, wn_ref, bn_ref, nz_ref,
               y0_ref, n2_ref, ns_ref):
    h = x_ref[...] + jnp.dot(ao_ref[...], pw_ref[...],
                             preferred_element_type=_f32) + pb_ref[...]
    m = jnp.mean(h, axis=-1, keepdims=True)
    v = jnp.mean((h - m) ** 2, axis=-1, keepdims=True)
    n2 = (h - m) * lax.rsqrt(v + 1e-5) * g2_ref[...] + b2_ref[...]
    logits = jnp.dot(n2, wr_ref[...], preferred_element_type=_f32) + br_ref[...]
    nlog = jnp.dot(n2, wn_ref[...], preferred_element_type=_f32) + bn_ref[...]
    noisy = logits + nz_ref[...] * _softplus(nlog)
    hh = _gelu(jnp.dot(n2.astype(_bf16), f1w_ref[...],
                       preferred_element_type=_f32) + f1b_ref[...])
    y0 = h + jnp.dot(hh.astype(_bf16), f2w_ref[...],
                     preferred_element_type=_f32) + f2b_ref[...]
    y0_ref[...] = y0
    n2_ref[...] = _pack_bf16(n2.astype(_bf16))
    ns_ref[...] = noisy


def _route_body(ns_ref, idx_ref, w_ref):
    ns = ns_ref[...][:, :E]
    ee = lax.broadcasted_iota(jnp.int32, (T, E), 1)
    m1 = jnp.max(ns, axis=-1, keepdims=True)
    i1 = jnp.min(jnp.where(ns == m1, ee, E), axis=-1, keepdims=True)
    ns2 = jnp.where(ee == i1, -jnp.inf, ns)
    m2 = jnp.max(ns2, axis=-1, keepdims=True)
    i2 = jnp.min(jnp.where(ns2 == m2, ee, E), axis=-1, keepdims=True)
    r = jnp.exp(m2 - m1)
    g1 = 1.0 / (1.0 + r)
    g2 = r / (1.0 + r)
    mask = ((ee == i1) | (ee == i2)).astype(_f32)
    c = mask
    s = 1
    while s < T:
        c = c + jnp.concatenate([jnp.zeros((s, E), _f32), c[:T - s]], axis=0)
        s *= 2
    pos = c - mask
    p1 = jnp.sum(jnp.where(ee == i1, pos, 0.0), axis=-1, keepdims=True).astype(jnp.int32)
    p2 = jnp.sum(jnp.where(ee == i2, pos, 0.0), axis=-1, keepdims=True).astype(jnp.int32)
    d1 = i1 * CAP + p1
    d2 = i2 * CAP + p2
    ok1 = p1 < CAP
    ok2 = p2 < CAP
    sd1 = jnp.where(ok1, d1, TRASH)
    sd2 = jnp.where(ok2, d2, TRASH)
    gd1 = jnp.where(ok1, d1, 0)
    gd2 = jnp.where(ok2, d2, 0)
    zi = jnp.zeros((T, 1), jnp.int32)
    idx_ref[...] = jnp.concatenate(
        [sd1, sd2, gd1, gd2, zi, zi, zi, zi], axis=1).T
    w1 = jnp.where(ok1, g1, 0.0)
    w2 = jnp.where(ok2, g2, 0.0)
    zf = jnp.zeros((T, EP - 2), _f32)
    w_ref[...] = jnp.concatenate([w1, w2, zf], axis=1)


def _expert_body(x_ref, w1_ref, b1_ref, w2_ref, b2_ref, o_ref):
    xb = _unpack_bf16(x_ref[...])
    hh = _gelu(jnp.dot(xb, w1_ref[0],
                       preferred_element_type=_f32) + b1_ref[0])
    o = jnp.dot(hh.astype(_bf16), w2_ref[0],
                preferred_element_type=_f32) + b2_ref[0]
    o_ref[...] = _pack_bf16(o.astype(_bf16))


def _final_body(y0_ref, a_ref, b_ref, w_ref, o_ref):
    w1 = w_ref[:, 0:1]
    w2 = w_ref[:, 1:2]
    a = _unpack_bf16(a_ref[...])
    b = _unpack_bf16(b_ref[...])
    ca = jnp.where(w1 > 0.0, w1 * a, 0.0)
    cb = jnp.where(w2 > 0.0, w2 * b, 0.0)
    o_ref[...] = y0_ref[...] + ca + cb



_NC, _NS = 2, 16
_NW = _NC * _NS
_CH = T // _NW

@functools.cache
def _build_dispatch_sc():
    mesh = plsc.VectorSubcoreMesh(core_axis_name="c", subcore_axis_name="s")

    @functools.partial(
        pl.kernel, mesh=mesh,
        out_type=jax.ShapeDtypeStruct((NSLOT + 1, D // 2), jnp.int32),
        scratch_types=[
            pltpu.VMEM((_CH, D // 2), jnp.int32),
            pltpu.VMEM((_CH,), jnp.int32),
            pltpu.VMEM((_CH,), jnp.int32),
            pltpu.SemaphoreType.DMA,
        ],
    )
    def dispatch(n2_hbm, d1_hbm, d2_hbm, xe_hbm, rows_v, i1_v, i2_v, sem):
        wid = lax.axis_index("s") * _NC + lax.axis_index("c")
        base = wid * _CH
        pltpu.sync_copy(n2_hbm.at[pl.ds(base, _CH)], rows_v)
        pltpu.sync_copy(d1_hbm.at[pl.ds(base, _CH)], i1_v)
        pltpu.sync_copy(d2_hbm.at[pl.ds(base, _CH)], i2_v)
        c1 = pltpu.async_copy(rows_v, xe_hbm.at[i1_v], sem)
        c2 = pltpu.async_copy(rows_v, xe_hbm.at[i2_v], sem)
        c1.wait()
        c2.wait()

    return dispatch


@functools.cache
def _build_combine_sc():
    mesh = plsc.VectorSubcoreMesh(core_axis_name="c", subcore_axis_name="s")

    @functools.partial(
        pl.kernel, mesh=mesh,
        out_type=[jax.ShapeDtypeStruct((T, D // 2), jnp.int32),
                  jax.ShapeDtypeStruct((T, D // 2), jnp.int32)],
        scratch_types=[
            pltpu.VMEM((_CH, D // 2), jnp.int32),
            pltpu.VMEM((_CH, D // 2), jnp.int32),
            pltpu.VMEM((_CH,), jnp.int32),
            pltpu.VMEM((_CH,), jnp.int32),
            pltpu.SemaphoreType.DMA,
        ],
    )
    def combine(eout_hbm, g1_hbm, g2_hbm, a_hbm, b_hbm, a_v, b_v, i1_v, i2_v, sem):
        wid = lax.axis_index("s") * _NC + lax.axis_index("c")
        base = wid * _CH
        pltpu.sync_copy(g1_hbm.at[pl.ds(base, _CH)], i1_v)
        pltpu.sync_copy(g2_hbm.at[pl.ds(base, _CH)], i2_v)
        c1 = pltpu.async_copy(eout_hbm.at[i1_v], a_v, sem)
        c2 = pltpu.async_copy(eout_hbm.at[i2_v], b_v, sem)
        c1.wait()
        c2.wait()
        pltpu.sync_copy(a_v, a_hbm.at[pl.ds(base, _CH)])
        pltpu.sync_copy(b_v, b_hbm.at[pl.ds(base, _CH)])

    return combine


def _dispatch_sc(n2, sd1, sd2):
    return _build_dispatch_sc()(n2, sd1, sd2)


def _combine_sc(eout, gd1, gd2):
    return _build_combine_sc()(eout, gd1, gd2)



def kernel(x, ln1_g, ln1_b, ln2_g, ln2_b, qkv_w, proj_w, proj_b,
           fc1_w, fc1_b, fc2_w, fc2_b, wr, br, wn, bn, ew1, eb1, ew2, eb2):
    xs = x.reshape(T, D)
    r1 = lambda a: a.reshape(1, -1)
    qkv_wb = qkv_w.astype(_bf16)
    proj_wb = proj_w.astype(_bf16)
    fc1_wb = fc1_w.astype(_bf16)
    fc2_wb = fc2_w.astype(_bf16)
    ew1b = ew1.astype(_bf16)
    ew2b = ew2.astype(_bf16)

    wr_p = jnp.pad(wr, ((0, 0), (0, EP - E)))
    wn_p = jnp.pad(wn, ((0, 0), (0, EP - E)))
    br_p = jnp.pad(br.reshape(1, E), ((0, 0), (0, EP - E)),
                   constant_values=-1e30)
    bn_p = jnp.pad(bn.reshape(1, E), ((0, 0), (0, EP - E)))
    nz = jax.random.normal(jax.random.key(42), (1, T, E), _f32).reshape(T, E)
    nz_p = jnp.pad(nz, ((0, 0), (0, EP - E)))

    qkv = pl.pallas_call(
        _ln_qkv_body,
        grid=(T // RB,),
        in_specs=[
            pl.BlockSpec((RB, D), lambda i: (i, 0)),
            pl.BlockSpec((1, D), lambda i: (0, 0)),
            pl.BlockSpec((1, D), lambda i: (0, 0)),
            pl.BlockSpec((D, 3 * D), lambda i: (0, 0)),
        ],
        out_specs=pl.BlockSpec((RB, 3 * D), lambda i: (i, 0)),
        out_shape=jax.ShapeDtypeStruct((T, 3 * D), _bf16),
    )(xs, r1(ln1_g), r1(ln1_b), qkv_wb)

    HP = H // 8
    RA = 256
    ao = pl.pallas_call(
        _attn_body,
        grid=(HP, T // RA),
        in_specs=[
            pl.BlockSpec((RA, 8 * DH), lambda h, i: (i, h)),
            pl.BlockSpec((T, 8 * DH), lambda h, i: (0, HP + h)),
            pl.BlockSpec((T, 8 * DH), lambda h, i: (0, 2 * HP + h)),
        ],
        out_specs=pl.BlockSpec((RA, 8 * DH), lambda h, i: (i, h)),
        out_shape=jax.ShapeDtypeStruct((T, D), _bf16),
    )(qkv, qkv, qkv)

    y0, n2, noisy = pl.pallas_call(
        _post_body,
        grid=(T // RB,),
        in_specs=[
            pl.BlockSpec((RB, D), lambda i: (i, 0)),
            pl.BlockSpec((RB, D), lambda i: (i, 0)),
            pl.BlockSpec((D, D), lambda i: (0, 0)),
            pl.BlockSpec((1, D), lambda i: (0, 0)),
            pl.BlockSpec((1, D), lambda i: (0, 0)),
            pl.BlockSpec((1, D), lambda i: (0, 0)),
            pl.BlockSpec((D, HID), lambda i: (0, 0)),
            pl.BlockSpec((1, HID), lambda i: (0, 0)),
            pl.BlockSpec((HID, D), lambda i: (0, 0)),
            pl.BlockSpec((1, D), lambda i: (0, 0)),
            pl.BlockSpec((D, EP), lambda i: (0, 0)),
            pl.BlockSpec((1, EP), lambda i: (0, 0)),
            pl.BlockSpec((D, EP), lambda i: (0, 0)),
            pl.BlockSpec((1, EP), lambda i: (0, 0)),
            pl.BlockSpec((RB, EP), lambda i: (i, 0)),
        ],
        out_specs=[
            pl.BlockSpec((RB, D), lambda i: (i, 0)),
            pl.BlockSpec((RB, D // 2), lambda i: (i, 0)),
            pl.BlockSpec((RB, EP), lambda i: (i, 0)),
        ],
        out_shape=[
            jax.ShapeDtypeStruct((T, D), _f32),
            jax.ShapeDtypeStruct((T, D // 2), jnp.int32),
            jax.ShapeDtypeStruct((T, EP), _f32),
        ],
    )(xs, ao, proj_wb, r1(proj_b), r1(ln2_g), r1(ln2_b),
      fc1_wb, r1(fc1_b), fc2_wb, r1(fc2_b), wr_p, br_p, wn_p, bn_p, nz_p)

    idx8, w_p = pl.pallas_call(
        _route_body,
        grid=(1,),
        in_specs=[pl.BlockSpec((T, EP), lambda i: (0, 0))],
        out_specs=[
            pl.BlockSpec((8, T), lambda i: (0, 0)),
            pl.BlockSpec((T, EP), lambda i: (0, 0)),
        ],
        out_shape=[
            jax.ShapeDtypeStruct((8, T), jnp.int32),
            jax.ShapeDtypeStruct((T, EP), _f32),
        ],
    )(noisy)

    sd1, sd2, gd1, gd2 = idx8[0], idx8[1], idx8[2], idx8[3]

    xe = _dispatch_sc(n2, sd1, sd2)

    eout = pl.pallas_call(
        _expert_body,
        grid=(E,),
        in_specs=[
            pl.BlockSpec((CAP, D // 2), lambda e: (e, 0)),
            pl.BlockSpec((1, D, HID), lambda e: (e, 0, 0)),
            pl.BlockSpec((1, 1, HID), lambda e: (e, 0, 0)),
            pl.BlockSpec((1, HID, D), lambda e: (e, 0, 0)),
            pl.BlockSpec((1, 1, D), lambda e: (e, 0, 0)),
        ],
        out_specs=pl.BlockSpec((CAP, D // 2), lambda e: (e, 0)),
        out_shape=jax.ShapeDtypeStruct((NSLOT, D // 2), jnp.int32),
    )(xe[:NSLOT], ew1b, eb1.reshape(E, 1, HID), ew2b, eb2.reshape(E, 1, D))

    a_rows, b_rows = _combine_sc(eout, gd1, gd2)

    y = pl.pallas_call(
        _final_body,
        grid=(T // RB,),
        in_specs=[
            pl.BlockSpec((RB, D), lambda i: (i, 0)),
            pl.BlockSpec((RB, D // 2), lambda i: (i, 0)),
            pl.BlockSpec((RB, D // 2), lambda i: (i, 0)),
            pl.BlockSpec((RB, EP), lambda i: (i, 0)),
        ],
        out_specs=pl.BlockSpec((RB, D), lambda i: (i, 0)),
        out_shape=jax.ShapeDtypeStruct((T, D), _f32),
    )(y0, a_rows, b_rows, w_p)

    return y.reshape(1, T, D)

# --- scband reference (transcript-rebuilt; emitter-appended) ---
"""Pipeline reference for scband-block-mo-eadapters-5506148073586 (READ-ONLY COPY).

The authoritative reference and input builder live on the scoring server;
editing this copy changes nothing except your own understanding.
"""

import jax, jax.numpy as jnp
import numpy as np

DIM = 1024
HEADS = 16
E = 8
TOPK = 2
HID_MOE = 256  # int(dim * 0.25), hard-coded in BlockMoEAdapters for moe_layer
HID_MLP = 256  # int(dim * mlp_ratio=0.25)
CAP_F = 1.0
B, S = 1, 2048


def setup_inputs(seed: int = 0) -> dict:
    key = jax.random.key(seed)
    ks = jax.random.split(key, 16)
    s = 0.02
    d = {}
    d["x"] = jax.random.normal(ks[0], (B, S, DIM), jnp.float32)
    d["ln1_g"] = jnp.ones((DIM,), jnp.float32)
    d["ln1_b"] = jnp.zeros((DIM,), jnp.float32)
    d["ln2_g"] = jnp.ones((DIM,), jnp.float32)
    d["ln2_b"] = jnp.zeros((DIM,), jnp.float32)
    d["qkv_w"] = jax.random.normal(ks[1], (DIM, 3 * DIM), jnp.float32) * s
    d["proj_w"] = jax.random.normal(ks[2], (DIM, DIM), jnp.float32) * s
    d["proj_b"] = jnp.zeros((DIM,), jnp.float32)
    d["fc1_w"] = jax.random.normal(ks[3], (DIM, HID_MLP), jnp.float32) * s
    d["fc1_b"] = jnp.zeros((HID_MLP,), jnp.float32)
    d["fc2_w"] = jax.random.normal(ks[4], (HID_MLP, DIM), jnp.float32) * s
    d["fc2_b"] = jnp.zeros((DIM,), jnp.float32)
    d["wr"] = jax.random.normal(ks[5], (DIM, E), jnp.float32) * s
    d["br"] = jnp.zeros((E,), jnp.float32)
    d["wn"] = jax.random.normal(ks[6], (DIM, E), jnp.float32) * s
    d["bn"] = jnp.zeros((E,), jnp.float32)
    d["ew1"] = jax.random.normal(ks[7], (E, DIM, HID_MOE), jnp.float32) * s
    d["eb1"] = jnp.zeros((E, HID_MOE), jnp.float32)
    d["ew2"] = jax.random.normal(ks[8], (E, HID_MOE, DIM), jnp.float32) * s
    d["eb2"] = jnp.zeros((E, DIM), jnp.float32)
    return d


def _ln(x, g, b):
    m = jnp.mean(x, axis=-1, keepdims=True)
    v = jnp.var(x, axis=-1, keepdims=True)
    return (x - m) / jnp.sqrt(v + 1e-5) * g + b


def _attn(x, qkv_w, proj_w, proj_b):
    Bb, N, C = x.shape
    dh = C // HEADS
    qkv = (x @ qkv_w).reshape(Bb, N, 3, HEADS, dh).transpose(2, 0, 3, 1, 4)
    q, k, v = qkv[0] * (dh ** -0.5), qkv[1], qkv[2]
    a = jax.nn.softmax(q @ k.transpose(0, 1, 3, 2), axis=-1)
    o = (a @ v).transpose(0, 2, 1, 3).reshape(Bb, N, C)
    return o @ proj_w + proj_b


def _moe(x, wr, br, wn, bn, ew1, eb1, ew2, eb2):
    Bb, Ss, C = x.shape
    logits = x @ wr + br
    nlog = x @ wn + bn
    noise = jax.random.normal(jax.random.key(42), logits.shape, logits.dtype) * jax.nn.softplus(nlog)
    noisy = logits + noise
    topv, topi = jax.lax.top_k(noisy, TOPK)
    onehot = jax.nn.one_hot(topi, E, dtype=noisy.dtype)  # [B,S,K,E]
    sel_mask = jnp.max(onehot, axis=-2) > 0
    sparse = jnp.where(sel_mask, noisy, -jnp.inf)
    gating = jax.nn.softmax(sparse, axis=-1)
    T = Bb * Ss
    flat_x = x.reshape(T, C)
    flat_g = gating.reshape(T, E)
    flat_i = topi.reshape(T, TOPK)
    cap = int(T * TOPK / E * CAP_F)
    updates = jnp.zeros_like(flat_x)
    for i in range(E):
        mask = (flat_i == i).any(axis=-1)
        sel = jnp.nonzero(mask, size=cap, fill_value=0)[0]
        valid = (jnp.arange(cap) < jnp.sum(mask)).astype(flat_x.dtype)
        inp = flat_x[sel]
        h = jax.nn.gelu(inp @ ew1[i] + eb1[i], approximate=False)
        out = h @ ew2[i] + eb2[i]
        w = flat_g[sel, i] * valid
        updates = updates.at[sel].add(out * w[:, None])
    return updates.reshape(Bb, Ss, C)


def reference(x, ln1_g, ln1_b, ln2_g, ln2_b, qkv_w, proj_w, proj_b, fc1_w, fc1_b, fc2_w, fc2_b, wr, br, wn, bn, ew1, eb1, ew2, eb2):
    # gamma_1 is None branch (init_values=0):
    # x = x + drop_path(attn(norm1(x)))
    # x = x + drop_path(mlp(norm2(x))) + moe_layer(norm2(x))
    h = x + _attn(_ln(x, ln1_g, ln1_b), qkv_w, proj_w, proj_b)
    n2 = _ln(h, ln2_g, ln2_b)
    mlp = jax.nn.gelu(n2 @ fc1_w + fc1_b, approximate=False) @ fc2_w + fc2_b
    return h + mlp + _moe(n2, wr, br, wn, bn, ew1, eb1, ew2, eb2)

if __name__ == "__main__":
    import jax
    _d = setup_inputs()
    print(jax.jit(kernel)(*tuple(_d.values())))

</pallas_src>

<mosaic_0001>
#map = affine_map<(d0, d1) -> (0, 0)>
#map1 = affine_map<(d0, d1) -> (0)>
module attributes {stable_mosaic.version = 14 : i64} {
  func.func @dispatch(%arg0: i32, %arg1: i32, %arg2: memref<2048x512xi32, #tpu.memory_space<hbm>>, %arg3: memref<2048xi32, #tpu.memory_space<hbm>>, %arg4: memref<2048xi32, #tpu.memory_space<hbm>>, %arg5: memref<4097x512xi32, #tpu.memory_space<hbm>>, %arg6: memref<64x512xi32, #tpu.memory_space<vmem>>, %arg7: memref<64xi32, #tpu.memory_space<vmem>>, %arg8: memref<64xi32, #tpu.memory_space<vmem>>, %arg9: memref<!tpu.dma_semaphore, #tpu.memory_space<semaphore_mem>>) attributes {dimension_semantics = [#tpu.dimension_semantics<core_parallel>, #tpu.dimension_semantics<subcore_parallel>], iteration_bounds = array<i64: 2, 16>, scalar_prefetch = 0 : i64, scratch_operands = 4 : i64, tpu.core_type = #tpu.core_type<sc_vector_subcore>, window_params = [{transform_indices = #map}, {transform_indices = #map1}, {transform_indices = #map1}, {transform_indices = #map}]} {
    %mul3A = arith.constant 2 : i32
    %mul3A_0 = arith.muli %arg1, %mul3A : i32
    %add3A = arith.addi %mul3A_0, %arg0 : i32
    %mul3A_1 = arith.constant 64 : i32
    %mul3A_2 = arith.muli %add3A, %mul3A_1 : i32
    "tpu.region"() ({
      %run_scoped3A = tpu.sem_alloc : memref<!tpu.dma_semaphore, #tpu.memory_space<semaphore_mem>>
      %dma_start3A_13 = arith.constant 0 : i32
      %dma_start3A_14 = tpu.memref_slice %arg2[%mul3A_2, %dma_start3A_13] : memref<2048x512xi32, #tpu.memory_space<hbm>> -> memref<64x512xi32, #tpu.memory_space<hbm>>
      %dma_start3A_15 = arith.constant 0 : i32
      %dma_start3A_16 = tpu.memref_slice %arg2[%mul3A_2, %dma_start3A_15] : memref<2048x512xi32, #tpu.memory_space<hbm>> -> memref<64x512xi32, #tpu.memory_space<hbm>>
      tpu.enqueue_dma source(%dma_start3A_16 : memref<64x512xi32, #tpu.memory_space<hbm>>) target(%arg6 : memref<64x512xi32, #tpu.memory_space<vmem>>) target_semaphore(%run_scoped3A : memref<!tpu.dma_semaphore, #tpu.memory_space<semaphore_mem>>)
      %dma_wait3A_17 = arith.constant 0 : i32
      %dma_wait3A_18 = tpu.memref_slice %arg2[%mul3A_2, %dma_wait3A_17] : memref<2048x512xi32, #tpu.memory_space<hbm>> -> memref<64x512xi32, #tpu.memory_space<hbm>>
      %dma_wait3A_19 = arith.constant 0 : i32
      %dma_wait3A_20 = tpu.memref_slice %arg2[%mul3A_2, %dma_wait3A_19] : memref<2048x512xi32, #tpu.memory_space<hbm>> -> memref<64x512xi32, #tpu.memory_space<hbm>>
      tpu.wait_dma2 semaphore(%run_scoped3A : memref<!tpu.dma_semaphore, #tpu.memory_space<semaphore_mem>>) src(%dma_wait3A_20 : memref<64x512xi32, #tpu.memory_space<hbm>>) dst(%arg6 : memref<64x512xi32, #tpu.memory_space<vmem>>)
      tpu.yield
    }) : () -> ()
    "tpu.region"() ({
      %run_scoped3A = tpu.sem_alloc : memref<!tpu.dma_semaphore, #tpu.memory_space<semaphore_mem>>
      %dma_start3A_13 = tpu.memref_slice %arg3[%mul3A_2] : memref<2048xi32, #tpu.memory_space<hbm>> -> memref<64xi32, #tpu.memory_space<hbm>>
      %dma_start3A_14 = tpu.memref_slice %arg3[%mul3A_2] : memref<2048xi32, #tpu.memory_space<hbm>> -> memref<64xi32, #tpu.memory_space<hbm>>
      tpu.enqueue_dma source(%dma_start3A_14 : memref<64xi32, #tpu.memory_space<hbm>>) target(%arg7 : memref<64xi32, #tpu.memory_space<vmem>>) target_semaphore(%run_scoped3A : memref<!tpu.dma_semaphore, #tpu.memory_space<semaphore_mem>>)
      %dma_wait3A_15 = tpu.memref_slice %arg3[%mul3A_2] : memref<2048xi32, #tpu.memory_space<hbm>> -> memref<64xi32, #tpu.memory_space<hbm>>
      %dma_wait3A_16 = tpu.memref_slice %arg3[%mul3A_2] : memref<2048xi32, #tpu.memory_space<hbm>> -> memref<64xi32, #tpu.memory_space<hbm>>
      tpu.wait_dma2 semaphore(%run_scoped3A : memref<!tpu.dma_semaphore, #tpu.memory_space<semaphore_mem>>) src(%dma_wait3A_16 : memref<64xi32, #tpu.memory_space<hbm>>) dst(%arg7 : memref<64xi32, #tpu.memory_space<vmem>>)
      tpu.yield
    }) : () -> ()
    "tpu.region"() ({
      %run_scoped3A = tpu.sem_alloc : memref<!tpu.dma_semaphore, #tpu.memory_space<semaphore_mem>>
      %dma_start3A_13 = tpu.memref_slice %arg4[%mul3A_2] : memref<2048xi32, #tpu.memory_space<hbm>> -> memref<64xi32, #tpu.memory_space<hbm>>
      %dma_start3A_14 = tpu.memref_slice %arg4[%mul3A_2] : memref<2048xi32, #tpu.memory_space<hbm>> -> memref<64xi32, #tpu.memory_space<hbm>>
      tpu.enqueue_dma source(%dma_start3A_14 : memref<64xi32, #tpu.memory_space<hbm>>) target(%arg8 : memref<64xi32, #tpu.memory_space<vmem>>) target_semaphore(%run_scoped3A : memref<!tpu.dma_semaphore, #tpu.memory_space<semaphore_mem>>)
      %dma_wait3A_15 = tpu.memref_slice %arg4[%mul3A_2] : memref<2048xi32, #tpu.memory_space<hbm>> -> memref<64xi32, #tpu.memory_space<hbm>>
      %dma_wait3A_16 = tpu.memref_slice %arg4[%mul3A_2] : memref<2048xi32, #tpu.memory_space<hbm>> -> memref<64xi32, #tpu.memory_space<hbm>>
      tpu.wait_dma2 semaphore(%run_scoped3A : memref<!tpu.dma_semaphore, #tpu.memory_space<semaphore_mem>>) src(%dma_wait3A_16 : memref<64xi32, #tpu.memory_space<hbm>>) dst(%arg8 : memref<64xi32, #tpu.memory_space<vmem>>)
      tpu.yield
    }) : () -> ()
    %dma_start3A = arith.constant 0 : i32
    %dma_start3A_3 = arith.constant 0 : i32
    %dma_start3A_4 = tpu.memref_slice %arg5[%dma_start3A, %dma_start3A_3] : memref<4097x512xi32, #tpu.memory_space<hbm>> -> memref<4097x512xi32, #tpu.memory_space<hbm>>
    tpu.enqueue_indirect_dma source(%arg6 : memref<64x512xi32, #tpu.memory_space<vmem>>) target(%dma_start3A_4 : memref<4097x512xi32, #tpu.memory_space<hbm>>) offsets(%arg7 : memref<64xi32, #tpu.memory_space<vmem>>) semaphore(%arg9 : memref<!tpu.dma_semaphore, #tpu.memory_space<semaphore_mem>>)
    %dma_start3A_5 = arith.constant 0 : i32
    %dma_start3A_6 = arith.constant 0 : i32
    %dma_start3A_7 = tpu.memref_slice %arg5[%dma_start3A_5, %dma_start3A_6] : memref<4097x512xi32, #tpu.memory_space<hbm>> -> memref<4097x512xi32, #tpu.memory_space<hbm>>
    tpu.enqueue_indirect_dma source(%arg6 : memref<64x512xi32, #tpu.memory_space<vmem>>) target(%dma_start3A_7 : memref<4097x512xi32, #tpu.memory_space<hbm>>) offsets(%arg8 : memref<64xi32, #tpu.memory_space<vmem>>) semaphore(%arg9 : memref<!tpu.dma_semaphore, #tpu.memory_space<semaphore_mem>>)
    %dma_wait3A = arith.constant 0 : i32
    %dma_wait3A_8 = arith.constant 0 : i32
    %dma_wait3A_9 = tpu.memref_slice %arg5[%dma_wait3A, %dma_wait3A_8] : memref<4097x512xi32, #tpu.memory_space<hbm>> -> memref<4097x512xi32, #tpu.memory_space<hbm>>
    tpu.wait_indirect_dma semaphore(%arg9 : memref<!tpu.dma_semaphore, #tpu.memory_space<semaphore_mem>>) src(%arg6 : memref<64x512xi32, #tpu.memory_space<vmem>>) dst(%dma_wait3A_9 : memref<4097x512xi32, #tpu.memory_space<hbm>>)
    %dma_wait3A_10 = arith.constant 0 : i32
    %dma_wait3A_11 = arith.constant 0 : i32
    %dma_wait3A_12 = tpu.memref_slice %arg5[%dma_wait3A_10, %dma_wait3A_11] : memref<4097x512xi32, #tpu.memory_space<hbm>> -> memref<4097x512xi32, #tpu.memory_space<hbm>>
    tpu.wait_indirect_dma semaphore(%arg9 : memref<!tpu.dma_semaphore, #tpu.memory_space<semaphore_mem>>) src(%arg6 : memref<64x512xi32, #tpu.memory_space<vmem>>) dst(%dma_wait3A_12 : memref<4097x512xi32, #tpu.memory_space<hbm>>)
    return
  }
}

#map = affine_map<(d0, d1) -> (0, 0)>
#map1 = affine_map<(d0, d1) -> (0)>
module attributes {stable_mosaic.version = 14 : i64} {
  func.func @combine(%arg0: i32, %arg1: i32, %arg2: memref<4096x512xi32, #tpu.memory_space<hbm>>, %arg3: memref<2048xi32, #tpu.memory_space<hbm>>, %arg4: memref<2048xi32, #tpu.memory_space<hbm>>, %arg5: memref<2048x512xi32, #tpu.memory_space<hbm>>, %arg6: memref<2048x512xi32, #tpu.memory_space<hbm>>, %arg7: memref<64x512xi32, #tpu.memory_space<vmem>>, %arg8: memref<64x512xi32, #tpu.memory_space<vmem>>, %arg9: memref<64xi32, #tpu.memory_space<vmem>>, %arg10: memref<64xi32, #tpu.memory_space<vmem>>, %arg11: memref<!tpu.dma_semaphore, #tpu.memory_space<semaphore_mem>>) attributes {dimension_semantics = [#tpu.dimension_semantics<core_parallel>, #tpu.dimension_semantics<subcore_parallel>], iteration_bounds = array<i64: 2, 16>, scalar_prefetch = 0 : i64, scratch_operands = 5 : i64, tpu.core_type = #tpu.core_type<sc_vector_subcore>, window_params = [{transform_indices = #map}, {transform_indices = #map1}, {transform_indices = #map1}, {transform_indices = #map}, {transform_indices = #map}]} {
    %mul3A = arith.constant 2 : i32
    %mul3A_0 = arith.muli %arg1, %mul3A : i32
    %add3A = arith.addi %mul3A_0, %arg0 : i32
    %mul3A_1 = arith.constant 64 : i32
    %mul3A_2 = arith.muli %add3A, %mul3A_1 : i32
    "tpu.region"() ({
      %run_scoped3A = tpu.sem_alloc : memref<!tpu.dma_semaphore, #tpu.memory_space<semaphore_mem>>
      %dma_start3A_13 = tpu.memref_slice %arg3[%mul3A_2] : memref<2048xi32, #tpu.memory_space<hbm>> -> memref<64xi32, #tpu.memory_space<hbm>>
      %dma_start3A_14 = tpu.memref_slice %arg3[%mul3A_2] : memref<2048xi32, #tpu.memory_space<hbm>> -> memref<64xi32, #tpu.memory_space<hbm>>
      tpu.enqueue_dma source(%dma_start3A_14 : memref<64xi32, #tpu.memory_space<hbm>>) target(%arg9 : memref<64xi32, #tpu.memory_space<vmem>>) target_semaphore(%run_scoped3A : memref<!tpu.dma_semaphore, #tpu.memory_space<semaphore_mem>>)
      %dma_wait3A_15 = tpu.memref_slice %arg3[%mul3A_2] : memref<2048xi32, #tpu.memory_space<hbm>> -> memref<64xi32, #tpu.memory_space<hbm>>
      %dma_wait3A_16 = tpu.memref_slice %arg3[%mul3A_2] : memref<2048xi32, #tpu.memory_space<hbm>> -> memref<64xi32, #tpu.memory_space<hbm>>
      tpu.wait_dma2 semaphore(%run_scoped3A : memref<!tpu.dma_semaphore, #tpu.memory_space<semaphore_mem>>) src(%dma_wait3A_16 : memref<64xi32, #tpu.memory_space<hbm>>) dst(%arg9 : memref<64xi32, #tpu.memory_space<vmem>>)
      tpu.yield
    }) : () -> ()
    "tpu.region"() ({
      %run_scoped3A = tpu.sem_alloc : memref<!tpu.dma_semaphore, #tpu.memory_space<semaphore_mem>>
      %dma_start3A_13 = tpu.memref_slice %arg4[%mul3A_2] : memref<2048xi32, #tpu.memory_space<hbm>> -> memref<64xi32, #tpu.memory_space<hbm>>
      %dma_start3A_14 = tpu.memref_slice %arg4[%mul3A_2] : memref<2048xi32, #tpu.memory_space<hbm>> -> memref<64xi32, #tpu.memory_space<hbm>>
      tpu.enqueue_dma source(%dma_start3A_14 : memref<64xi32, #tpu.memory_space<hbm>>) target(%arg10 : memref<64xi32, #tpu.memory_space<vmem>>) target_semaphore(%run_scoped3A : memref<!tpu.dma_semaphore, #tpu.memory_space<semaphore_mem>>)
      %dma_wait3A_15 = tpu.memref_slice %arg4[%mul3A_2] : memref<2048xi32, #tpu.memory_space<hbm>> -> memref<64xi32, #tpu.memory_space<hbm>>
      %dma_wait3A_16 = tpu.memref_slice %arg4[%mul3A_2] : memref<2048xi32, #tpu.memory_space<hbm>> -> memref<64xi32, #tpu.memory_space<hbm>>
      tpu.wait_dma2 semaphore(%run_scoped3A : memref<!tpu.dma_semaphore, #tpu.memory_space<semaphore_mem>>) src(%dma_wait3A_16 : memref<64xi32, #tpu.memory_space<hbm>>) dst(%arg10 : memref<64xi32, #tpu.memory_space<vmem>>)
      tpu.yield
    }) : () -> ()
    %dma_start3A = arith.constant 0 : i32
    %dma_start3A_3 = arith.constant 0 : i32
    %dma_start3A_4 = tpu.memref_slice %arg2[%dma_start3A, %dma_start3A_3] : memref<4096x512xi32, #tpu.memory_space<hbm>> -> memref<4096x512xi32, #tpu.memory_space<hbm>>
    tpu.enqueue_indirect_dma source(%dma_start3A_4 : memref<4096x512xi32, #tpu.memory_space<hbm>>) target(%arg7 : memref<64x512xi32, #tpu.memory_space<vmem>>) offsets(%arg9 : memref<64xi32, #tpu.memory_space<vmem>>) semaphore(%arg11 : memref<!tpu.dma_semaphore, #tpu.memory_space<semaphore_mem>>)
    %dma_start3A_5 = arith.constant 0 : i32
    %dma_start3A_6 = arith.constant 0 : i32
    %dma_start3A_7 = tpu.memref_slice %arg2[%dma_start3A_5, %dma_start3A_6] : memref<4096x512xi32, #tpu.memory_space<hbm>> -> memref<4096x512xi32, #tpu.memory_space<hbm>>
    tpu.enqueue_indirect_dma source(%dma_start3A_7 : memref<4096x512xi32, #tpu.memory_space<hbm>>) target(%arg8 : memref<64x512xi32, #tpu.memory_space<vmem>>) offsets(%arg10 : memref<64xi32, #tpu.memory_space<vmem>>) semaphore(%arg11 : memref<!tpu.dma_semaphore, #tpu.memory_space<semaphore_mem>>)
    %dma_wait3A = arith.constant 0 : i32
    %dma_wait3A_8 = arith.constant 0 : i32
    %dma_wait3A_9 = tpu.memref_slice %arg2[%dma_wait3A, %dma_wait3A_8] : memref<4096x512xi32, #tpu.memory_space<hbm>> -> memref<4096x512xi32, #tpu.memory_space<hbm>>
    tpu.wait_indirect_dma semaphore(%arg11 : memref<!tpu.dma_semaphore, #tpu.memory_space<semaphore_mem>>) src(%dma_wait3A_9 : memref<4096x512xi32, #tpu.memory_space<hbm>>) dst(%arg7 : memref<64x512xi32, #tpu.memory_space<vmem>>)
    %dma_wait3A_10 = arith.constant 0 : i32
    %dma_wait3A_11 = arith.constant 0 : i32
    %dma_wait3A_12 = tpu.memref_slice %arg2[%dma_wait3A_10, %dma_wait3A_11] : memref<4096x512xi32, #tpu.memory_space<hbm>> -> memref<4096x512xi32, #tpu.memory_space<hbm>>
    tpu.wait_indirect_dma semaphore(%arg11 : memref<!tpu.dma_semaphore, #tpu.memory_space<semaphore_mem>>) src(%dma_wait3A_12 : memref<4096x512xi32, #tpu.memory_space<hbm>>) dst(%arg8 : memref<64x512xi32, #tpu.memory_space<vmem>>)
    "tpu.region"() ({
      %run_scoped3A = tpu.sem_alloc : memref<!tpu.dma_semaphore, #tpu.memory_space<semaphore_mem>>
      %dma_start3A_13 = arith.constant 0 : i32
      %dma_start3A_14 = tpu.memref_slice %arg5[%mul3A_2, %dma_start3A_13] : memref<2048x512xi32, #tpu.memory_space<hbm>> -> memref<64x512xi32, #tpu.memory_space<hbm>>
      %dma_start3A_15 = arith.constant 0 : i32
      %dma_start3A_16 = tpu.memref_slice %arg5[%mul3A_2, %dma_start3A_15] : memref<2048x512xi32, #tpu.memory_space<hbm>> -> memref<64x512xi32, #tpu.memory_space<hbm>>
      tpu.enqueue_dma source(%arg7 : memref<64x512xi32, #tpu.memory_space<vmem>>) target(%dma_start3A_16 : memref<64x512xi32, #tpu.memory_space<hbm>>) target_semaphore(%run_scoped3A : memref<!tpu.dma_semaphore, #tpu.memory_space<semaphore_mem>>)
      %dma_wait3A_17 = arith.constant 0 : i32
      %dma_wait3A_18 = tpu.memref_slice %arg5[%mul3A_2, %dma_wait3A_17] : memref<2048x512xi32, #tpu.memory_space<hbm>> -> memref<64x512xi32, #tpu.memory_space<hbm>>
      %dma_wait3A_19 = arith.constant 0 : i32
      %dma_wait3A_20 = tpu.memref_slice %arg5[%mul3A_2, %dma_wait3A_19] : memref<2048x512xi32, #tpu.memory_space<hbm>> -> memref<64x512xi32, #tpu.memory_space<hbm>>
      tpu.wait_dma2 semaphore(%run_scoped3A : memref<!tpu.dma_semaphore, #tpu.memory_space<semaphore_mem>>) src(%arg7 : memref<64x512xi32, #tpu.memory_space<vmem>>) dst(%dma_wait3A_20 : memref<64x512xi32, #tpu.memory_space<hbm>>)
      tpu.yield
    }) : () -> ()
    "tpu.region"() ({
      %run_scoped3A = tpu.sem_alloc : memref<!tpu.dma_semaphore, #tpu.memory_space<semaphore_mem>>
      %dma_start3A_13 = arith.constant 0 : i32
      %dma_start3A_14 = tpu.memref_slice %arg6[%mul3A_2, %dma_start3A_13] : memref<2048x512xi32, #tpu.memory_space<hbm>> -> memref<64x512xi32, #tpu.memory_space<hbm>>
      %dma_start3A_15 = arith.constant 0 : i32
      %dma_start3A_16 = tpu.memref_slice %arg6[%mul3A_2, %dma_start3A_15] : memref<2048x512xi32, #tpu.memory_space<hbm>> -> memref<64x512xi32, #tpu.memory_space<hbm>>
      tpu.enqueue_dma source(%arg8 : memref<64x512xi32, #tpu.memory_space<vmem>>) target(%dma_start3A_16 : memref<64x512xi32, #tpu.memory_space<hbm>>) target_semaphore(%run_scoped3A : memref<!tpu.dma_semaphore, #tpu.memory_space<semaphore_mem>>)
      %dma_wait3A_17 = arith.constant 0 : i32
      %dma_wait3A_18 = tpu.memref_slice %arg6[%mul3A_2, %dma_wait3A_17] : memref<2048x512xi32, #tpu.memory_space<hbm>> -> memref<64x512xi32, #tpu.memory_space<hbm>>
      %dma_wait3A_19 = arith.constant 0 : i32
      %dma_wait3A_20 = tpu.memref_slice %arg6[%mul3A_2, %dma_wait3A_19] : memref<2048x512xi32, #tpu.memory_space<hbm>> -> memref<64x512xi32, #tpu.memory_space<hbm>>
      tpu.wait_dma2 semaphore(%run_scoped3A : memref<!tpu.dma_semaphore, #tpu.memory_space<semaphore_mem>>) src(%arg8 : memref<64x512xi32, #tpu.memory_space<vmem>>) dst(%dma_wait3A_20 : memref<64x512xi32, #tpu.memory_space<hbm>>)
      tpu.yield
    }) : () -> ()
    return
  }
}

module attributes {stable_mosaic.version = 14 : i64} {
  func.func @_ln_qkv_body(%arg0: i32, %arg1: memref<256x1024xf32, #tpu.memory_space<vmem>>, %arg2: memref<1x1024xf32, #tpu.memory_space<vmem>>, %arg3: memref<1x1024xf32, #tpu.memory_space<vmem>>, %arg4: memref<1024x3072xbf16, #tpu.memory_space<vmem>>, %arg5: memref<256x3072xbf16, #tpu.memory_space<vmem>>) attributes {dimension_semantics = [#tpu.dimension_semantics<arbitrary>], iteration_bounds = array<i64: 8>, scalar_prefetch = 0 : i64, scratch_operands = 0 : i64, tpu.core_type = #tpu.core_type<tc>, window_params = [{transform_indices = @transform_0, window_bounds = array<i64: 256, 1024>}, {pipeline_mode = #tpu.pipeline_mode<synchronous>, transform_indices = @transform_1, window_bounds = array<i64: 1, 1024>}, {pipeline_mode = #tpu.pipeline_mode<synchronous>, transform_indices = @transform_2, window_bounds = array<i64: 1, 1024>}, {pipeline_mode = #tpu.pipeline_mode<synchronous>, transform_indices = @transform_3, window_bounds = array<i64: 1024, 3072>}, {transform_indices = @transform_4, window_bounds = array<i64: 256, 3072>}]} {
    %get3A = arith.constant 0 : index
    %get3A_0 = arith.constant 0 : index
    %get3A_1 = vector.load %arg1[%get3A, %get3A_0] : memref<256x1024xf32, #tpu.memory_space<vmem>>, vector<256x1024xf32>
    %reduce_sum3A = arith.constant dense<0.000000e+00> : vector<256xf32>
    %reduce_sum3A_2 = vector.multi_reduction <add>, %get3A_1, %reduce_sum3A [1] : vector<256x1024xf32> to vector<256xf32>
    %broadcast_in_dim3A = vector.shape_cast %reduce_sum3A_2 : vector<256xf32> to vector<256x1xf32>
    %div3A = arith.constant 1.024000e+03 : f32
    %div3A_3 = vector.broadcast %div3A : f32 to vector<256x1xf32>
    %div3A_4 = arith.divf %broadcast_in_dim3A, %div3A_3 : vector<256x1xf32>
    %sub3A = vector.broadcast %div3A_4 : vector<256x1xf32> to vector<256x1024xf32>
    %sub3A_5 = arith.subf %get3A_1, %sub3A : vector<256x1024xf32>
    %integer_pow3A = arith.mulf %sub3A_5, %sub3A_5 : vector<256x1024xf32>
    %reduce_sum3A_6 = arith.constant dense<0.000000e+00> : vector<256xf32>
    %reduce_sum3A_7 = vector.multi_reduction <add>, %integer_pow3A, %reduce_sum3A_6 [1] : vector<256x1024xf32> to vector<256xf32>
    %broadcast_in_dim3A_8 = vector.shape_cast %reduce_sum3A_7 : vector<256xf32> to vector<256x1xf32>
    %div3A_9 = arith.constant 1.024000e+03 : f32
    %div3A_10 = vector.broadcast %div3A_9 : f32 to vector<256x1xf32>
    %div3A_11 = arith.divf %broadcast_in_dim3A_8, %div3A_10 : vector<256x1xf32>
    %sub3A_12 = vector.broadcast %div3A_4 : vector<256x1xf32> to vector<256x1024xf32>
    %sub3A_13 = arith.subf %get3A_1, %sub3A_12 : vector<256x1024xf32>
    %add3A = arith.constant 9.99999974E-6 : f32
    %add3A_14 = vector.broadcast %add3A : f32 to vector<256x1xf32>
    %add3A_15 = arith.addf %div3A_11, %add3A_14 : vector<256x1xf32>
    %rsqrt3A = math.rsqrt %add3A_15 : vector<256x1xf32>
    %mul3A = vector.broadcast %rsqrt3A : vector<256x1xf32> to vector<256x1024xf32>
    %mul3A_16 = arith.mulf %sub3A_13, %mul3A : vector<256x1024xf32>
    %get3A_17 = arith.constant 0 : index
    %get3A_18 = arith.constant 0 : index
    %get3A_19 = vector.load %arg2[%get3A_17, %get3A_18] : memref<1x1024xf32, #tpu.memory_space<vmem>>, vector<1x1024xf32>
    %mul3A_20 = vector.broadcast %get3A_19 : vector<1x1024xf32> to vector<256x1024xf32>
    %mul3A_21 = arith.mulf %mul3A_16, %mul3A_20 : vector<256x1024xf32>
    %get3A_22 = arith.constant 0 : index
    %get3A_23 = arith.constant 0 : index
    %get3A_24 = vector.load %arg3[%get3A_22, %get3A_23] : memref<1x1024xf32, #tpu.memory_space<vmem>>, vector<1x1024xf32>
    %add3A_25 = vector.broadcast %get3A_24 : vector<1x1024xf32> to vector<256x1024xf32>
    %add3A_26 = arith.addf %mul3A_21, %add3A_25 : vector<256x1024xf32>
    %convert_element_type3A = arith.truncf %add3A_26 : vector<256x1024xf32> to vector<256x1024xbf16>
    %get3A_27 = arith.constant 0 : index
    %get3A_28 = arith.constant 0 : index
    %get3A_29 = vector.load %arg4[%get3A_27, %get3A_28] : memref<1024x3072xbf16, #tpu.memory_space<vmem>>, vector<1024x3072xbf16>
    %dot_general3A = arith.constant dense<0.000000e+00> : vector<256x3072xf32>
    %dot_general3A_30 = tpu.matmul %convert_element_type3A, %get3A_29, %dot_general3A {dimension_numbers = #tpu.dot_dimension_numbers<[1], [0], [0], [1], [0, 0, 1, 1], [], []>, transpose_lhs_hint = false} : vector<256x1024xbf16>, vector<1024x3072xbf16>, vector<256x3072xf32> -> vector<256x3072xf32>
    %convert_element_type3A_31 = arith.truncf %dot_general3A_30 : vector<256x3072xf32> to vector<256x3072xbf16>
    %swap3A = arith.constant 0 : index
    %swap3A_32 = arith.constant 0 : index
    %swap3A_33 = vector.load %arg5[%swap3A, %swap3A_32] : memref<256x3072xbf16, #tpu.memory_space<vmem>>, vector<256x3072xbf16>
    tpu.vector_store %arg5[%swap3A, %swap3A_32], %convert_element_type3A_31 {strides = array<i32>} : memref<256x3072xbf16, #tpu.memory_space<vmem>>, vector<256x3072xbf16>,
    return
  }
  func.func @transform_0(%arg0: i32) -> (i32, i32) {
    %c0_i32 = arith.constant 0 : i32
    %c0_i32_0 = arith.constant 0 : i32
    return %arg0, %c0_i32 : i32, i32
  }
  func.func @transform_1(%arg0: i32) -> (i32, i32) {
    %c0_i32 = arith.constant 0 : i32
    %c0_i32_0 = arith.constant 0 : i32
    %c0_i32_1 = arith.constant 0 : i32
    return %c0_i32, %c0_i32_0 : i32, i32
  }
  func.func @transform_2(%arg0: i32) -> (i32, i32) {
    %c0_i32 = arith.constant 0 : i32
    %c0_i32_0 = arith.constant 0 : i32
    %c0_i32_1 = arith.constant 0 : i32
    return %c0_i32, %c0_i32_0 : i32, i32
  }
  func.func @transform_3(%arg0: i32) -> (i32, i32) {
    %c0_i32 = arith.constant 0 : i32
    %c0_i32_0 = arith.constant 0 : i32
    %c0_i32_1 = arith.constant 0 : i32
    return %c0_i32, %c0_i32_0 : i32, i32
  }
  func.func @transform_4(%arg0: i32) -> (i32, i32) {
    %c0_i32 = arith.constant 0 : i32
    %c0_i32_0 = arith.constant 0 : i32
    return %arg0, %c0_i32 : i32, i32
  }
}

module attributes {stable_mosaic.version = 14 : i64} {
  func.func @_attn_body(%arg0: i32, %arg1: i32, %arg2: memref<256x512xbf16, #tpu.memory_space<vmem>>, %arg3: memref<2048x512xbf16, #tpu.memory_space<vmem>>, %arg4: memref<2048x512xbf16, #tpu.memory_space<vmem>>, %arg5: memref<256x512xbf16, #tpu.memory_space<vmem>>) attributes {dimension_semantics = [#tpu.dimension_semantics<arbitrary>, #tpu.dimension_semantics<arbitrary>], iteration_bounds = array<i64: 2, 8>, scalar_prefetch = 0 : i64, scratch_operands = 0 : i64, tpu.core_type = #tpu.core_type<tc>, window_params = [{transform_indices = @transform_0, window_bounds = array<i64: 256, 512>}, {transform_indices = @transform_1, window_bounds = array<i64: 2048, 512>}, {transform_indices = @transform_2, window_bounds = array<i64: 2048, 512>}, {transform_indices = @transform_3, window_bounds = array<i64: 256, 512>}]} {
    %get3A = arith.constant 0 : index
    %get3A_0 = arith.constant 0 : index
    %get3A_1 = vector.load %arg2[%get3A, %get3A_0] : memref<256x512xbf16, #tpu.memory_space<vmem>>, vector<256x64xbf16>
    %mul3A = arith.constant 1.250000e-01 : bf16
    %mul3A_2 = vector.broadcast %mul3A : bf16 to vector<256x64xbf16>
    %mul3A_3 = arith.mulf %get3A_1, %mul3A_2 : vector<256x64xbf16>
    %get3A_4 = arith.constant 0 : index
    %get3A_5 = arith.constant 64 : index
    %get3A_6 = vector.load %arg2[%get3A_4, %get3A_5] : memref<256x512xbf16, #tpu.memory_space<vmem>>, vector<256x64xbf16>
    %mul3A_7 = arith.constant 1.250000e-01 : bf16
    %mul3A_8 = vector.broadcast %mul3A_7 : bf16 to vector<256x64xbf16>
    %mul3A_9 = arith.mulf %get3A_6, %mul3A_8 : vector<256x64xbf16>
    %get3A_10 = arith.constant 0 : index
    %get3A_11 = arith.constant 128 : index
    %get3A_12 = vector.load %arg2[%get3A_10, %get3A_11] : memref<256x512xbf16, #tpu.memory_space<vmem>>, vector<256x64xbf16>
    %mul3A_13 = arith.constant 1.250000e-01 : bf16
    %mul3A_14 = vector.broadcast %mul3A_13 : bf16 to vector<256x64xbf16>
    %mul3A_15 = arith.mulf %get3A_12, %mul3A_14 : vector<256x64xbf16>
    %get3A_16 = arith.constant 0 : index
    %get3A_17 = arith.constant 192 : index
    %get3A_18 = vector.load %arg2[%get3A_16, %get3A_17] : memref<256x512xbf16, #tpu.memory_space<vmem>>, vector<256x64xbf16>
    %mul3A_19 = arith.constant 1.250000e-01 : bf16
    %mul3A_20 = vector.broadcast %mul3A_19 : bf16 to vector<256x64xbf16>
    %mul3A_21 = arith.mulf %get3A_18, %mul3A_20 : vector<256x64xbf16>
    %get3A_22 = arith.constant 0 : index
    %get3A_23 = arith.constant 256 : index
    %get3A_24 = vector.load %arg2[%get3A_22, %get3A_23] : memref<256x512xbf16, #tpu.memory_space<vmem>>, vector<256x64xbf16>
    %mul3A_25 = arith.constant 1.250000e-01 : bf16
    %mul3A_26 = vector.broadcast %mul3A_25 : bf16 to vector<256x64xbf16>
    %mul3A_27 = arith.mulf %get3A_24, %mul3A_26 : vector<256x64xbf16>
    %get3A_28 = arith.constant 0 : index
    %get3A_29 = arith.constant 320 : index
    %get3A_30 = vector.load %arg2[%get3A_28, %get3A_29] : memref<256x512xbf16, #tpu.memory_space<vmem>>, vector<256x64xbf16>
    %mul3A_31 = arith.constant 1.250000e-01 : bf16
    %mul3A_32 = vector.broadcast %mul3A_31 : bf16 to vector<256x64xbf16>
    %mul3A_33 = arith.mulf %get3A_30, %mul3A_32 : vector<256x64xbf16>
    %get3A_34 = arith.constant 0 : index
    %get3A_35 = arith.constant 384 : index
    %get3A_36 = vector.load %arg2[%get3A_34, %get3A_35] : memref<256x512xbf16, #tpu.memory_space<vmem>>, vector<256x64xbf16>
    %mul3A_37 = arith.constant 1.250000e-01 : bf16
    %mul3A_38 = vector.broadcast %mul3A_37 : bf16 to vector<256x64xbf16>
    %mul3A_39 = arith.mulf %get3A_36, %mul3A_38 : vector<256x64xbf16>
    %get3A_40 = arith.constant 0 : index
    %get3A_41 = arith.constant 448 : index
    %get3A_42 = vector.load %arg2[%get3A_40, %get3A_41] : memref<256x512xbf16, #tpu.memory_space<vmem>>, vector<256x64xbf16>
    %mul3A_43 = arith.constant 1.250000e-01 : bf16
    %mul3A_44 = vector.broadcast %mul3A_43 : bf16 to vector<256x64xbf16>
    %mul3A_45 = arith.mulf %get3A_42, %mul3A_44 : vector<256x64xbf16>
    %broadcast_in_dim3A = arith.constant 1.000000e+00 : bf16
    %broadcast_in_dim3A_46 = vector.broadcast %broadcast_in_dim3A : bf16 to vector<2048x1xbf16>
    %get3A_47 = arith.constant 0 : index
    %get3A_48 = arith.constant 0 : index
    %get3A_49 = vector.load %arg4[%get3A_47, %get3A_48] : memref<2048x512xbf16, #tpu.memory_space<vmem>>, vector<2048x64xbf16>
    %concatenate3A = tpu.concatenate %get3A_49, %broadcast_in_dim3A_46 in 1 : vector<2048x64xbf16>, vector<2048x1xbf16> -> vector<2048x65xbf16>
    %get3A_50 = arith.constant 0 : index
    %get3A_51 = arith.constant 64 : index
    %get3A_52 = vector.load %arg4[%get3A_50, %get3A_51] : memref<2048x512xbf16, #tpu.memory_space<vmem>>, vector<2048x64xbf16>
    %concatenate3A_53 = tpu.concatenate %get3A_52, %broadcast_in_dim3A_46 in 1 : vector<2048x64xbf16>, vector<2048x1xbf16> -> vector<2048x65xbf16>
    %get3A_54 = arith.constant 0 : index
    %get3A_55 = arith.constant 128 : index
    %get3A_56 = vector.load %arg4[%get3A_54, %get3A_55] : memref<2048x512xbf16, #tpu.memory_space<vmem>>, vector<2048x64xbf16>
    %concatenate3A_57 = tpu.concatenate %get3A_56, %broadcast_in_dim3A_46 in 1 : vector<2048x64xbf16>, vector<2048x1xbf16> -> vector<2048x65xbf16>
    %get3A_58 = arith.constant 0 : index
    %get3A_59 = arith.constant 192 : index
    %get3A_60 = vector.load %arg4[%get3A_58, %get3A_59] : memref<2048x512xbf16, #tpu.memory_space<vmem>>, vector<2048x64xbf16>
    %concatenate3A_61 = tpu.concatenate %get3A_60, %broadcast_in_dim3A_46 in 1 : vector<2048x64xbf16>, vector<2048x1xbf16> -> vector<2048x65xbf16>
    %get3A_62 = arith.constant 0 : index
    %get3A_63 = arith.constant 256 : index
    %get3A_64 = vector.load %arg4[%get3A_62, %get3A_63] : memref<2048x512xbf16, #tpu.memory_space<vmem>>, vector<2048x64xbf16>
    %concatenate3A_65 = tpu.concatenate %get3A_64, %broadcast_in_dim3A_46 in 1 : vector<2048x64xbf16>, vector<2048x1xbf16> -> vector<2048x65xbf16>
    %get3A_66 = arith.constant 0 : index
    %get3A_67 = arith.constant 320 : index
    %get3A_68 = vector.load %arg4[%get3A_66, %get3A_67] : memref<2048x512xbf16, #tpu.memory_space<vmem>>, vector<2048x64xbf16>
    %concatenate3A_69 = tpu.concatenate %get3A_68, %broadcast_in_dim3A_46 in 1 : vector<2048x64xbf16>, vector<2048x1xbf16> -> vector<2048x65xbf16>
    %get3A_70 = arith.constant 0 : index
    %get3A_71 = arith.constant 384 : index
    %get3A_72 = vector.load %arg4[%get3A_70, %get3A_71] : memref<2048x512xbf16, #tpu.memory_space<vmem>>, vector<2048x64xbf16>
    %concatenate3A_73 = tpu.concatenate %get3A_72, %broadcast_in_dim3A_46 in 1 : vector<2048x64xbf16>, vector<2048x1xbf16> -> vector<2048x65xbf16>
    %get3A_74 = arith.constant 0 : index
    %get3A_75 = arith.constant 448 : index
    %get3A_76 = vector.load %arg4[%get3A_74, %get3A_75] : memref<2048x512xbf16, #tpu.memory_space<vmem>>, vector<2048x64xbf16>
    %concatenate3A_77 = tpu.concatenate %get3A_76, %broadcast_in_dim3A_46 in 1 : vector<2048x64xbf16>, vector<2048x1xbf16> -> vector<2048x65xbf16>
    %get3A_78 = arith.constant 0 : index
    %get3A_79 = arith.constant 0 : index
    %get3A_80 = vector.load %arg3[%get3A_78, %get3A_79] : memref<2048x512xbf16, #tpu.memory_space<vmem>>, vector<256x64xbf16>
    %dot_general3A = arith.constant dense<0.000000e+00> : vector<256x256xf32>
    %dot_general3A_81 = tpu.matmul %mul3A_3, %get3A_80, %dot_general3A {dimension_numbers = #tpu.dot_dimension_numbers<[1], [1], [0], [0], [0, 0, 1, 0], [], []>, transpose_lhs_hint = false} : vector<256x64xbf16>, vector<256x64xbf16>, vector<256x256xf32> -> vector<256x256xf32>
    %exp3A = math.exp %dot_general3A_81 : vector<256x256xf32>
    %convert_element_type3A = arith.truncf %exp3A : vector<256x256xf32> to vector<256x256xbf16>
    %slice3A = vector.extract_strided_slice %concatenate3A {offsets = [0, 0], sizes = [256, 65], strides = [1, 1]} : vector<2048x65xbf16> to vector<256x65xbf16>
    %dot_general3A_82 = arith.constant dense<0.000000e+00> : vector<256x65xf32>
    %dot_general3A_83 = tpu.matmul %convert_element_type3A, %slice3A, %dot_general3A_82 {dimension_numbers = #tpu.dot_dimension_numbers<[1], [0], [0], [1], [0, 0, 1, 1], [], []>, transpose_lhs_hint = false} : vector<256x256xbf16>, vector<256x65xbf16>, vector<256x65xf32> -> vector<256x65xf32>
    %get3A_84 = arith.constant 0 : index
    %get3A_85 = arith.constant 64 : index
    %get3A_86 = vector.load %arg3[%get3A_84, %get3A_85] : memref<2048x512xbf16, #tpu.memory_space<vmem>>, vector<256x64xbf16>
    %dot_general3A_87 = arith.constant dense<0.000000e+00> : vector<256x256xf32>
    %dot_general3A_88 = tpu.matmul %mul3A_9, %get3A_86, %dot_general3A_87 {dimension_numbers = #tpu.dot_dimension_numbers<[1], [1], [0], [0], [0, 0, 1, 0], [], []>, transpose_lhs_hint = false} : vector<256x64xbf16>, vector<256x64xbf16>, vector<256x256xf32> -> vector<256x256xf32>
    %exp3A_89 = math.exp %dot_general3A_88 : vector<256x256xf32>
    %convert_element_type3A_90 = arith.truncf %exp3A_89 : vector<256x256xf32> to vector<256x256xbf16>
    %slice3A_91 = vector.extract_strided_slice %concatenate3A_53 {offsets = [0, 0], sizes = [256, 65], strides = [1, 1]} : vector<2048x65xbf16> to vector<256x65xbf16>
    %dot_general3A_92 = arith.constant dense<0.000000e+00> : vector<256x65xf32>
    %dot_general3A_93 = tpu.matmul %convert_element_type3A_90, %slice3A_91, %dot_general3A_92 {dimension_numbers = #tpu.dot_dimension_numbers<[1], [0], [0], [1], [0, 0, 1, 1], [], []>, transpose_lhs_hint = false} : vector<256x256xbf16>, vector<256x65xbf16>, vector<256x65xf32> -> vector<256x65xf32>
    %get3A_94 = arith.constant 0 : index
    %get3A_95 = arith.constant 128 : index
    %get3A_96 = vector.load %arg3[%get3A_94, %get3A_95] : memref<2048x512xbf16, #tpu.memory_space<vmem>>, vector<256x64xbf16>
    %dot_general3A_97 = arith.constant dense<0.000000e+00> : vector<256x256xf32>
    %dot_general3A_98 = tpu.matmul %mul3A_15, %get3A_96, %dot_general3A_97 {dimension_numbers = #tpu.dot_dimension_numbers<[1], [1], [0], [0], [0, 0, 1, 0], [], []>, transpose_lhs_hint = false} : vector<256x64xbf16>, vector<256x64xbf16>, vector<256x256xf32> -> vector<256x256xf32>
    %exp3A_99 = math.exp %dot_general3A_98 : vector<256x256xf32>
    %convert_element_type3A_100 = arith.truncf %exp3A_99 : vector<256x256xf32> to vector<256x256xbf16>
    %slice3A_101 = vector.extract_strided_slice %concatenate3A_57 {offsets = [0, 0], sizes = [256, 65], strides = [1, 1]} : vector<2048x65xbf16> to vector<256x65xbf16>
    %dot_general3A_102 = arith.constant dense<0.000000e+00> : vector<256x65xf32>
    %dot_general3A_103 = tpu.matmul %convert_element_type3A_100, %slice3A_101, %dot_general3A_102 {dimension_numbers = #tpu.dot_dimension_numbers<[1], [0], [0], [1], [0, 0, 1, 1], [], []>, transpose_lhs_hint = false} : vector<256x256xbf16>, vector<256x65xbf16>, vector<256x65xf32> -> vector<256x65xf32>
    %get3A_104 = arith.constant 0 : index
    %get3A_105 = arith.constant 192 : index
    %get3A_106 = vector.load %arg3[%get3A_104, %get3A_105] : memref<2048x512xbf16, #tpu.memory_space<vmem>>, vector<256x64xbf16>
    %dot_general3A_107 = arith.constant dense<0.000000e+00> : vector<256x256xf32>
    %dot_general3A_108 = tpu.matmul %mul3A_21, %get3A_106, %dot_general3A_107 {dimension_numbers = #tpu.dot_dimension_numbers<[1], [1], [0], [0], [0, 0, 1, 0], [], []>, transpose_lhs_hint = false} : vector<256x64xbf16>, vector<256x64xbf16>, vector<256x256xf32> -> vector<256x256xf32>
    %exp3A_109 = math.exp %dot_general3A_108 : vector<256x256xf32>
    %convert_element_type3A_110 = arith.truncf %exp3A_109 : vector<256x256xf32> to vector<256x256xbf16>
    %slice3A_111 = vector.extract_strided_slice %concatenate3A_61 {offsets = [0, 0], sizes = [256, 65], strides = [1, 1]} : vector<2048x65xbf16> to vector<256x65xbf16>
    %dot_general3A_112 = arith.constant dense<0.000000e+00> : vector<256x65xf32>
    %dot_general3A_113 = tpu.matmul %convert_element_type3A_110, %slice3A_111, %dot_general3A_112 {dimension_numbers = #tpu.dot_dimension_numbers<[1], [0], [0], [1], [0, 0, 1, 1], [], []>, transpose_lhs_hint = false} : vector<256x256xbf16>, vector<256x65xbf16>, vector<256x65xf32> -> vector<256x65xf32>
    %get3A_114 = arith.constant 0 : index
    %get3A_115 = arith.constant 256 : index
    %get3A_116 = vector.load %arg3[%get3A_114, %get3A_115] : memref<2048x512xbf16, #tpu.memory_space<vmem>>, vector<256x64xbf16>
    %dot_general3A_117 = arith.constant dense<0.000000e+00> : vector<256x256xf32>
    %dot_general3A_118 = tpu.matmul %mul3A_27, %get3A_116, %dot_general3A_117 {dimension_numbers = #tpu.dot_dimension_numbers<[1], [1], [0], [0], [0, 0, 1, 0], [], []>, transpose_lhs_hint = false} : vector<256x64xbf16>, vector<256x64xbf16>, vector<256x256xf32> -> vector<256x256xf32>
    %exp3A_119 = math.exp %dot_general3A_118 : vector<256x256xf32>
    %convert_element_type3A_120 = arith.truncf %exp3A_119 : vector<256x256xf32> to vector<256x256xbf16>
    %slice3A_121 = vector.extract_strided_slice %concatenate3A_65 {offsets = [0, 0], sizes = [256, 65], strides = [1, 1]} : vector<2048x65xbf16> to vector<256x65xbf16>
    %dot_general3A_122 = arith.constant dense<0.000000e+00> : vector<256x65xf32>
    %dot_general3A_123 = tpu.matmul %convert_element_type3A_120, %slice3A_121, %dot_general3A_122 {dimension_numbers = #tpu.dot_dimension_numbers<[1], [0], [0], [1], [0, 0, 1, 1], [], []>, transpose_lhs_hint = false} : vector<256x256xbf16>, vector<256x65xbf16>, vector<256x65xf32> -> vector<256x65xf32>
    %get3A_124 = arith.constant 0 : index
    %get3A_125 = arith.constant 320 : index
    %get3A_126 = vector.load %arg3[%get3A_124, %get3A_125] : memref<2048x512xbf16, #tpu.memory_space<vmem>>, vector<256x64xbf16>
    %dot_general3A_127 = arith.constant dense<0.000000e+00> : vector<256x256xf32>
    %dot_general3A_128 = tpu.matmul %mul3A_33, %get3A_126, %dot_general3A_127 {dimension_numbers = #tpu.dot_dimension_numbers<[1], [1], [0], [0], [0, 0, 1, 0], [], []>, transpose_lhs_hint = false} : vector<256x64xbf16>, vector<256x64xbf16>, vector<256x256xf32> -> vector<256x256xf32>
    %exp3A_129 = math.exp %dot_general3A_128 : vector<256x256xf32>
    %convert_element_type3A_130 = arith.truncf %exp3A_129 : vector<256x256xf32> to vector<256x256xbf16>
    %slice3A_131 = vector.extract_strided_slice %concatenate3A_69 {offsets = [0, 0], sizes = [256, 65], strides = [1, 1]} : vector<2048x65xbf16> to vector<256x65xbf16>
    %dot_general3A_132 = arith.constant dense<0.000000e+00> : vector<256x65xf32>
    %dot_general3A_133 = tpu.matmul %convert_element_type3A_130, %slice3A_131, %dot_general3A_132 {dimension_numbers = #tpu.dot_dimension_numbers<[1], [0], [0], [1], [0, 0, 1, 1], [], []>, transpose_lhs_hint = false} : vector<256x256xbf16>, vector<256x65xbf16>, vector<256x65xf32> -> vector<256x65xf32>
    %get3A_134 = arith.constant 0 : index
    %get3A_135 = arith.constant 384 : index
    %get3A_136 = vector.load %arg3[%get3A_134, %get3A_135] : memref<2048x512xbf16, #tpu.memory_space<vmem>>, vector<256x64xbf16>
    %dot_general3A_137 = arith.constant dense<0.000000e+00> : vector<256x256xf32>
    %dot_general3A_138 = tpu.matmul %mul3A_39, %get3A_136, %dot_general3A_137 {dimension_numbers = #tpu.dot_dimension_numbers<[1], [1], [0], [0], [0, 0, 1, 0], [], []>, transpose_lhs_hint = false} : vector<256x64xbf16>, vector<256x64xbf16>, vector<256x256xf32> -> vector<256x256xf32>
    %exp3A_139 = math.exp %dot_general3A_138 : vector<256x256xf32>
    %convert_element_type3A_140 = arith.truncf %exp3A_139 : vector<256x256xf32> to vector<256x256xbf16>
    %slice3A_141 = vector.extract_strided_slice %concatenate3A_73 {offsets = [0, 0], sizes = [256, 65], strides = [1, 1]} : vector<2048x65xbf16> to vector<256x65xbf16>
    %dot_general3A_142 = arith.constant dense<0.000000e+00> : vector<256x65xf32>
    %dot_general3A_143 = tpu.matmul %convert_element_type3A_140, %slice3A_141, %dot_general3A_142 {dimension_numbers = #tpu.dot_dimension_numbers<[1], [0], [0], [1], [0, 0, 1, 1], [], []>, transpose_lhs_hint = false} : vector<256x256xbf16>, vector<256x65xbf16>, vector<256x65xf32> -> vector<256x65xf32>
    %get3A_144 = arith.constant 0 : index
    %get3A_145 = arith.constant 448 : index
    %get3A_146 = vector.load %arg3[%get3A_144, %get3A_145] : memref<2048x512xbf16, #tpu.memory_space<vmem>>, vector<256x64xbf16>
    %dot_general3A_147 = arith.constant dense<0.000000e+00> : vector<256x256xf32>
    %dot_general3A_148 = tpu.matmul %mul3A_45, %get3A_146, %dot_general3A_147 {dimension_numbers = #tpu.dot_dimension_numbers<[1], [1], [0], [0], [0, 0, 1, 0], [], []>, transpose_lhs_hint = false} : vector<256x64xbf16>, vector<256x64xbf16>, vector<256x256xf32> -> vector<256x256xf32>
    %exp3A_149 = math.exp %dot_general3A_148 : vector<256x256xf32>
    %convert_element_type3A_150 = arith.truncf %exp3A_149 : vector<256x256xf32> to vector<256x256xbf16>
    %slice3A_151 = vector.extract_strided_slice %concatenate3A_77 {offsets = [0, 0], sizes = [256, 65], strides = [1, 1]} : vector<2048x65xbf16> to vector<256x65xbf16>
    %dot_general3A_152 = arith.constant dense<0.000000e+00> : vector<256x65xf32>
    %dot_general3A_153 = tpu.matmul %convert_element_type3A_150, %slice3A_151, %dot_general3A_152 {dimension_numbers = #tpu.dot_dimension_numbers<[1], [0], [0], [1], [0, 0, 1, 1], [], []>, transpose_lhs_hint = false} : vector<256x256xbf16>, vector<256x65xbf16>, vector<256x65xf32> -> vector<256x65xf32>
    %get3A_154 = arith.constant 256 : index
    %get3A_155 = arith.constant 0 : index
    %get3A_156 = vector.load %arg3[%get3A_154, %get3A_155] : memref<2048x512xbf16, #tpu.memory_space<vmem>>, vector<256x64xbf16>
    %dot_general3A_157 = arith.constant dense<0.000000e+00> : vector<256x256xf32>
    %dot_general3A_158 = tpu.matmul %mul3A_3, %get3A_156, %dot_general3A_157 {dimension_numbers = #tpu.dot_dimension_numbers<[1], [1], [0], [0], [0, 0, 1, 0], [], []>, transpose_lhs_hint = false} : vector<256x64xbf16>, vector<256x64xbf16>, vector<256x256xf32> -> vector<256x256xf32>
    %exp3A_159 = math.exp %dot_general3A_158 : vector<256x256xf32>
    %convert_element_type3A_160 = arith.truncf %exp3A_159 : vector<256x256xf32> to vector<256x256xbf16>
    %slice3A_161 = vector.extract_strided_slice %concatenate3A {offsets = [256, 0], sizes = [256, 65], strides = [1, 1]} : vector<2048x65xbf16> to vector<256x65xbf16>
    %dot_general3A_162 = arith.constant dense<0.000000e+00> : vector<256x65xf32>
    %dot_general3A_163 = tpu.matmul %convert_element_type3A_160, %slice3A_161, %dot_general3A_162 {dimension_numbers = #tpu.dot_dimension_numbers<[1], [0], [0], [1], [0, 0, 1, 1], [], []>, transpose_lhs_hint = false} : vector<256x256xbf16>, vector<256x65xbf16>, vector<256x65xf32> -> vector<256x65xf32>
    %add3A = arith.addf %dot_general3A_83, %dot_general3A_163 : vector<256x65xf32>
    %get3A_164 = arith.constant 256 : index
    %get3A_165 = arith.constant 64 : index
    %get3A_166 = vector.load %arg3[%get3A_164, %get3A_165] : memref<2048x512xbf16, #tpu.memory_space<vmem>>, vector<256x64xbf16>
    %dot_general3A_167 = arith.constant dense<0.000000e+00> : vector<256x256xf32>
    %dot_general3A_168 = tpu.matmul %mul3A_9, %get3A_166, %dot_general3A_167 {dimension_numbers = #tpu.dot_dimension_numbers<[1], [1], [0], [0], [0, 0, 1, 0], [], []>, transpose_lhs_hint = false} : vector<256x64xbf16>, vector<256x64xbf16>, vector<256x256xf32> -> vector<256x256xf32>
    %exp3A_169 = math.exp %dot_general3A_168 : vector<256x256xf32>
    %convert_element_type3A_170 = arith.truncf %exp3A_169 : vector<256x256xf32> to vector<256x256xbf16>
    %slice3A_171 = vector.extract_strided_slice %concatenate3A_53 {offsets = [256, 0], sizes = [256, 65], strides = [1, 1]} : vector<2048x65xbf16> to vector<256x65xbf16>
    %dot_general3A_172 = arith.constant dense<0.000000e+00> : vector<256x65xf32>
    %dot_general3A_173 = tpu.matmul %convert_element_type3A_170, %slice3A_171, %dot_general3A_172 {dimension_numbers = #tpu.dot_dimension_numbers<[1], [0], [0], [1], [0, 0, 1, 1], [], []>, transpose_lhs_hint = false} : vector<256x256xbf16>, vector<256x65xbf16>, vector<256x65xf32> -> vector<256x65xf32>
    %add3A_174 = arith.addf %dot_general3A_93, %dot_general3A_173 : vector<256x65xf32>
    %get3A_175 = arith.constant 256 : index
    %get3A_176 = arith.constant 128 : index
    %get3A_177 = vector.load %arg3[%get3A_175, %get3A_176] : memref<2048x512xbf16, #tpu.memory_space<vmem>>, vector<256x64xbf16>
    %dot_general3A_178 = arith.constant dense<0.000000e+00> : vector<256x256xf32>
    %dot_general3A_179 = tpu.matmul %mul3A_15, %get3A_177, %dot_general3A_178 {dimension_numbers = #tpu.dot_dimension_numbers<[1], [1], [0], [0], [0, 0, 1, 0], [], []>, transpose_lhs_hint = false} : vector<256x64xbf16>, vector<256x64xbf16>, vector<256x256xf32> -> vector<256x256xf32>
    %exp3A_180 = math.exp %dot_general3A_179 : vector<256x256xf32>
    %convert_element_type3A_181 = arith.truncf %exp3A_180 : vector<256x256xf32> to vector<256x256xbf16>
    %slice3A_182 = vector.extract_strided_slice %concatenate3A_57 {offsets = [256, 0], sizes = [256, 65], strides = [1, 1]} : vector<2048x65xbf16> to vector<256x65xbf16>
    %dot_general3A_183 = arith.constant dense<0.000000e+00> : vector<256x65xf32>
    %dot_general3A_184 = tpu.matmul %convert_element_type3A_181, %slice3A_182, %dot_general3A_183 {dimension_numbers = #tpu.dot_dimension_numbers<[1], [0], [0], [1], [0, 0, 1, 1], [], []>, transpose_lhs_hint = false} : vector<256x256xbf16>, vector<256x65xbf16>, vector<256x65xf32> -> vector<256x65xf32>
    %add3A_185 = arith.addf %dot_general3A_103, %dot_general3A_184 : vector<256x65xf32>
    %get3A_186 = arith.constant 256 : index
    %get3A_187 = arith.constant 192 : index
    %get3A_188 = vector.load %arg3[%get3A_186, %get3A_187] : memref<2048x512xbf16, #tpu.memory_space<vmem>>, vector<256x64xbf16>
    %dot_general3A_189 = arith.constant dense<0.000000e+00> : vector<256x256xf32>
    %dot_general3A_190 = tpu.matmul %mul3A_21, %get3A_188, %dot_general3A_189 {dimension_numbers = #tpu.dot_dimension_numbers<[1], [1], [0], [0], [0, 0, 1, 0], [], []>, transpose_lhs_hint = false} : vector<256x64xbf16>, vector<256x64xbf16>, vector<256x256xf32> -> vector<256x256xf32>
    %exp3A_191 = math.exp %dot_general3A_190 : vector<256x256xf32>
    %convert_element_type3A_192 = arith.truncf %exp3A_191 : vector<256x256xf32> to vector<256x256xbf16>
    %slice3A_193 = vector.extract_strided_slice %concatenate3A_61 {offsets = [256, 0], sizes = [256, 65], strides = [1, 1]} : vector<2048x65xbf16> to vector<256x65xbf16>
    %dot_general3A_194 = arith.constant dense<0.000000e+00> : vector<256x65xf32>
    %dot_general3A_195 = tpu.matmul %convert_element_type3A_192, %slice3A_193, %dot_general3A_194 {dimension_numbers = #tpu.dot_dimension_numbers<[1], [0], [0], [1], [0, 0, 1, 1], [], []>, transpose_lhs_hint = false} : vector<256x256xbf16>, vector<256x65xbf16>, vector<256x65xf32> -> vector<256x65xf32>
    %add3A_196 = arith.addf %dot_general3A_113, %dot_general3A_195 : vector<256x65xf32>
    %get3A_197 = arith.constant 256 : index
    %get3A_198 = arith.constant 256 : index
    %get3A_199 = vector.load %arg3[%get3A_197, %get3A_198] : memref<2048x512xbf16, #tpu.memory_space<vmem>>, vector<256x64xbf16>
    %dot_general3A_200 = arith.constant dense<0.000000e+00> : vector<256x256xf32>
    %dot_general3A_201 = tpu.matmul %mul3A_27, %get3A_199, %dot_general3A_200 {dimension_numbers = #tpu.dot_dimension_numbers<[1], [1], [0], [0], [0, 0, 1, 0], [], []>, transpose_lhs_hint = false} : vector<256x64xbf16>, vector<256x64xbf16>, vector<256x256xf32> -> vector<256x256xf32>
    %exp3A_202 = math.exp %dot_general3A_201 : vector<256x256xf32>
    %convert_element_type3A_203 = arith.truncf %exp3A_202 : vector<256x256xf32> to vector<256x256xbf16>
    %slice3A_204 = vector.extract_strided_slice %concatenate3A_65 {offsets = [256, 0], sizes = [256, 65], strides = [1, 1]} : vector<2048x65xbf16> to vector<256x65xbf16>
    %dot_general3A_205 = arith.constant dense<0.000000e+00> : vector<256x65xf32>
    %dot_general3A_206 = tpu.matmul %convert_element_type3A_203, %slice3A_204, %dot_general3A_205 {dimension_numbers = #tpu.dot_dimension_numbers<[1], [0], [0], [1], [0, 0, 1, 1], [], []>, transpose_lhs_hint = false} : vector<256x256xbf16>, vector<256x65xbf16>, vector<256x65xf32> -> vector<256x65xf32>
    %add3A_207 = arith.addf %dot_general3A_123, %dot_general3A_206 : vector<256x65xf32>
    %get3A_208 = arith.constant 256 : index
    %get3A_209 = arith.constant 320 : index
    %get3A_210 = vector.load %arg3[%get3A_208, %get3A_209] : memref<2048x512xbf16, #tpu.memory_space<vmem>>, vector<256x64xbf16>
    %dot_general3A_211 = arith.constant dense<0.000000e+00> : vector<256x256xf32>
    %dot_general3A_212 = tpu.matmul %mul3A_33, %get3A_210, %dot_general3A_211 {dimension_numbers = #tpu.dot_dimension_numbers<[1], [1], [0], [0], [0, 0, 1, 0], [], []>, transpose_lhs_hint = false} : vector<256x64xbf16>, vector<256x64xbf16>, vector<256x256xf32> -> vector<256x256xf32>
    %exp3A_213 = math.exp %dot_general3A_212 : vector<256x256xf32>
    %convert_element_type3A_214 = arith.truncf %exp3A_213 : vector<256x256xf32> to vector<256x256xbf16>
    %slice3A_215 = vector.extract_strided_slice %concatenate3A_69 {offsets = [256, 0], sizes = [256, 65], strides = [1, 1]} : vector<2048x65xbf16> to vector<256x65xbf16>
    %dot_general3A_216 = arith.constant dense<0.000000e+00> : vector<256x65xf32>
    %dot_general3A_217 = tpu.matmul %convert_element_type3A_214, %slice3A_215, %dot_general3A_216 {dimension_numbers = #tpu.dot_dimension_numbers<[1], [0], [0], [1], [0, 0, 1, 1], [], []>, transpose_lhs_hint = false} : vector<256x256xbf16>, vector<256x65xbf16>, vector<256x65xf32> -> vector<256x65xf32>
    %add3A_218 = arith.addf %dot_general3A_133, %dot_general3A_217 : vector<256x65xf32>
    %get3A_219 = arith.constant 256 : index
    %get3A_220 = arith.constant 384 : index
    %get3A_221 = vector.load %arg3[%get3A_219, %get3A_220] : memref<2048x512xbf16, #tpu.memory_space<vmem>>, vector<256x64xbf16>
    %dot_general3A_222 = arith.constant dense<0.000000e+00> : vector<256x256xf32>
    %dot_general3A_223 = tpu.matmul %mul3A_39, %get3A_221, %dot_general3A_222 {dimension_numbers = #tpu.dot_dimension_numbers<[1], [1], [0], [0], [0, 0, 1, 0], [], []>, transpose_lhs_hint = false} : vector<256x64xbf16>, vector<256x64xbf16>, vector<256x256xf32> -> vector<256x256xf32>
    %exp3A_224 = math.exp %dot_general3A_223 : vector<256x256xf32>
    %convert_element_type3A_225 = arith.truncf %exp3A_224 : vector<256x256xf32> to vector<256x256xbf16>
    %slice3A_226 = vector.extract_strided_slice %concatenate3A_73 {offsets = [256, 0], sizes = [256, 65], strides = [1, 1]} : vector<2048x65xbf16> to vector<256x65xbf16>
    %dot_general3A_227 = arith.constant dense<0.000000e+00> : vector<256x65xf32>
    %dot_general3A_228 = tpu.matmul %convert_element_type3A_225, %slice3A_226, %dot_general3A_227 {dimension_numbers = #tpu.dot_dimension_numbers<[1], [0], [0], [1], [0, 0, 1, 1], [], []>, transpose_lhs_hint = false} : vector<256x256xbf16>, vector<256x65xbf16>, vector<256x65xf32> -> vector<256x65xf32>
    %add3A_229 = arith.addf %dot_general3A_143, %dot_general3A_228 : vector<256x65xf32>
    %get3A_230 = arith.constant 256 : index
    %get3A_231 = arith.constant 448 : index
    %get3A_232 = vector.load %arg3[%get3A_230, %get3A_231] : memref<2048x512xbf16, #tpu.memory_space<vmem>>, vector<256x64xbf16>
    %dot_general3A_233 = arith.constant dense<0.000000e+00> : vector<256x256xf32>
    %dot_general3A_234 = tpu.matmul %mul3A_45, %get3A_232, %dot_general3A_233 {dimension_numbers = #tpu.dot_dimension_numbers<[1], [1], [0], [0], [0, 0, 1, 0], [], []>, transpose_lhs_hint = false} : vector<256x64xbf16>, vector<256x64xbf16>, vector<256x256xf32> -> vector<256x256xf32>
    %exp3A_235 = math.exp %dot_general3A_234 : vector<256x256xf32>
    %convert_element_type3A_236 = arith.truncf %exp3A_235 : vector<256x256xf32> to vector<256x256xbf16>
    %slice3A_237 = vector.extract_strided_slice %concatenate3A_77 {offsets = [256, 0], sizes = [256, 65], strides = [1, 1]} : vector<2048x65xbf16> to vector<256x65xbf16>
    %dot_general3A_238 = arith.constant dense<0.000000e+00> : vector<256x65xf32>
    %dot_general3A_239 = tpu.matmul %convert_element_type3A_236, %slice3A_237, %dot_general3A_238 {dimension_numbers = #tpu.dot_dimension_numbers<[1], [0], [0], [1], [0, 0, 1, 1], [], []>, transpose_lhs_hint = false} : vector<256x256xbf16>, vector<256x65xbf16>, vector<256x65xf32> -> vector<256x65xf32>
    %add3A_240 = arith.addf %dot_general3A_153, %dot_general3A_239 : vector<256x65xf32>
    %get3A_241 = arith.constant 512 : index
    %get3A_242 = arith.constant 0 : index
    %get3A_243 = vector.load %arg3[%get3A_241, %get3A_242] : memref<2048x512xbf16, #tpu.memory_space<vmem>>, vector<256x64xbf16>
    %dot_general3A_244 = arith.constant dense<0.000000e+00> : vector<256x256xf32>
    %dot_general3A_245 = tpu.matmul %mul3A_3, %get3A_243, %dot_general3A_244 {dimension_numbers = #tpu.dot_dimension_numbers<[1], [1], [0], [0], [0, 0, 1, 0], [], []>, transpose_lhs_hint = false} : vector<256x64xbf16>, vector<256x64xbf16>, vector<256x256xf32> -> vector<256x256xf32>
    %exp3A_246 = math.exp %dot_general3A_245 : vector<256x256xf32>
    %convert_element_type3A_247 = arith.truncf %exp3A_246 : vector<256x256xf32> to vector<256x256xbf16>
    %slice3A_248 = vector.extract_strided_slice %concatenate3A {offsets = [512, 0], sizes = [256, 65], strides = [1, 1]} : vector<2048x65xbf16> to vector<256x65xbf16>
    %dot_general3A_249 = arith.constant dense<0.000000e+00> : vector<256x65xf32>
    %dot_general3A_250 = tpu.matmul %convert_element_type3A_247, %slice3A_248, %dot_general3A_249 {dimension_numbers = #tpu.dot_dimension_numbers<[1], [0], [0], [1], [0, 0, 1, 1], [], []>, transpose_lhs_hint = false} : vector<256x256xbf16>, vector<256x65xbf16>, vector<256x65xf32> -> vector<256x65xf32>
    %add3A_251 = arith.addf %add3A, %dot_general3A_250 : vector<256x65xf32>
    %get3A_252 = arith.constant 512 : index
    %get3A_253 = arith.constant 64 : index
    %get3A_254 = vector.load %arg3[%get3A_252, %get3A_253] : memref<2048x512xbf16, #tpu.memory_space<vmem>>, vector<256x64xbf16>
    %dot_general3A_255 = arith.constant dense<0.000000e+00> : vector<256x256xf32>
    %dot_general3A_256 = tpu.matmul %mul3A_9, %get3A_254, %dot_general3A_255 {dimension_numbers = #tpu.dot_dimension_numbers<[1], [1], [0], [0], [0, 0, 1, 0], [], []>, transpose_lhs_hint = false} : vector<256x64xbf16>, vector<256x64xbf16>, vector<256x256xf32> -> vector<256x256xf32>
    %exp3A_257 = math.exp %dot_general3A_256 : vector<256x256xf32>
    %convert_element_type3A_258 = arith.truncf %exp3A_257 : vector<256x256xf32> to vector<256x256xbf16>
    %slice3A_259 = vector.extract_strided_slice %concatenate3A_53 {offsets = [512, 0], sizes = [256, 65], strides = [1, 1]} : vector<2048x65xbf16> to vector<256x65xbf16>
    %dot_general3A_260 = arith.constant dense<0.000000e+00> : vector<256x65xf32>
    %dot_general3A_261 = tpu.matmul %convert_element_type3A_258, %slice3A_259, %dot_general3A_260 {dimension_numbers = #tpu.dot_dimension_numbers<[1], [0], [0], [1], [0, 0, 1, 1], [], []>, transpose_lhs_hint = false} : vector<256x256xbf16>, vector<256x65xbf16>, vector<256x65xf32> -> vector<256x65xf32>
    %add3A_262 = arith.addf %add3A_174, %dot_general3A_261 : vector<256x65xf32>
    %get3A_263 = arith.constant 512 : index
    %get3A_264 = arith.constant 128 : index
    %get3A_265 = vector.load %arg3[%get3A_263, %get3A_264] : memref<2048x512xbf16, #tpu.memory_space<vmem>>, vector<256x64xbf16>
    %dot_general3A_266 = arith.constant dense<0.000000e+00> : vector<256x256xf32>
    %dot_general3A_267 = tpu.matmul %mul3A_15, %get3A_265, %dot_general3A_266 {dimension_numbers = #tpu.dot_dimension_numbers<[1], [1], [0], [0], [0, 0, 1, 0], [], []>, transpose_lhs_hint = false} : vector<256x64xbf16>, vector<256x64xbf16>, vector<256x256xf32> -> vector<256x256xf32>
    %exp3A_268 = math.exp %dot_general3A_267 : vector<256x256xf32>
    %convert_element_type3A_269 = arith.truncf %exp3A_268 : vector<256x256xf32> to vector<256x256xbf16>
    %slice3A_270 = vector.extract_strided_slice %concatenate3A_57 {offsets = [512, 0], sizes = [256, 65], strides = [1, 1]} : vector<2048x65xbf16> to vector<256x65xbf16>
    %dot_general3A_271 = arith.constant dense<0.000000e+00> : vector<256x65xf32>
    %dot_general3A_272 = tpu.matmul %convert_element_type3A_269, %slice3A_270, %dot_general3A_271 {dimension_numbers = #tpu.dot_dimension_numbers<[1], [0], [0], [1], [0, 0, 1, 1], [], []>, transpose_lhs_hint = false} : vector<256x256xbf16>, vector<256x65xbf16>, vector<256x65xf32> -> vector<256x65xf32>
    %add3A_273 = arith.addf %add3A_185, %dot_general3A_272 : vector<256x65xf32>
    %get3A_274 = arith.constant 512 : index
    %get3A_275 = arith.constant 192 : index
    %get3A_276 = vector.load %arg3[%get3A_274, %get3A_275] : memref<2048x512xbf16, #tpu.memory_space<vmem>>, vector<256x64xbf16>
    %dot_general3A_277 = arith.constant dense<0.000000e+00> : vector<256x256xf32>
    %dot_general3A_278 = tpu.matmul %mul3A_21, %get3A_276, %dot_general3A_277 {dimension_numbers = #tpu.dot_dimension_numbers<[1], [1], [0], [0], [0, 0, 1, 0], [], []>, transpose_lhs_hint = false} : vector<256x64xbf16>, vector<256x64xbf16>, vector<256x256xf32> -> vector<256x256xf32>
    %exp3A_279 = math.exp %dot_general3A_278 : vector<256x256xf32>
    %convert_element_type3A_280 = arith.truncf %exp3A_279 : vector<256x256xf32> to vector<256x256xbf16>
    %slice3A_281 = vector.extract_strided_slice %concatenate3A_61 {offsets = [512, 0], sizes = [256, 65], strides = [1, 1]} : vector<2048x65xbf16> to vector<256x65xbf16>
    %dot_general3A_282 = arith.constant dense<0.000000e+00> : vector<256x65xf32>
    %dot_general3A_283 = tpu.matmul %convert_element_type3A_280, %slice3A_281, %dot_general3A_282 {dimension_numbers = #tpu.dot_dimension_numbers<[1], [0], [0], [1], [0, 0, 1, 1], [], []>, transpose_lhs_hint = false} : vector<256x256xbf16>, vector<256x65xbf16>, vector<256x65xf32> -> vector<256x65xf32>
    %add3A_284 = arith.addf %add3A_196, %dot_general3A_283 : vector<256x65xf32>
    %get3A_285 = arith.constant 512 : index
    %get3A_286 = arith.constant 256 : index
    %get3A_287 = vector.load %arg3[%get3A_285, %get3A_286] : memref<2048x512xbf16, #tpu.memory_space<vmem>>, vector<256x64xbf16>
    %dot_general3A_288 = arith.constant dense<0.000000e+00> : vector<256x256xf32>
    %dot_general3A_289 = tpu.matmul %mul3A_27, %get3A_287, %dot_general3A_288 {dimension_numbers = #tpu.dot_dimension_numbers<[1], [1], [0], [0], [0, 0, 1, 0], [], []>, transpose_lhs_hint = false} : vector<256x64xbf16>, vector<256x64xbf16>, vector<256x256xf32> -> vector<256x256xf32>
    %exp3A_290 = math.exp %dot_general3A_289 : vector<256x256xf32>
    %convert_element_type3A_291 = arith.truncf %exp3A_290 : vector<256x256xf32> to vector<256x256xbf16>
    %slice3A_292 = vector.extract_strided_slice %concatenate3A_65 {offsets = [512, 0], sizes = [256, 65], strides = [1, 1]} : vector<2048x65xbf16> to vector<256x65xbf16>
    %dot_general3A_293 = arith.constant dense<0.000000e+00> : vector<256x65xf32>
    %dot_general3A_294 = tpu.matmul %convert_element_type3A_291, %slice3A_292, %dot_general3A_293 {dimension_numbers = #tpu.dot_dimension_numbers<[1], [0], [0], [1], [0, 0, 1, 1], [], []>, transpose_lhs_hint = false} : vector<256x256xbf16>, vector<256x65xbf16>, vector<256x65xf32> -> vector<256x65xf32>
    %add3A_295 = arith.addf %add3A_207, %dot_general3A_294 : vector<256x65xf32>
    %get3A_296 = arith.constant 512 : index
    %get3A_297 = arith.constant 320 : index
    %get3A_298 = vector.load %arg3[%get3A_296, %get3A_297] : memref<2048x512xbf16, #tpu.memory_space<vmem>>, vector<256x64xbf16>
    %dot_general3A_299 = arith.constant dense<0.000000e+00> : vector<256x256xf32>
    %dot_general3A_300 = tpu.matmul %mul3A_33, %get3A_298, %dot_general3A_299 {dimension_numbers = #tpu.dot_dimension_numbers<[1], [1], [0], [0], [0, 0, 1, 0], [], []>, transpose_lhs_hint = false} : vector<256x64xbf16>, vector<256x64xbf16>, vector<256x256xf32> -> vector<256x256xf32>
    %exp3A_301 = math.exp %dot_general3A_300 : vector<256x256xf32>
    %convert_element_type3A_302 = arith.truncf %exp3A_301 : vector<256x256xf32> to vector<256x256xbf16>
    %slice3A_303 = vector.extract_strided_slice %concatenate3A_69 {offsets = [512, 0], sizes = [256, 65], strides = [1, 1]} : vector<2048x65xbf16> to vector<256x65xbf16>
    %dot_general3A_304 = arith.constant dense<0.000000e+00> : vector<256x65xf32>
    %dot_general3A_305 = tpu.matmul %convert_element_type3A_302, %slice3A_303, %dot_general3A_304 {dimension_numbers = #tpu.dot_dimension_numbers<[1], [0], [0], [1], [0, 0, 1, 1], [], []>, transpose_lhs_hint = false} : vector<256x256xbf16>, vector<256x65xbf16>, vector<256x65xf32> -> vector<256x65xf32>
    %add3A_306 = arith.addf %add3A_218, %dot_general3A_305 : vector<256x65xf32>
    %get3A_307 = arith.constant 512 : index
    %get3A_308 = arith.constant 384 : index
    %get3A_309 = vector.load %arg3[%get3A_307, %get3A_308] : memref<2048x512xbf16, #tpu.memory_space<vmem>>, vector<256x64xbf16>
    %dot_general3A_310 = arith.constant dense<0.000000e+00> : vector<256x256xf32>
    %dot_general3A_311 = tpu.matmul %mul3A_39, %get3A_309, %dot_general3A_310 {dimension_numbers = #tpu.dot_dimension_numbers<[1], [1], [0], [0], [0, 0, 1, 0], [], []>, transpose_lhs_hint = false} : vector<256x64xbf16>, vector<256x64xbf16>, vector<256x256xf32> -> vector<256x256xf32>
    %exp3A_312 = math.exp %dot_general3A_311 : vector<256x256xf32>
    %convert_element_type3A_313 = arith.truncf %exp3A_312 : vector<256x256xf32> to vector<256x256xbf16>
    %slice3A_314 = vector.extract_strided_slice %concatenate3A_73 {offsets = [512, 0], sizes = [256, 65], strides = [1, 1]} : vector<2048x65xbf16> to vector<256x65xbf16>
    %dot_general3A_315 = arith.constant dense<0.000000e+00> : vector<256x65xf32>
    %dot_general3A_316 = tpu.matmul %convert_element_type3A_313, %slice3A_314, %dot_general3A_315 {dimension_numbers = #tpu.dot_dimension_numbers<[1], [0], [0], [1], [0, 0, 1, 1], [], []>, transpose_lhs_hint = false} : vector<256x256xbf16>, vector<256x65xbf16>, vector<256x65xf32> -> vector<256x65xf32>
    %add3A_317 = arith.addf %add3A_229, %dot_general3A_316 : vector<256x65xf32>
    %get3A_318 = arith.constant 512 : index
    %get3A_319 = arith.constant 448 : index
    %get3A_320 = vector.load %arg3[%get3A_318, %get3A_319] : memref<2048x512xbf16, #tpu.memory_space<vmem>>, vector<256x64xbf16>
    %dot_general3A_321 = arith.constant dense<0.000000e+00> : vector<256x256xf32>
    %dot_general3A_322 = tpu.matmul %mul3A_45, %get3A_320, %dot_general3A_321 {dimension_numbers = #tpu.dot_dimension_numbers<[1], [1], [0], [0], [0, 0, 1, 0], [], []>, transpose_lhs_hint = false} : vector<256x64xbf16>, vector<256x64xbf16>, vector<256x256xf32> -> vector<256x256xf32>
    %exp3A_323 = math.exp %dot_general3A_322 : vector<256x256xf32>
    %convert_element_type3A_324 = arith.truncf %exp3A_323 : vector<256x256xf32> to vector<256x256xbf16>
    %slice3A_325 = vector.extract_strided_slice %concatenate3A_77 {offsets = [512, 0], sizes = [256, 65], strides = [1, 1]} : vector<2048x65xbf16> to vector<256x65xbf16>
    %dot_general3A_326 = arith.constant dense<0.000000e+00> : vector<256x65xf32>
    %dot_general3A_327 = tpu.matmul %convert_element_type3A_324, %slice3A_325, %dot_general3A_326 {dimension_numbers = #tpu.dot_dimension_numbers<[1], [0], [0], [1], [0, 0, 1, 1], [], []>, transpose_lhs_hint = false} : vector<256x256xbf16>, vector<256x65xbf16>, vector<256x65xf32> -> vector<256x65xf32>
    %add3A_328 = arith.addf %add3A_240, %dot_general3A_327 : vector<256x65xf32>
    %get3A_329 = arith.constant 768 : index
    %get3A_330 = arith.constant 0 : index
    %get3A_331 = vector.load %arg3[%get3A_329, %get3A_330] : memref<2048x512xbf16, #tpu.memory_space<vmem>>, vector<256x64xbf16>
    %dot_general3A_332 = arith.constant dense<0.000000e+00> : vector<256x256xf32>
    %dot_general3A_333 = tpu.matmul %mul3A_3, %get3A_331, %dot_general3A_332 {dimension_numbers = #tpu.dot_dimension_numbers<[1], [1], [0], [0], [0, 0, 1, 0], [], []>, transpose_lhs_hint = false} : vector<256x64xbf16>, vector<256x64xbf16>, vector<256x256xf32> -> vector<256x256xf32>
    %exp3A_334 = math.exp %dot_general3A_333 : vector<256x256xf32>
    %convert_element_type3A_335 = arith.truncf %exp3A_334 : vector<256x256xf32> to vector<256x256xbf16>
    %slice3A_336 = vector.extract_strided_slice %concatenate3A {offsets = [768, 0], sizes = [256, 65], strides = [1, 1]} : vector<2048x65xbf16> to vector<256x65xbf16>
    %dot_general3A_337 = arith.constant dense<0.000000e+00> : vector<256x65xf32>
    %dot_general3A_338 = tpu.matmul %convert_element_type3A_335, %slice3A_336, %dot_general3A_337 {dimension_numbers = #tpu.dot_dimension_numbers<[1], [0], [0], [1], [0, 0, 1, 1], [], []>, transpose_lhs_hint = false} : vector<256x256xbf16>, vector<256x65xbf16>, vector<256x65xf32> -> vector<256x65xf32>
    %add3A_339 = arith.addf %add3A_251, %dot_general3A_338 : vector<256x65xf32>
    %get3A_340 = arith.constant 768 : index
    %get3A_341 = arith.constant 64 : index
    %get3A_342 = vector.load %arg3[%get3A_340, %get3A_341] : memref<2048x512xbf16, #tpu.memory_space<vmem>>, vector<256x64xbf16>
    %dot_general3A_343 = arith.constant dense<0.000000e+00> : vector<256x256xf32>
    %dot_general3A_344 = tpu.matmul %mul3A_9, %get3A_342, %dot_general3A_343 {dimension_numbers = #tpu.dot_dimension_numbers<[1], [1], [0], [0], [0, 0, 1, 0], [], []>, transpose_lhs_hint = false} : vector<256x64xbf16>, vector<256x64xbf16>, vector<256x256xf32> -> vector<256x256xf32>
    %exp3A_345 = math.exp %dot_general3A_344 : vector<256x256xf32>
    %convert_element_type3A_346 = arith.truncf %exp3A_345 : vector<256x256xf32> to vector<256x256xbf16>
    %slice3A_347 = vector.extract_strided_slice %concatenate3A_53 {offsets = [768, 0], sizes = [256, 65], strides = [1, 1]} : vector<2048x65xbf16> to vector<256x65xbf16>
    %dot_general3A_348 = arith.constant dense<0.000000e+00> : vector<256x65xf32>
    %dot_general3A_349 = tpu.matmul %convert_element_type3A_346, %slice3A_347, %dot_general3A_348 {dimension_numbers = #tpu.dot_dimension_numbers<[1], [0], [0], [1], [0, 0, 1, 1], [], []>, transpose_lhs_hint = false} : vector<256x256xbf16>, vector<256x65xbf16>, vector<256x65xf32> -> vector<256x65xf32>
    %add3A_350 = arith.addf %add3A_262, %dot_general3A_349 : vector<256x65xf32>
    %get3A_351 = arith.constant 768 : index
    %get3A_352 = arith.constant 128 : index
    %get3A_353 = vector.load %arg3[%get3A_351, %get3A_352] : memref<2048x512xbf16, #tpu.memory_space<vmem>>, vector<256x64xbf16>
    %dot_general3A_354 = arith.constant dense<0.000000e+00> : vector<256x256xf32>
    %dot_general3A_355 = tpu.matmul %mul3A_15, %get3A_353, %dot_general3A_354 {dimension_numbers = #tpu.dot_dimension_numbers<[1], [1], [0], [0], [0, 0, 1, 0], [], []>, transpose_lhs_hint = false} : vector<256x64xbf16>, vector<256x64xbf16>, vector<256x256xf32> -> vector<256x256xf32>
    %exp3A_356 = math.exp %dot_general3A_355 : vector<256x256xf32>
    %convert_element_type3A_357 = arith.truncf %exp3A_356 : vector<256x256xf32> to vector<256x256xbf16>
    %slice3A_358 = vector.extract_strided_slice %concatenate3A_57 {offsets = [768, 0], sizes = [256, 65], strides = [1, 1]} : vector<2048x65xbf16> to vector<256x65xbf16>
    %dot_general3A_359 = arith.constant dense<0.000000e+00> : vector<256x65xf32>
    %dot_general3A_360 = tpu.matmul %convert_element_type3A_357, %slice3A_358, %dot_general3A_359 {dimension_numbers = #tpu.dot_dimension_numbers<[1], [0], [0], [1], [0, 0, 1, 1], [], []>, transpose_lhs_hint = false} : vector<256x256xbf16>, vector<256x65xbf16>, vector<256x65xf32> -> vector<256x65xf32>
    %add3A_361 = arith.addf %add3A_273, %dot_general3A_360 : vector<256x65xf32>
    %get3A_362 = arith.constant 768 : index
    %get3A_363 = arith.constant 192 : index
    %get3A_364 = vector.load %arg3[%get3A_362, %get3A_363] : memref<2048x512xbf16, #tpu.memory_space<vmem>>, vector<256x64xbf16>
    %dot_general3A_365 = arith.constant dense<0.000000e+00> : vector<256x256xf32>
    %dot_general3A_366 = tpu.matmul %mul3A_21, %get3A_364, %dot_general3A_365 {dimension_numbers = #tpu.dot_dimension_numbers<[1], [1], [0], [0], [0, 0, 1, 0], [], []>, transpose_lhs_hint = false} : vector<256x64xbf16>, vector<256x64xbf16>, vector<256x256xf32> -> vector<256x256xf32>
    %exp3A_367 = math.exp %dot_general3A_366 : vector<256x256xf32>
    %convert_element_type3A_368 = arith.truncf %exp3A_367 : vector<256x256xf32> to vector<256x256xbf16>
    %slice3A_369 = vector.extract_strided_slice %concatenate3A_61 {offsets = [768, 0], sizes = [256, 65], strides = [1, 1]} : vector<2048x65xbf16> to vector<256x65xbf16>
    %dot_general3A_370 = arith.constant dense<0.000000e+00> : vector<256x65xf32>
    %dot_general3A_371 = tpu.matmul %convert_element_type3A_368, %slice3A_369, %dot_general3A_370 {dimension_numbers = #tpu.dot_dimension_numbers<[1], [0], [0], [1], [0, 0, 1, 1], [], []>, transpose_lhs_hint = false} : vector<256x256xbf16>, vector<256x65xbf16>, vector<256x65xf32> -> vector<256x65xf32>
    %add3A_372 = arith.addf %add3A_284, %dot_general3A_371 : vector<256x65xf32>
    %get3A_373 = arith.constant 768 : index
    %get3A_374 = arith.constant 256 : index
    %get3A_375 = vector.load %arg3[%get3A_373, %get3A_374] : memref<2048x512xbf16, #tpu.memory_space<vmem>>, vector<256x64xbf16>
    %dot_general3A_376 = arith.constant dense<0.000000e+00> : vector<256x256xf32>
    %dot_general3A_377 = tpu.matmul %mul3A_27, %get3A_375, %dot_general3A_376 {dimension_numbers = #tpu.dot_dimension_numbers<[1], [1], [0], [0], [0, 0, 1, 0], [], []>, transpose_lhs_hint = false} : vector<256x64xbf16>, vector<256x64xbf16>, vector<256x256xf32> -> vector<256x256xf32>
    %exp3A_378 = math.exp %dot_general3A_377 : vector<256x256xf32>
    %convert_element_type3A_379 = arith.truncf %exp3A_378 : vector<256x256xf32> to vector<256x256xbf16>
    %slice3A_380 = vector.extract_strided_slice %concatenate3A_65 {offsets = [768, 0], sizes = [256, 65], strides = [1, 1]} : vector<2048x65xbf16> to vector<256x65xbf16>
    %dot_general3A_381 = arith.constant dense<0.000000e+00> : vector<256x65xf32>
    %dot_general3A_382 = tpu.matmul %convert_element_type3A_379, %slice3A_380, %dot_general3A_381 {dimension_numbers = #tpu.dot_dimension_numbers<[1], [0], [0], [1], [0, 0, 1, 1], [], []>, transpose_lhs_hint = false} : vector<256x256xbf16>, vector<256x65xbf16>, vector<256x65xf32> -> vector<256x65xf32>
    %add3A_383 = arith.addf %add3A_295, %dot_general3A_382 : vector<256x65xf32>
    %get3A_384 = arith.constant 768 : index
    %get3A_385 = arith.constant 320 : index
    %get3A_386 = vector.load %arg3[%get3A_384, %get3A_385] : memref<2048x512xbf16, #tpu.memory_space<vmem>>, vector<256x64xbf16>
    %dot_general3A_387 = arith.constant dense<0.000000e+00> : vector<256x256xf32>
    %dot_general3A_388 = tpu.matmul %mul3A_33, %get3A_386, %dot_general3A_387 {dimension_numbers = #tpu.dot_dimension_numbers<[1], [1], [0], [0], [0, 0, 1, 0], [], []>, transpose_lhs_hint = false} : vector<256x64xbf16>, vector<256x64xbf16>, vector<256x256xf32> -> vector<256x256xf32>
    %exp3A_389 = math.exp %dot_general3A_388 : vector<256x256xf32>
    %convert_element_type3A_390 = arith.truncf %exp3A_389 : vector<256x256xf32> to vector<256x256xbf16>
    %slice3A_391 = vector.extract_strided_slice %concatenate3A_69 {offsets = [768, 0], sizes = [256, 65], strides = [1, 1]} : vector<2048x65xbf16> to vector<256x65xbf16>
    %dot_general3A_392 = arith.constant dense<0.000000e+00> : vector<256x65xf32>
    %dot_general3A_393 = tpu.matmul %convert_element_type3A_390, %slice3A_391, %dot_general3A_392 {dimension_numbers = #tpu.dot_dimension_numbers<[1], [0], [0], [1], [0, 0, 1, 1], [], []>, transpose_lhs_hint = false} : vector<256x256xbf16>, vector<256x65xbf16>, vector<256x65xf32> -> vector<256x65xf32>
    %add3A_394 = arith.addf %add3A_306, %dot_general3A_393 : vector<256x65xf32>
    %get3A_395 = arith.constant 768 : index
    %get3A_396 = arith.constant 384 : index
    %get3A_397 = vector.load %arg3[%get3A_395, %get3A_396] : memref<2048x512xbf16, #tpu.memory_space<vmem>>, vector<256x64xbf16>
    %dot_general3A_398 = arith.constant dense<0.000000e+00> : vector<256x256xf32>
    %dot_general3A_399 = tpu.matmul %mul3A_39, %get3A_397, %dot_general3A_398 {dimension_numbers = #tpu.dot_dimension_numbers<[1], [1], [0], [0], [0, 0, 1, 0], [], []>, transpose_lhs_hint = false} : vector<256x64xbf16>, vector<256x64xbf16>, vector<256x256xf32> -> vector<256x256xf32>
    %exp3A_400 = math.exp %dot_general3A_399 : vector<256x256xf32>
    %convert_element_type3A_401 = arith.truncf %exp3A_400 : vector<256x256xf32> to vector<256x256xbf16>
    %slice3A_402 = vector.extract_strided_slice %concatenate3A_73 {offsets = [768, 0], sizes = [256, 65], strides = [1, 1]} : vector<2048x65xbf16> to vector<256x65xbf16>
    %dot_general3A_403 = arith.constant dense<0.000000e+00> : vector<256x65xf32>
    %dot_general3A_404 = tpu.matmul %convert_element_type3A_401, %slice3A_402, %dot_general3A_403 {dimension_numbers = #tpu.dot_dimension_numbers<[1], [0], [0], [1], [0, 0, 1, 1], [], []>, transpose_lhs_hint = false} : vector<256x256xbf16>, vector<256x65xbf16>, vector<256x65xf32> -> vector<256x65xf32>
    %add3A_405 = arith.addf %add3A_317, %dot_general3A_404 : vector<256x65xf32>
    %get3A_406 = arith.constant 768 : index
    %get3A_407 = arith.constant 448 : index
    %get3A_408 = vector.load %arg3[%get3A_406, %get3A_407] : memref<2048x512xbf16, #tpu.memory_space<vmem>>, vector<256x64xbf16>
    %dot_general3A_409 = arith.constant dense<0.000000e+00> : vector<256x256xf32>
    %dot_general3A_410 = tpu.matmul %mul3A_45, %get3A_408, %dot_general3A_409 {dimension_numbers = #tpu.dot_dimension_numbers<[1], [1], [0], [0], [0, 0, 1, 0], [], []>, transpose_lhs_hint = false} : vector<256x64xbf16>, vector<256x64xbf16>, vector<256x256xf32> -> vector<256x256xf32>
    %exp3A_411 = math.exp %dot_general3A_410 : vector<256x256xf32>
    %convert_element_type3A_412 = arith.truncf %exp3A_411 : vector<256x256xf32> to vector<256x256xbf16>
    %slice3A_413 = vector.extract_strided_slice %concatenate3A_77 {offsets = [768, 0], sizes = [256, 65], strides = [1, 1]} : vector<2048x65xbf16> to vector<256x65xbf16>
    %dot_general3A_414 = arith.constant dense<0.000000e+00> : vector<256x65xf32>
    %dot_general3A_415 = tpu.matmul %convert_element_type3A_412, %slice3A_413, %dot_general3A_414 {dimension_numbers = #tpu.dot_dimension_numbers<[1], [0], [0], [1], [0, 0, 1, 1], [], []>, transpose_lhs_hint = false} : vector<256x256xbf16>, vector<256x65xbf16>, vector<256x65xf32> -> vector<256x65xf32>
    %add3A_416 = arith.addf %add3A_328, %dot_general3A_415 : vector<256x65xf32>
    %get3A_417 = arith.constant 1024 : index
    %get3A_418 = arith.constant 0 : index
    %get3A_419 = vector.load %arg3[%get3A_417, %get3A_418] : memref<2048x512xbf16, #tpu.memory_space<vmem>>, vector<256x64xbf16>
    %dot_general3A_420 = arith.constant dense<0.000000e+00> : vector<256x256xf32>
    %dot_general3A_421 = tpu.matmul %mul3A_3, %get3A_419, %dot_general3A_420 {dimension_numbers = #tpu.dot_dimension_numbers<[1], [1], [0], [0], [0, 0, 1, 0], [], []>, transpose_lhs_hint = false} : vector<256x64xbf16>, vector<256x64xbf16>, vector<256x256xf32> -> vector<256x256xf32>
    %exp3A_422 = math.exp %dot_general3A_421 : vector<256x256xf32>
    %convert_element_type3A_423 = arith.truncf %exp3A_422 : vector<256x256xf32> to vector<256x256xbf16>
    %slice3A_424 = vector.extract_strided_slice %concatenate3A {offsets = [1024, 0], sizes = [256, 65], strides = [1, 1]} : vector<2048x65xbf16> to vector<256x65xbf16>
    %dot_general3A_425 = arith.constant dense<0.000000e+00> : vector<256x65xf32>
    %dot_general3A_426 = tpu.matmul %convert_element_type3A_423, %slice3A_424, %dot_general3A_425 {dimension_numbers = #tpu.dot_dimension_numbers<[1], [0], [0], [1], [0, 0, 1, 1], [], []>, transpose_lhs_hint = false} : vector<256x256xbf16>, vector<256x65xbf16>, vector<256x65xf32> -> vector<256x65xf32>
    %add3A_427 = arith.addf %add3A_339, %dot_general3A_426 : vector<256x65xf32>
    %get3A_428 = arith.constant 1024 : index
    %get3A_429 = arith.constant 64 : index
    %get3A_430 = vector.load %arg3[%get3A_428, %get3A_429] : memref<2048x512xbf16, #tpu.memory_space<vmem>>, vector<256x64xbf16>
    %dot_general3A_431 = arith.constant dense<0.000000e+00> : vector<256x256xf32>
    %dot_general3A_432 = tpu.matmul %mul3A_9, %get3A_430, %dot_general3A_431 {dimension_numbers = #tpu.dot_dimension_numbers<[1], [1], [0], [0], [0, 0, 1, 0], [], []>, transpose_lhs_hint = false} : vector<256x64xbf16>, vector<256x64xbf16>, vector<256x256xf32> -> vector<256x256xf32>
    %exp3A_433 = math.exp %dot_general3A_432 : vector<256x256xf32>
    %convert_element_type3A_434 = arith.truncf %exp3A_433 : vector<256x256xf32> to vector<256x256xbf16>
    %slice3A_435 = vector.extract_strided_slice %concatenate3A_53 {offsets = [1024, 0], sizes = [256, 65], strides = [1, 1]} : vector<2048x65xbf16> to vector<256x65xbf16>
    %dot_general3A_436 = arith.constant dense<0.000000e+00> : vector<256x65xf32>
    %dot_general3A_437 = tpu.matmul %convert_element_type3A_434, %slice3A_435, %dot_general3A_436 {dimension_numbers = #tpu.dot_dimension_numbers<[1], [0], [0], [1], [0, 0, 1, 1], [], []>, transpose_lhs_hint = false} : vector<256x256xbf16>, vector<256x65xbf16>, vector<256x65xf32> -> vector<256x65xf32>
    %add3A_438 = arith.addf %add3A_350, %dot_general3A_437 : vector<256x65xf32>
    %get3A_439 = arith.constant 1024 : index
    %get3A_440 = arith.constant 128 : index
    %get3A_441 = vector.load %arg3[%get3A_439, %get3A_440] : memref<2048x512xbf16, #tpu.memory_space<vmem>>, vector<256x64xbf16>
    %dot_general3A_442 = arith.constant dense<0.000000e+00> : vector<256x256xf32>
    %dot_general3A_443 = tpu.matmul %mul3A_15, %get3A_441, %dot_general3A_442 {dimension_numbers = #tpu.dot_dimension_numbers<[1], [1], [0], [0], [0, 0, 1, 0], [], []>, transpose_lhs_hint = false} : vector<256x64xbf16>, vector<256x64xbf16>, vector<256x256xf32> -> vector<256x256xf32>
    %exp3A_444 = math.exp %dot_general3A_443 : vector<256x256xf32>
    %convert_element_type3A_445 = arith.truncf %exp3A_444 : vector<256x256xf32> to vector<256x256xbf16>
    %slice3A_446 = vector.extract_strided_slice %concatenate3A_57 {offsets = [1024, 0], sizes = [256, 65], strides = [1, 1]} : vector<2048x65xbf16> to vector<256x65xbf16>
    %dot_general3A_447 = arith.constant dense<0.000000e+00> : vector<256x65xf32>
    %dot_general3A_448 = tpu.matmul %convert_element_type3A_445, %slice3A_446, %dot_general3A_447 {dimension_numbers = #tpu.dot_dimension_numbers<[1], [0], [0], [1], [0, 0, 1, 1], [], []>, transpose_lhs_hint = false} : vector<256x256xbf16>, vector<256x65xbf16>, vector<256x65xf32> -> vector<256x65xf32>
    %add3A_449 = arith.addf %add3A_361, %dot_general3A_448 : vector<256x65xf32>
    %get3A_450 = arith.constant 1024 : index
    %get3A_451 = arith.constant 192 : index
    %get3A_452 = vector.load %arg3[%get3A_450, %get3A_451] : memref<2048x512xbf16, #tpu.memory_space<vmem>>, vector<256x64xbf16>
    %dot_general3A_453 = arith.constant dense<0.000000e+00> : vector<256x256xf32>
    %dot_general3A_454 = tpu.matmul %mul3A_21, %get3A_452, %dot_general3A_453 {dimension_numbers = #tpu.dot_dimension_numbers<[1], [1], [0], [0], [0, 0, 1, 0], [], []>, transpose_lhs_hint = false} : vector<256x64xbf16>, vector<256x64xbf16>, vector<256x256xf32> -> vector<256x256xf32>
    %exp3A_455 = math.exp %dot_general3A_454 : vector<256x256xf32>
    %convert_element_type3A_456 = arith.truncf %exp3A_455 : vector<256x256xf32> to vector<256x256xbf16>
    %slice3A_457 = vector.extract_strided_slice %concatenate3A_61 {offsets = [1024, 0], sizes = [256, 65], strides = [1, 1]} : vector<2048x65xbf16> to vector<256x65xbf16>
    %dot_general3A_458 = arith.constant dense<0.000000e+00> : vector<256x65xf32>
    %dot_general3A_459 = tpu.matmul %convert_element_type3A_456, %slice3A_457, %dot_general3A_458 {dimension_numbers = #tpu.dot_dimension_numbers<[1], [0], [0], [1], [0, 0, 1, 1], [], []>, transpose_lhs_hint = false} : vector<256x256xbf16>, vector<256x65xbf16>, vector<256x65xf32> -> vector<256x65xf32>
    %add3A_460 = arith.addf %add3A_372, %dot_general3A_459 : vector<256x65xf32>
    %get3A_461 = arith.constant 1024 : index
    %get3A_462 = arith.constant 256 : index
    %get3A_463 = vector.load %arg3[%get3A_461, %get3A_462] : memref<2048x512xbf16, #tpu.memory_space<vmem>>, vector<256x64xbf16>
    %dot_general3A_464 = arith.constant dense<0.000000e+00> : vector<256x256xf32>
    %dot_general3A_465 = tpu.matmul %mul3A_27, %get3A_463, %dot_general3A_464 {dimension_numbers = #tpu.dot_dimension_numbers<[1], [1], [0], [0], [0, 0, 1, 0], [], []>, transpose_lhs_hint = false} : vector<256x64xbf16>, vector<256x64xbf16>, vector<256x256xf32> -> vector<256x256xf32>
    %exp3A_466 = math.exp %dot_general3A_465 : vector<256x256xf32>
    %convert_element_type3A_467 = arith.truncf %exp3A_466 : vector<256x256xf32> to vector<256x256xbf16>
    %slice3A_468 = vector.extract_strided_slice %concatenate3A_65 {offsets = [1024, 0], sizes = [256, 65], strides = [1, 1]} : vector<2048x65xbf16> to vector<256x65xbf16>
    %dot_general3A_469 = arith.constant dense<0.000000e+00> : vector<256x65xf32>
    %dot_general3A_470 = tpu.matmul %convert_element_type3A_467, %slice3A_468, %dot_general3A_469 {dimension_numbers = #tpu.dot_dimension_numbers<[1], [0], [0], [1], [0, 0, 1, 1], [], []>, transpose_lhs_hint = false} : vector<256x256xbf16>, vector<256x65xbf16>, vector<256x65xf32> -> vector<256x65xf32>
    %add3A_471 = arith.addf %add3A_383, %dot_general3A_470 : vector<256x65xf32>
    %get3A_472 = arith.constant 1024 : index
    %get3A_473 = arith.constant 320 : index
    %get3A_474 = vector.load %arg3[%get3A_472, %get3A_473] : memref<2048x512xbf16, #tpu.memory_space<vmem>>, vector<256x64xbf16>
    %dot_general3A_475 = arith.constant dense<0.000000e+00> : vector<256x256xf32>
    %dot_general3A_476 = tpu.matmul %mul3A_33, %get3A_474, %dot_general3A_475 {dimension_numbers = #tpu.dot_dimension_numbers<[1], [1], [0], [0], [0, 0, 1, 0], [], []>, transpose_lhs_hint = false} : vector<256x64xbf16>, vector<256x64xbf16>, vector<256x256xf32> -> vector<256x256xf32>
    %exp3A_477 = math.exp %dot_general3A_476 : vector<256x256xf32>
    %convert_element_type3A_478 = arith.truncf %exp3A_477 : vector<256x256xf32> to vector<256x256xbf16>
    %slice3A_479 = vector.extract_strided_slice %concatenate3A_69 {offsets = [1024, 0], sizes = [256, 65], strides = [1, 1]} : vector<2048x65xbf16> to vector<256x65xbf16>
    %dot_general3A_480 = arith.constant dense<0.000000e+00> : vector<256x65xf32>
    %dot_general3A_481 = tpu.matmul %convert_element_type3A_478, %slice3A_479, %dot_general3A_480 {dimension_numbers = #tpu.dot_dimension_numbers<[1], [0], [0], [1], [0, 0, 1, 1], [], []>, transpose_lhs_hint = false} : vector<256x256xbf16>, vector<256x65xbf16>, vector<256x65xf32> -> vector<256x65xf32>
    %add3A_482 = arith.addf %add3A_394, %dot_general3A_481 : vector<256x65xf32>
    %get3A_483 = arith.constant 1024 : index
    %get3A_484 = arith.constant 384 : index
    %get3A_485 = vector.load %arg3[%get3A_483, %get3A_484] : memref<2048x512xbf16, #tpu.memory_space<vmem>>, vector<256x64xbf16>
    %dot_general3A_486 = arith.constant dense<0.000000e+00> : vector<256x256xf32>
    %dot_general3A_487 = tpu.matmul %mul3A_39, %get3A_485, %dot_general3A_486 {dimension_numbers = #tpu.dot_dimension_numbers<[1], [1], [0], [0], [0, 0, 1, 0], [], []>, transpose_lhs_hint = false} : vector<256x64xbf16>, vector<256x64xbf16>, vector<256x256xf32> -> vector<256x256xf32>
    %exp3A_488 = math.exp %dot_general3A_487 : vector<256x256xf32>
    %convert_element_type3A_489 = arith.truncf %exp3A_488 : vector<256x256xf32> to vector<256x256xbf16>
    %slice3A_490 = vector.extract_strided_slice %concatenate3A_73 {offsets = [1024, 0], sizes = [256, 65], strides = [1, 1]} : vector<2048x65xbf16> to vector<256x65xbf16>
    %dot_general3A_491 = arith.constant dense<0.000000e+00> : vector<256x65xf32>
    %dot_general3A_492 = tpu.matmul %convert_element_type3A_489, %slice3A_490, %dot_general3A_491 {dimension_numbers = #tpu.dot_dimension_numbers<[1], [0], [0], [1], [0, 0, 1, 1], [], []>, transpose_lhs_hint = false} : vector<256x256xbf16>, vector<256x65xbf16>, vector<256x65xf32> -> vector<256x65xf32>
    %add3A_493 = arith.addf %add3A_405, %dot_general3A_492 : vector<256x65xf32>
    %get3A_494 = arith.constant 1024 : index
    %get3A_495 = arith.constant 448 : index
    %get3A_496 = vector.load %arg3[%get3A_494, %get3A_495] : memref<2048x512xbf16, #tpu.memory_space<vmem>>, vector<256x64xbf16>
    %dot_general3A_497 = arith.constant dense<0.000000e+00> : vector<256x256xf32>
    %dot_general3A_498 = tpu.matmul %mul3A_45, %get3A_496, %dot_general3A_497 {dimension_numbers = #tpu.dot_dimension_numbers<[1], [1], [0], [0], [0, 0, 1, 0], [], []>, transpose_lhs_hint = false} : vector<256x64xbf16>, vector<256x64xbf16>, vector<256x256xf32> -> vector<256x256xf32>
    %exp3A_499 = math.exp %dot_general3A_498 : vector<256x256xf32>
    %convert_element_type3A_500 = arith.truncf %exp3A_499 : vector<256x256xf32> to vector<256x256xbf16>
    %slice3A_501 = vector.extract_strided_slice %concatenate3A_77 {offsets = [1024, 0], sizes = [256, 65], strides = [1, 1]} : vector<2048x65xbf16> to vector<256x65xbf16>
    %dot_general3A_502 = arith.constant dense<0.000000e+00> : vector<256x65xf32>
    %dot_general3A_503 = tpu.matmul %convert_element_type3A_500, %slice3A_501, %dot_general3A_502 {dimension_numbers = #tpu.dot_dimension_numbers<[1], [0], [0], [1], [0, 0, 1, 1], [], []>, transpose_lhs_hint = false} : vector<256x256xbf16>, vector<256x65xbf16>, vector<256x65xf32> -> vector<256x65xf32>
    %add3A_504 = arith.addf %add3A_416, %dot_general3A_503 : vector<256x65xf32>
    %get3A_505 = arith.constant 1280 : index
    %get3A_506 = arith.constant 0 : index
    %get3A_507 = vector.load %arg3[%get3A_505, %get3A_506] : memref<2048x512xbf16, #tpu.memory_space<vmem>>, vector<256x64xbf16>
    %dot_general3A_508 = arith.constant dense<0.000000e+00> : vector<256x256xf32>
    %dot_general3A_509 = tpu.matmul %mul3A_3, %get3A_507, %dot_general3A_508 {dimension_numbers = #tpu.dot_dimension_numbers<[1], [1], [0], [0], [0, 0, 1, 0], [], []>, transpose_lhs_hint = false} : vector<256x64xbf16>, vector<256x64xbf16>, vector<256x256xf32> -> vector<256x256xf32>
    %exp3A_510 = math.exp %dot_general3A_509 : vector<256x256xf32>
    %convert_element_type3A_511 = arith.truncf %exp3A_510 : vector<256x256xf32> to vector<256x256xbf16>
    %slice3A_512 = vector.extract_strided_slice %concatenate3A {offsets = [1280, 0], sizes = [256, 65], strides = [1, 1]} : vector<2048x65xbf16> to vector<256x65xbf16>
    %dot_general3A_513 = arith.constant dense<0.000000e+00> : vector<256x65xf32>
    %dot_general3A_514 = tpu.matmul %convert_element_type3A_511, %slice3A_512, %dot_general3A_513 {dimension_numbers = #tpu.dot_dimension_numbers<[1], [0], [0], [1], [0, 0, 1, 1], [], []>, transpose_lhs_hint = false} : vector<256x256xbf16>, vector<256x65xbf16>, vector<256x65xf32> -> vector<256x65xf32>
    %add3A_515 = arith.addf %add3A_427, %dot_general3A_514 : vector<256x65xf32>
    %get3A_516 = arith.constant 1280 : index
    %get3A_517 = arith.constant 64 : index
    %get3A_518 = vector.load %arg3[%get3A_516, %get3A_517] : memref<2048x512xbf16, #tpu.memory_space<vmem>>, vector<256x64xbf16>
    %dot_general3A_519 = arith.constant dense<0.000000e+00> : vector<256x256xf32>
    %dot_general3A_520 = tpu.matmul %mul3A_9, %get3A_518, %dot_general3A_519 {dimension_numbers = #tpu.dot_dimension_numbers<[1], [1], [0], [0], [0, 0, 1, 0], [], []>, transpose_lhs_hint = false} : vector<256x64xbf16>, vector<256x64xbf16>, vector<256x256xf32> -> vector<256x256xf32>
    %exp3A_521 = math.exp %dot_general3A_520 : vector<256x256xf32>
    %convert_element_type3A_522 = arith.truncf %exp3A_521 : vector<256x256xf32> to vector<256x256xbf16>
    %slice3A_523 = vector.extract_strided_slice %concatenate3A_53 {offsets = [1280, 0], sizes = [256, 65], strides = [1, 1]} : vector<2048x65xbf16> to vector<256x65xbf16>
    %dot_general3A_524 = arith.constant dense<0.000000e+00> : vector<256x65xf32>
    %dot_general3A_525 = tpu.matmul %convert_element_type3A_522, %slice3A_523, %dot_general3A_524 {dimension_numbers = #tpu.dot_dimension_numbers<[1], [0], [0], [1], [0, 0, 1, 1], [], []>, transpose_lhs_hint = false} : vector<256x256xbf16>, vector<256x65xbf16>, vector<256x65xf32> -> vector<256x65xf32>
    %add3A_526 = arith.addf %add3A_438, %dot_general3A_525 : vector<256x65xf32>
    %get3A_527 = arith.constant 1280 : index
    %get3A_528 = arith.constant 128 : index
    %get3A_529 = vector.load %arg3[%get3A_527, %get3A_528] : memref<2048x512xbf16, #tpu.memory_space<vmem>>, vector<256x64xbf16>
    %dot_general3A_530 = arith.constant dense<0.000000e+00> : vector<256x256xf32>
    %dot_general3A_531 = tpu.matmul %mul3A_15, %get3A_529, %dot_general3A_530 {dimension_numbers = #tpu.dot_dimension_numbers<[1], [1], [0], [0], [0, 0, 1, 0], [], []>, transpose_lhs_hint = false} : vector<256x64xbf16>, vector<256x64xbf16>, vector<256x256xf32> -> vector<256x256xf32>
    %exp3A_532 = math.exp %dot_general3A_531 : vector<256x256xf32>
    %convert_element_type3A_533 = arith.truncf %exp3A_532 : vector<256x256xf32> to vector<256x256xbf16>
    %slice3A_534 = vector.extract_strided_slice %concatenate3A_57 {offsets = [1280, 0], sizes = [256, 65], strides = [1, 1]} : vector<2048x65xbf16> to vector<256x65xbf16>
    %dot_general3A_535 = arith.constant dense<0.000000e+00> : vector<256x65xf32>
    %dot_general3A_536 = tpu.matmul %convert_element_type3A_533, %slice3A_534, %dot_general3A_535 {dimension_numbers = #tpu.dot_dimension_numbers<[1], [0], [0], [1], [0, 0, 1, 1], [], []>, transpose_lhs_hint = false} : vector<256x256xbf16>, vector<256x65xbf16>, vector<256x65xf32> -> vector<256x65xf32>
    %add3A_537 = arith.addf %add3A_449, %dot_general3A_536 : vector<256x65xf32>
    %get3A_538 = arith.constant 1280 : index
    %get3A_539 = arith.constant 192 : index
    %get3A_540 = vector.load %arg3[%get3A_538, %get3A_539] : memref<2048x512xbf16, #tpu.memory_space<vmem>>, vector<256x64xbf16>
    %dot_general3A_541 = arith.constant dense<0.000000e+00> : vector<256x256xf32>
    %dot_general3A_542 = tpu.matmul %mul3A_21, %get3A_540, %dot_general3A_541 {dimension_numbers = #tpu.dot_dimension_numbers<[1], [1], [0], [0], [0, 0, 1, 0], [], []>, transpose_lhs_hint = false} : vector<256x64xbf16>, vector<256x64xbf16>, vector<256x256xf32> -> vector<256x256xf32>
    %exp3A_543 = math.exp %dot_general3A_542 : vector<256x256xf32>
    %convert_element_type3A_544 = arith.truncf %exp3A_543 : vector<256x256xf32> to vector<256x256xbf16>
    %slice3A_545 = vector.extract_strided_slice %concatenate3A_61 {offsets = [1280, 0], sizes = [256, 65], strides = [1, 1]} : vector<2048x65xbf16> to vector<256x65xbf16>
    %dot_general3A_546 = arith.constant dense<0.000000e+00> : vector<256x65xf32>
    %dot_general3A_547 = tpu.matmul %convert_element_type3A_544, %slice3A_545, %dot_general3A_546 {dimension_numbers = #tpu.dot_dimension_numbers<[1], [0], [0], [1], [0, 0, 1, 1], [], []>, transpose_lhs_hint = false} : vector<256x256xbf16>, vector<256x65xbf16>, vector<256x65xf32> -> vector<256x65xf32>
    %add3A_548 = arith.addf %add3A_460, %dot_general3A_547 : vector<256x65xf32>
    %get3A_549 = arith.constant 1280 : index
    %get3A_550 = arith.constant 256 : index
    %get3A_551 = vector.load %arg3[%get3A_549, %get3A_550] : memref<2048x512xbf16, #tpu.memory_space<vmem>>, vector<256x64xbf16>
    %dot_general3A_552 = arith.constant dense<0.000000e+00> : vector<256x256xf32>
    %dot_general3A_553 = tpu.matmul %mul3A_27, %get3A_551, %dot_general3A_552 {dimension_numbers = #tpu.dot_dimension_numbers<[1], [1], [0], [0], [0, 0, 1, 0], [], []>, transpose_lhs_hint = false} : vector<256x64xbf16>, vector<256x64xbf16>, vector<256x256xf32> -> vector<256x256xf32>
    %exp3A_554 = math.exp %dot_general3A_553 : vector<256x256xf32>
    %convert_element_type3A_555 = arith.truncf %exp3A_554 : vector<256x256xf32> to vector<256x256xbf16>
    %slice3A_556 = vector.extract_strided_slice %concatenate3A_65 {offsets = [1280, 0], sizes = [256, 65], strides = [1, 1]} : vector<2048x65xbf16> to vector<256x65xbf16>
    %dot_general3A_557 = arith.constant dense<0.000000e+00> : vector<256x65xf32>
    %dot_general3A_558 = tpu.matmul %convert_element_type3A_555, %slice3A_556, %dot_general3A_557 {dimension_numbers = #tpu.dot_dimension_numbers<[1], [0], [0], [1], [0, 0, 1, 1], [], []>, transpose_lhs_hint = false} : vector<256x256xbf16>, vector<256x65xbf16>, vector<256x65xf32> -> vector<256x65xf32>
    %add3A_559 = arith.addf %add3A_471, %dot_general3A_558 : vector<256x65xf32>
    %get3A_560 = arith.constant 1280 : index
    %get3A_561 = arith.constant 320 : index
    %get3A_562 = vector.load %arg3[%get3A_560, %get3A_561] : memref<2048x512xbf16, #tpu.memory_space<vmem>>, vector<256x64xbf16>
    %dot_general3A_563 = arith.constant dense<0.000000e+00> : vector<256x256xf32>
    %dot_general3A_564 = tpu.matmul %mul3A_33, %get3A_562, %dot_general3A_563 {dimension_numbers = #tpu.dot_dimension_numbers<[1], [1], [0], [0], [0, 0, 1, 0], [], []>, transpose_lhs_hint = false} : vector<256x64xbf16>, vector<256x64xbf16>, vector<256x256xf32> -> vector<256x256xf32>
    %exp3A_565 = math.exp %dot_general3A_564 : vector<256x256xf32>
    %convert_element_type3A_566 = arith.truncf %exp3A_565 : vector<256x256xf32> to vector<256x256xbf16>
    %slice3A_567 = vector.extract_strided_slice %concatenate3A_69 {offsets = [1280, 0], sizes = [256, 65], strides = [1, 1]} : vector<2048x65xbf16> to vector<256x65xbf16>
    %dot_general3A_568 = arith.constant dense<0.000000e+00> : vector<256x65xf32>
    %dot_general3A_569 = tpu.matmul %convert_element_type3A_566, %slice3A_567, %dot_general3A_568 {dimension_numbers = #tpu.dot_dimension_numbers<[1], [0], [0], [1], [0, 0, 1, 1], [], []>, transpose_lhs_hint = false} : vector<256x256xbf16>, vector<256x65xbf16>, vector<256x65xf32> -> vector<256x65xf32>
    %add3A_570 = arith.addf %add3A_482, %dot_general3A_569 : vector<256x65xf32>
    %get3A_571 = arith.constant 1280 : index
    %get3A_572 = arith.constant 384 : index
    %get3A_573 = vector.load %arg3[%get3A_571, %get3A_572] : memref<2048x512xbf16, #tpu.memory_space<vmem>>, vector<256x64xbf16>
    %dot_general3A_574 = arith.constant dense<0.000000e+00> : vector<256x256xf32>
    %dot_general3A_575 = tpu.matmul %mul3A_39, %get3A_573, %dot_general3A_574 {dimension_numbers = #tpu.dot_dimension_numbers<[1], [1], [0], [0], [0, 0, 1, 0], [], []>, transpose_lhs_hint = false} : vector<256x64xbf16>, vector<256x64xbf16>, vector<256x256xf32> -> vector<256x256xf32>
    %exp3A_576 = math.exp %dot_general3A_575 : vector<256x256xf32>
    %convert_element_type3A_577 = arith.truncf %exp3A_576 : vector<256x256xf32> to vector<256x256xbf16>
    %slice3A_578 = vector.extract_strided_slice %concatenate3A_73 {offsets = [1280, 0], sizes = [256, 65], strides = [1, 1]} : vector<2048x65xbf16> to vector<256x65xbf16>
    %dot_general3A_579 = arith.constant dense<0.000000e+00> : vector<256x65xf32>
    %dot_general3A_580 = tpu.matmul %convert_element_type3A_577, %slice3A_578, %dot_general3A_579 {dimension_numbers = #tpu.dot_dimension_numbers<[1], [0], [0], [1], [0, 0, 1, 1], [], []>, transpose_lhs_hint = false} : vector<256x256xbf16>, vector<256x65xbf16>, vector<256x65xf32> -> vector<256x65xf32>
    %add3A_581 = arith.addf %add3A_493, %dot_general3A_580 : vector<256x65xf32>
    %get3A_582 = arith.constant 1280 : index
    %get3A_583 = arith.constant 448 : index
    %get3A_584 = vector.load %arg3[%get3A_582, %get3A_583] : memref<2048x512xbf16, #tpu.memory_space<vmem>>, vector<256x64xbf16>
    %dot_general3A_585 = arith.constant dense<0.000000e+00> : vector<256x256xf32>
    %dot_general3A_586 = tpu.matmul %mul3A_45, %get3A_584, %dot_general3A_585 {dimension_numbers = #tpu.dot_dimension_numbers<[1], [1], [0], [0], [0, 0, 1, 0], [], []>, transpose_lhs_hint = false} : vector<256x64xbf16>, vector<256x64xbf16>, vector<256x256xf32> -> vector<256x256xf32>
    %exp3A_587 = math.exp %dot_general3A_586 : vector<256x256xf32>
    %convert_element_type3A_588 = arith.truncf %exp3A_587 : vector<256x256xf32> to vector<256x256xbf16>
    %slice3A_589 = vector.extract_strided_slice %concatenate3A_77 {offsets = [1280, 0], sizes = [256, 65], strides = [1, 1]} : vector<2048x65xbf16> to vector<256x65xbf16>
    %dot_general3A_590 = arith.constant dense<0.000000e+00> : vector<256x65xf32>
    %dot_general3A_591 = tpu.matmul %convert_element_type3A_588, %slice3A_589, %dot_general3A_590 {dimension_numbers = #tpu.dot_dimension_numbers<[1], [0], [0], [1], [0, 0, 1, 1], [], []>, transpose_lhs_hint = false} : vector<256x256xbf16>, vector<256x65xbf16>, vector<256x65xf32> -> vector<256x65xf32>
    %add3A_592 = arith.addf %add3A_504, %dot_general3A_591 : vector<256x65xf32>
    %get3A_593 = arith.constant 1536 : index
    %get3A_594 = arith.constant 0 : index
    %get3A_595 = vector.load %arg3[%get3A_593, %get3A_594] : memref<2048x512xbf16, #tpu.memory_space<vmem>>, vector<256x64xbf16>
    %dot_general3A_596 = arith.constant dense<0.000000e+00> : vector<256x256xf32>
    %dot_general3A_597 = tpu.matmul %mul3A_3, %get3A_595, %dot_general3A_596 {dimension_numbers = #tpu.dot_dimension_numbers<[1], [1], [0], [0], [0, 0, 1, 0], [], []>, transpose_lhs_hint = false} : vector<256x64xbf16>, vector<256x64xbf16>, vector<256x256xf32> -> vector<256x256xf32>
    %exp3A_598 = math.exp %dot_general3A_597 : vector<256x256xf32>
    %convert_element_type3A_599 = arith.truncf %exp3A_598 : vector<256x256xf32> to vector<256x256xbf16>
    %slice3A_600 = vector.extract_strided_slice %concatenate3A {offsets = [1536, 0], sizes = [256, 65], strides = [1, 1]} : vector<2048x65xbf16> to vector<256x65xbf16>
    %dot_general3A_601 = arith.constant dense<0.000000e+00> : vector<256x65xf32>
    %dot_general3A_602 = tpu.matmul %convert_element_type3A_599, %slice3A_600, %dot_general3A_601 {dimension_numbers = #tpu.dot_dimension_numbers<[1], [0], [0], [1], [0, 0, 1, 1], [], []>, transpose_lhs_hint = false} : vector<256x256xbf16>, vector<256x65xbf16>, vector<256x65xf32> -> vector<256x65xf32>
    %add3A_603 = arith.addf %add3A_515, %dot_general3A_602 : vector<256x65xf32>
    %get3A_604 = arith.constant 1536 : index
    %get3A_605 = arith.constant 64 : index
    %get3A_606 = vector.load %arg3[%get3A_604, %get3A_605] : memref<2048x512xbf16, #tpu.memory_space<vmem>>, vector<256x64xbf16>
    %dot_general3A_607 = arith.constant dense<0.000000e+00> : vector<256x256xf32>
    %dot_general3A_608 = tpu.matmul %mul3A_9, %get3A_606, %dot_general3A_607 {dimension_numbers = #tpu.dot_dimension_numbers<[1], [1], [0], [0], [0, 0, 1, 0], [], []>, transpose_lhs_hint = false} : vector<256x64xbf16>, vector<256x64xbf16>, vector<256x256xf32> -> vector<256x256xf32>
    %exp3A_609 = math.exp %dot_general3A_608 : vector<256x256xf32>
    %convert_element_type3A_610 = arith.truncf %exp3A_609 : vector<256x256xf32> to vector<256x256xbf16>
    %slice3A_611 = vector.extract_strided_slice %concatenate3A_53 {offsets = [1536, 0], sizes = [256, 65], strides = [1, 1]} : vector<2048x65xbf16> to vector<256x65xbf16>
    %dot_general3A_612 = arith.constant dense<0.000000e+00> : vector<256x65xf32>
    %dot_general3A_613 = tpu.matmul %convert_element_type3A_610, %slice3A_611, %dot_general3A_612 {dimension_numbers = #tpu.dot_dimension_numbers<[1], [0], [0], [1], [0, 0, 1, 1], [], []>, transpose_lhs_hint = false} : vector<256x256xbf16>, vector<256x65xbf16>, vector<256x65xf32> -> vector<256x65xf32>
    %add3A_614 = arith.addf %add3A_526, %dot_general3A_613 : vector<256x65xf32>
    %get3A_615 = arith.constant 1536 : index
    %get3A_616 = arith.constant 128 : index
    %get3A_617 = vector.load %arg3[%get3A_615, %get3A_616] : memref<2048x512xbf16, #tpu.memory_space<vmem>>, vector<256x64xbf16>
    %dot_general3A_618 = arith.constant dense<0.000000e+00> : vector<256x256xf32>
    %dot_general3A_619 = tpu.matmul %mul3A_15, %get3A_617, %dot_general3A_618 {dimension_numbers = #tpu.dot_dimension_numbers<[1], [1], [0], [0], [0, 0, 1, 0], [], []>, transpose_lhs_hint = false} : vector<256x64xbf16>, vector<256x64xbf16>, vector<256x256xf32> -> vector<256x256xf32>
    %exp3A_620 = math.exp %dot_general3A_619 : vector<256x256xf32>
    %convert_element_type3A_621 = arith.truncf %exp3A_620 : vector<256x256xf32> to vector<256x256xbf16>
    %slice3A_622 = vector.extract_strided_slice %concatenate3A_57 {offsets = [1536, 0], sizes = [256, 65], strides = [1, 1]} : vector<2048x65xbf16> to vector<256x65xbf16>
    %dot_general3A_623 = arith.constant dense<0.000000e+00> : vector<256x65xf32>
    %dot_general3A_624 = tpu.matmul %convert_element_type3A_621, %slice3A_622, %dot_general3A_623 {dimension_numbers = #tpu.dot_dimension_numbers<[1], [0], [0], [1], [0, 0, 1, 1], [], []>, transpose_lhs_hint = false} : vector<256x256xbf16>, vector<256x65xbf16>, vector<256x65xf32> -> vector<256x65xf32>
    %add3A_625 = arith.addf %add3A_537, %dot_general3A_624 : vector<256x65xf32>
    %get3A_626 = arith.constant 1536 : index
    %get3A_627 = arith.constant 192 : index
    %get3A_628 = vector.load %arg3[%get3A_626, %get3A_627] : memref<2048x512xbf16, #tpu.memory_space<vmem>>, vector<256x64xbf16>
    %dot_general3A_629 = arith.constant dense<0.000000e+00> : vector<256x256xf32>
    %dot_general3A_630 = tpu.matmul %mul3A_21, %get3A_628, %dot_general3A_629 {dimension_numbers = #tpu.dot_dimension_numbers<[1], [1], [0], [0], [0, 0, 1, 0], [], []>, transpose_lhs_hint = false} : vector<256x64xbf16>, vector<256x64xbf16>, vector<256x256xf32> -> vector<256x256xf32>
    %exp3A_631 = math.exp %dot_general3A_630 : vector<256x256xf32>
    %convert_element_type3A_632 = arith.truncf %exp3A_631 : vector<256x256xf32> to vector<256x256xbf16>
    %slice3A_633 = vector.extract_strided_slice %concatenate3A_61 {offsets = [1536, 0], sizes = [256, 65], strides = [1, 1]} : vector<2048x65xbf16> to vector<256x65xbf16>
    %dot_general3A_634 = arith.constant dense<0.000000e+00> : vector<256x65xf32>
    %dot_general3A_635 = tpu.matmul %convert_element_type3A_632, %slice3A_633, %dot_general3A_634 {dimension_numbers = #tpu.dot_dimension_numbers<[1], [0], [0], [1], [0, 0, 1, 1], [], []>, transpose_lhs_hint = false} : vector<256x256xbf16>, vector<256x65xbf16>, vector<256x65xf32> -> vector<256x65xf32>
    %add3A_636 = arith.addf %add3A_548, %dot_general3A_635 : vector<256x65xf32>
    %get3A_637 = arith.constant 1536 : index
    %get3A_638 = arith.constant 256 : index
    %get3A_639 = vector.load %arg3[%get3A_637, %get3A_638] : memref<2048x512xbf16, #tpu.memory_space<vmem>>, vector<256x64xbf16>
    %dot_general3A_640 = arith.constant dense<0.000000e+00> : vector<256x256xf32>
    %dot_general3A_641 = tpu.matmul %mul3A_27, %get3A_639, %dot_general3A_640 {dimension_numbers = #tpu.dot_dimension_numbers<[1], [1], [0], [0], [0, 0, 1, 0], [], []>, transpose_lhs_hint = false} : vector<256x64xbf16>, vector<256x64xbf16>, vector<256x256xf32> -> vector<256x256xf32>
    %exp3A_642 = math.exp %dot_general3A_641 : vector<256x256xf32>
    %convert_element_type3A_643 = arith.truncf %exp3A_642 : vector<256x256xf32> to vector<256x256xbf16>
    %slice3A_644 = vector.extract_strided_slice %concatenate3A_65 {offsets = [1536, 0], sizes = [256, 65], strides = [1, 1]} : vector<2048x65xbf16> to vector<256x65xbf16>
    %dot_general3A_645 = arith.constant dense<0.000000e+00> : vector<256x65xf32>
    %dot_general3A_646 = tpu.matmul %convert_element_type3A_643, %slice3A_644, %dot_general3A_645 {dimension_numbers = #tpu.dot_dimension_numbers<[1], [0], [0], [1], [0, 0, 1, 1], [], []>, transpose_lhs_hint = false} : vector<256x256xbf16>, vector<256x65xbf16>, vector<256x65xf32> -> vector<256x65xf32>
    %add3A_647 = arith.addf %add3A_559, %dot_general3A_646 : vector<256x65xf32>
    %get3A_648 = arith.constant 1536 : index
    %get3A_649 = arith.constant 320 : index
    %get3A_650 = vector.load %arg3[%get3A_648, %get3A_649] : memref<2048x512xbf16, #tpu.memory_space<vmem>>, vector<256x64xbf16>
    %dot_general3A_651 = arith.constant dense<0.000000e+00> : vector<256x256xf32>
    %dot_general3A_652 = tpu.matmul %mul3A_33, %get3A_650, %dot_general3A_651 {dimension_numbers = #tpu.dot_dimension_numbers<[1], [1], [0], [0], [0, 0, 1, 0], [], []>, transpose_lhs_hint = false} : vector<256x64xbf16>, vector<256x64xbf16>, vector<256x256xf32> -> vector<256x256xf32>
    %exp3A_653 = math.exp %dot_general3A_652 : vector<256x256xf32>
    %convert_element_type3A_654 = arith.truncf %exp3A_653 : vector<256x256xf32> to vector<256x256xbf16>
    %slice3A_655 = vector.extract_strided_slice %concatenate3A_69 {offsets = [1536, 0], sizes = [256, 65], strides = [1, 1]} : vector<2048x65xbf16> to vector<256x65xbf16>
    %dot_general3A_656 = arith.constant dense<0.000000e+00> : vector<256x65xf32>
    %dot_general3A_657 = tpu.matmul %convert_element_type3A_654, %slice3A_655, %dot_general3A_656 {dimension_numbers = #tpu.dot_dimension_numbers<[1], [0], [0], [1], [0, 0, 1, 1], [], []>, transpose_lhs_hint = false} : vector<256x256xbf16>, vector<256x65xbf16>, vector<256x65xf32> -> vector<256x65xf32>
    %add3A_658 = arith.addf %add3A_570, %dot_general3A_657 : vector<256x65xf32>
    %get3A_659 = arith.constant 1536 : index
    %get3A_660 = arith.constant 384 : index
    %get3A_661 = vector.load %arg3[%get3A_659, %get3A_660] : memref<2048x512xbf16, #tpu.memory_space<vmem>>, vector<256x64xbf16>
    %dot_general3A_662 = arith.constant dense<0.000000e+00> : vector<256x256xf32>
    %dot_general3A_663 = tpu.matmul %mul3A_39, %get3A_661, %dot_general3A_662 {dimension_numbers = #tpu.dot_dimension_numbers<[1], [1], [0], [0], [0, 0, 1, 0], [], []>, transpose_lhs_hint = false} : vector<256x64xbf16>, vector<256x64xbf16>, vector<256x256xf32> -> vector<256x256xf32>
    %exp3A_664 = math.exp %dot_general3A_663 : vector<256x256xf32>
    %convert_element_type3A_665 = arith.truncf %exp3A_664 : vector<256x256xf32> to vector<256x256xbf16>
    %slice3A_666 = vector.extract_strided_slice %concatenate3A_73 {offsets = [1536, 0], sizes = [256, 65], strides = [1, 1]} : vector<2048x65xbf16> to vector<256x65xbf16>
    %dot_general3A_667 = arith.constant dense<0.000000e+00> : vector<256x65xf32>
    %dot_general3A_668 = tpu.matmul %convert_element_type3A_665, %slice3A_666, %dot_general3A_667 {dimension_numbers = #tpu.dot_dimension_numbers<[1], [0], [0], [1], [0, 0, 1, 1], [], []>, transpose_lhs_hint = false} : vector<256x256xbf16>, vector<256x65xbf16>, vector<256x65xf32> -> vector<256x65xf32>
    %add3A_669 = arith.addf %add3A_581, %dot_general3A_668 : vector<256x65xf32>
    %get3A_670 = arith.constant 1536 : index
    %get3A_671 = arith.constant 448 : index
    %get3A_672 = vector.load %arg3[%get3A_670, %get3A_671] : memref<2048x512xbf16, #tpu.memory_space<vmem>>, vector<256x64xbf16>
    %dot_general3A_673 = arith.constant dense<0.000000e+00> : vector<256x256xf32>
    %dot_general3A_674 = tpu.matmul %mul3A_45, %get3A_672, %dot_general3A_673 {dimension_numbers = #tpu.dot_dimension_numbers<[1], [1], [0], [0], [0, 0, 1, 0], [], []>, transpose_lhs_hint = false} : vector<256x64xbf16>, vector<256x64xbf16>, vector<256x256xf32> -> vector<256x256xf32>
    %exp3A_675 = math.exp %dot_general3A_674 : vector<256x256xf32>
    %convert_element_type3A_676 = arith.truncf %exp3A_675 : vector<256x256xf32> to vector<256x256xbf16>
    %slice3A_677 = vector.extract_strided_slice %concatenate3A_77 {offsets = [1536, 0], sizes = [256, 65], strides = [1, 1]} : vector<2048x65xbf16> to vector<256x65xbf16>
    %dot_general3A_678 = arith.constant dense<0.000000e+00> : vector<256x65xf32>
    %dot_general3A_679 = tpu.matmul %convert_element_type3A_676, %slice3A_677, %dot_general3A_678 {dimension_numbers = #tpu.dot_dimension_numbers<[1], [0], [0], [1], [0, 0, 1, 1], [], []>, transpose_lhs_hint = false} : vector<256x256xbf16>, vector<256x65xbf16>, vector<256x65xf32> -> vector<256x65xf32>
    %add3A_680 = arith.addf %add3A_592, %dot_general3A_679 : vector<256x65xf32>
    %get3A_681 = arith.constant 1792 : index
    %get3A_682 = arith.constant 0 : index
    %get3A_683 = vector.load %arg3[%get3A_681, %get3A_682] : memref<2048x512xbf16, #tpu.memory_space<vmem>>, vector<256x64xbf16>
    %dot_general3A_684 = arith.constant dense<0.000000e+00> : vector<256x256xf32>
    %dot_general3A_685 = tpu.matmul %mul3A_3, %get3A_683, %dot_general3A_684 {dimension_numbers = #tpu.dot_dimension_numbers<[1], [1], [0], [0], [0, 0, 1, 0], [], []>, transpose_lhs_hint = false} : vector<256x64xbf16>, vector<256x64xbf16>, vector<256x256xf32> -> vector<256x256xf32>
    %exp3A_686 = math.exp %dot_general3A_685 : vector<256x256xf32>
    %convert_element_type3A_687 = arith.truncf %exp3A_686 : vector<256x256xf32> to vector<256x256xbf16>
    %slice3A_688 = vector.extract_strided_slice %concatenate3A {offsets = [1792, 0], sizes = [256, 65], strides = [1, 1]} : vector<2048x65xbf16> to vector<256x65xbf16>
    %dot_general3A_689 = arith.constant dense<0.000000e+00> : vector<256x65xf32>
    %dot_general3A_690 = tpu.matmul %convert_element_type3A_687, %slice3A_688, %dot_general3A_689 {dimension_numbers = #tpu.dot_dimension_numbers<[1], [0], [0], [1], [0, 0, 1, 1], [], []>, transpose_lhs_hint = false} : vector<256x256xbf16>, vector<256x65xbf16>, vector<256x65xf32> -> vector<256x65xf32>
    %add3A_691 = arith.addf %add3A_603, %dot_general3A_690 : vector<256x65xf32>
    %get3A_692 = arith.constant 1792 : index
    %get3A_693 = arith.constant 64 : index
    %get3A_694 = vector.load %arg3[%get3A_692, %get3A_693] : memref<2048x512xbf16, #tpu.memory_space<vmem>>, vector<256x64xbf16>
    %dot_general3A_695 = arith.constant dense<0.000000e+00> : vector<256x256xf32>
    %dot_general3A_696 = tpu.matmul %mul3A_9, %get3A_694, %dot_general3A_695 {dimension_numbers = #tpu.dot_dimension_numbers<[1], [1], [0], [0], [0, 0, 1, 0], [], []>, transpose_lhs_hint = false} : vector<256x64xbf16>, vector<256x64xbf16>, vector<256x256xf32> -> vector<256x256xf32>
    %exp3A_697 = math.exp %dot_general3A_696 : vector<256x256xf32>
    %convert_element_type3A_698 = arith.truncf %exp3A_697 : vector<256x256xf32> to vector<256x256xbf16>
    %slice3A_699 = vector.extract_strided_slice %concatenate3A_53 {offsets = [1792, 0], sizes = [256, 65], strides = [1, 1]} : vector<2048x65xbf16> to vector<256x65xbf16>
    %dot_general3A_700 = arith.constant dense<0.000000e+00> : vector<256x65xf32>
    %dot_general3A_701 = tpu.matmul %convert_element_type3A_698, %slice3A_699, %dot_general3A_700 {dimension_numbers = #tpu.dot_dimension_numbers<[1], [0], [0], [1], [0, 0, 1, 1], [], []>, transpose_lhs_hint = false} : vector<256x256xbf16>, vector<256x65xbf16>, vector<256x65xf32> -> vector<256x65xf32>
    %add3A_702 = arith.addf %add3A_614, %dot_general3A_701 : vector<256x65xf32>
    %get3A_703 = arith.constant 1792 : index
    %get3A_704 = arith.constant 128 : index
    %get3A_705 = vector.load %arg3[%get3A_703, %get3A_704] : memref<2048x512xbf16, #tpu.memory_space<vmem>>, vector<256x64xbf16>
    %dot_general3A_706 = arith.constant dense<0.000000e+00> : vector<256x256xf32>
    %dot_general3A_707 = tpu.matmul %mul3A_15, %get3A_705, %dot_general3A_706 {dimension_numbers = #tpu.dot_dimension_numbers<[1], [1], [0], [0], [0, 0, 1, 0], [], []>, transpose_lhs_hint = false} : vector<256x64xbf16>, vector<256x64xbf16>, vector<256x256xf32> -> vector<256x256xf32>
    %exp3A_708 = math.exp %dot_general3A_707 : vector<256x256xf32>
    %convert_element_type3A_709 = arith.truncf %exp3A_708 : vector<256x256xf32> to vector<256x256xbf16>
    %slice3A_710 = vector.extract_strided_slice %concatenate3A_57 {offsets = [1792, 0], sizes = [256, 65], strides = [1, 1]} : vector<2048x65xbf16> to vector<256x65xbf16>
    %dot_general3A_711 = arith.constant dense<0.000000e+00> : vector<256x65xf32>
    %dot_general3A_712 = tpu.matmul %convert_element_type3A_709, %slice3A_710, %dot_general3A_711 {dimension_numbers = #tpu.dot_dimension_numbers<[1], [0], [0], [1], [0, 0, 1, 1], [], []>, transpose_lhs_hint = false} : vector<256x256xbf16>, vector<256x65xbf16>, vector<256x65xf32> -> vector<256x65xf32>
    %add3A_713 = arith.addf %add3A_625, %dot_general3A_712 : vector<256x65xf32>
    %get3A_714 = arith.constant 1792 : index
    %get3A_715 = arith.constant 192 : index
    %get3A_716 = vector.load %arg3[%get3A_714, %get3A_715] : memref<2048x512xbf16, #tpu.memory_space<vmem>>, vector<256x64xbf16>
    %dot_general3A_717 = arith.constant dense<0.000000e+00> : vector<256x256xf32>
    %dot_general3A_718 = tpu.matmul %mul3A_21, %get3A_716, %dot_general3A_717 {dimension_numbers = #tpu.dot_dimension_numbers<[1], [1], [0], [0], [0, 0, 1, 0], [], []>, transpose_lhs_hint = false} : vector<256x64xbf16>, vector<256x64xbf16>, vector<256x256xf32> -> vector<256x256xf32>
    %exp3A_719 = math.exp %dot_general3A_718 : vector<256x256xf32>
    %convert_element_type3A_720 = arith.truncf %exp3A_719 : vector<256x256xf32> to vector<256x256xbf16>
    %slice3A_721 = vector.extract_strided_slice %concatenate3A_61 {offsets = [1792, 0], sizes = [256, 65], strides = [1, 1]} : vector<2048x65xbf16> to vector<256x65xbf16>
    %dot_general3A_722 = arith.constant dense<0.000000e+00> : vector<256x65xf32>
    %dot_general3A_723 = tpu.matmul %convert_element_type3A_720, %slice3A_721, %dot_general3A_722 {dimension_numbers = #tpu.dot_dimension_numbers<[1], [0], [0], [1], [0, 0, 1, 1], [], []>, transpose_lhs_hint = false} : vector<256x256xbf16>, vector<256x65xbf16>, vector<256x65xf32> -> vector<256x65xf32>
    %add3A_724 = arith.addf %add3A_636, %dot_general3A_723 : vector<256x65xf32>
    %get3A_725 = arith.constant 1792 : index
    %get3A_726 = arith.constant 256 : index
    %get3A_727 = vector.load %arg3[%get3A_725, %get3A_726] : memref<2048x512xbf16, #tpu.memory_space<vmem>>, vector<256x64xbf16>
    %dot_general3A_728 = arith.constant dense<0.000000e+00> : vector<256x256xf32>
    %dot_general3A_729 = tpu.matmul %mul3A_27, %get3A_727, %dot_general3A_728 {dimension_numbers = #tpu.dot_dimension_numbers<[1], [1], [0], [0], [0, 0, 1, 0], [], []>, transpose_lhs_hint = false} : vector<256x64xbf16>, vector<256x64xbf16>, vector<256x256xf32> -> vector<256x256xf32>
    %exp3A_730 = math.exp %dot_general3A_729 : vector<256x256xf32>
    %convert_element_type3A_731 = arith.truncf %exp3A_730 : vector<256x256xf32> to vector<256x256xbf16>
    %slice3A_732 = vector.extract_strided_slice %concatenate3A_65 {offsets = [1792, 0], sizes = [256, 65], strides = [1, 1]} : vector<2048x65xbf16> to vector<256x65xbf16>
    %dot_general3A_733 = arith.constant dense<0.000000e+00> : vector<256x65xf32>
    %dot_general3A_734 = tpu.matmul %convert_element_type3A_731, %slice3A_732, %dot_general3A_733 {dimension_numbers = #tpu.dot_dimension_numbers<[1], [0], [0], [1], [0, 0, 1, 1], [], []>, transpose_lhs_hint = false} : vector<256x256xbf16>, vector<256x65xbf16>, vector<256x65xf32> -> vector<256x65xf32>
    %add3A_735 = arith.addf %add3A_647, %dot_general3A_734 : vector<256x65xf32>
    %get3A_736 = arith.constant 1792 : index
    %get3A_737 = arith.constant 320 : index
    %get3A_738 = vector.load %arg3[%get3A_736, %get3A_737] : memref<2048x512xbf16, #tpu.memory_space<vmem>>, vector<256x64xbf16>
    %dot_general3A_739 = arith.constant dense<0.000000e+00> : vector<256x256xf32>
    %dot_general3A_740 = tpu.matmul %mul3A_33, %get3A_738, %dot_general3A_739 {dimension_numbers = #tpu.dot_dimension_numbers<[1], [1], [0], [0], [0, 0, 1, 0], [], []>, transpose_lhs_hint = false} : vector<256x64xbf16>, vector<256x64xbf16>, vector<256x256xf32> -> vector<256x256xf32>
    %exp3A_741 = math.exp %dot_general3A_740 : vector<256x256xf32>
    %convert_element_type3A_742 = arith.truncf %exp3A_741 : vector<256x256xf32> to vector<256x256xbf16>
    %slice3A_743 = vector.extract_strided_slice %concatenate3A_69 {offsets = [1792, 0], sizes = [256, 65], strides = [1, 1]} : vector<2048x65xbf16> to vector<256x65xbf16>
    %dot_general3A_744 = arith.constant dense<0.000000e+00> : vector<256x65xf32>
    %dot_general3A_745 = tpu.matmul %convert_element_type3A_742, %slice3A_743, %dot_general3A_744 {dimension_numbers = #tpu.dot_dimension_numbers<[1], [0], [0], [1], [0, 0, 1, 1], [], []>, transpose_lhs_hint = false} : vector<256x256xbf16>, vector<256x65xbf16>, vector<256x65xf32> -> vector<256x65xf32>
    %add3A_746 = arith.addf %add3A_658, %dot_general3A_745 : vector<256x65xf32>
    %get3A_747 = arith.constant 1792 : index
    %get3A_748 = arith.constant 384 : index
    %get3A_749 = vector.load %arg3[%get3A_747, %get3A_748] : memref<2048x512xbf16, #tpu.memory_space<vmem>>, vector<256x64xbf16>
    %dot_general3A_750 = arith.constant dense<0.000000e+00> : vector<256x256xf32>
    %dot_general3A_751 = tpu.matmul %mul3A_39, %get3A_749, %dot_general3A_750 {dimension_numbers = #tpu.dot_dimension_numbers<[1], [1], [0], [0], [0, 0, 1, 0], [], []>, transpose_lhs_hint = false} : vector<256x64xbf16>, vector<256x64xbf16>, vector<256x256xf32> -> vector<256x256xf32>
    %exp3A_752 = math.exp %dot_general3A_751 : vector<256x256xf32>
    %convert_element_type3A_753 = arith.truncf %exp3A_752 : vector<256x256xf32> to vector<256x256xbf16>
    %slice3A_754 = vector.extract_strided_slice %concatenate3A_73 {offsets = [1792, 0], sizes = [256, 65], strides = [1, 1]} : vector<2048x65xbf16> to vector<256x65xbf16>
    %dot_general3A_755 = arith.constant dense<0.000000e+00> : vector<256x65xf32>
    %dot_general3A_756 = tpu.matmul %convert_element_type3A_753, %slice3A_754, %dot_general3A_755 {dimension_numbers = #tpu.dot_dimension_numbers<[1], [0], [0], [1], [0, 0, 1, 1], [], []>, transpose_lhs_hint = false} : vector<256x256xbf16>, vector<256x65xbf16>, vector<256x65xf32> -> vector<256x65xf32>
    %add3A_757 = arith.addf %add3A_669, %dot_general3A_756 : vector<256x65xf32>
    %get3A_758 = arith.constant 1792 : index
    %get3A_759 = arith.constant 448 : index
    %get3A_760 = vector.load %arg3[%get3A_758, %get3A_759] : memref<2048x512xbf16, #tpu.memory_space<vmem>>, vector<256x64xbf16>
    %dot_general3A_761 = arith.constant dense<0.000000e+00> : vector<256x256xf32>
    %dot_general3A_762 = tpu.matmul %mul3A_45, %get3A_760, %dot_general3A_761 {dimension_numbers = #tpu.dot_dimension_numbers<[1], [1], [0], [0], [0, 0, 1, 0], [], []>, transpose_lhs_hint = false} : vector<256x64xbf16>, vector<256x64xbf16>, vector<256x256xf32> -> vector<256x256xf32>
    %exp3A_763 = math.exp %dot_general3A_762 : vector<256x256xf32>
    %convert_element_type3A_764 = arith.truncf %exp3A_763 : vector<256x256xf32> to vector<256x256xbf16>
    %slice3A_765 = vector.extract_strided_slice %concatenate3A_77 {offsets = [1792, 0], sizes = [256, 65], strides = [1, 1]} : vector<2048x65xbf16> to vector<256x65xbf16>
    %dot_general3A_766 = arith.constant dense<0.000000e+00> : vector<256x65xf32>
    %dot_general3A_767 = tpu.matmul %convert_element_type3A_764, %slice3A_765, %dot_general3A_766 {dimension_numbers = #tpu.dot_dimension_numbers<[1], [0], [0], [1], [0, 0, 1, 1], [], []>, transpose_lhs_hint = false} : vector<256x256xbf16>, vector<256x65xbf16>, vector<256x65xf32> -> vector<256x65xf32>
    %add3A_768 = arith.addf %add3A_680, %dot_general3A_767 : vector<256x65xf32>
    %slice3A_769 = vector.extract_strided_slice %add3A_691 {offsets = [0, 0], sizes = [256, 64], strides = [1, 1]} : vector<256x65xf32> to vector<256x64xf32>
    %slice3A_770 = vector.extract_strided_slice %add3A_691 {offsets = [0, 64], sizes = [256, 1], strides = [1, 1]} : vector<256x65xf32> to vector<256x1xf32>
    %div3A = arith.constant 1.000000e+00 : f32
    %div3A_771 = vector.broadcast %div3A : f32 to vector<256x1xf32>
    %div3A_772 = arith.divf %div3A_771, %slice3A_770 : vector<256x1xf32>
    %mul3A_773 = vector.broadcast %div3A_772 : vector<256x1xf32> to vector<256x64xf32>
    %mul3A_774 = arith.mulf %slice3A_769, %mul3A_773 : vector<256x64xf32>
    %slice3A_775 = vector.extract_strided_slice %add3A_702 {offsets = [0, 0], sizes = [256, 64], strides = [1, 1]} : vector<256x65xf32> to vector<256x64xf32>
    %slice3A_776 = vector.extract_strided_slice %add3A_702 {offsets = [0, 64], sizes = [256, 1], strides = [1, 1]} : vector<256x65xf32> to vector<256x1xf32>
    %div3A_777 = arith.constant 1.000000e+00 : f32
    %div3A_778 = vector.broadcast %div3A_777 : f32 to vector<256x1xf32>
    %div3A_779 = arith.divf %div3A_778, %slice3A_776 : vector<256x1xf32>
    %mul3A_780 = vector.broadcast %div3A_779 : vector<256x1xf32> to vector<256x64xf32>
    %mul3A_781 = arith.mulf %slice3A_775, %mul3A_780 : vector<256x64xf32>
    %slice3A_782 = vector.extract_strided_slice %add3A_713 {offsets = [0, 0], sizes = [256, 64], strides = [1, 1]} : vector<256x65xf32> to vector<256x64xf32>
    %slice3A_783 = vector.extract_strided_slice %add3A_713 {offsets = [0, 64], sizes = [256, 1], strides = [1, 1]} : vector<256x65xf32> to vector<256x1xf32>
    %div3A_784 = arith.constant 1.000000e+00 : f32
    %div3A_785 = vector.broadcast %div3A_784 : f32 to vector<256x1xf32>
    %div3A_786 = arith.divf %div3A_785, %slice3A_783 : vector<256x1xf32>
    %mul3A_787 = vector.broadcast %div3A_786 : vector<256x1xf32> to vector<256x64xf32>
    %mul3A_788 = arith.mulf %slice3A_782, %mul3A_787 : vector<256x64xf32>
    %slice3A_789 = vector.extract_strided_slice %add3A_724 {offsets = [0, 0], sizes = [256, 64], strides = [1, 1]} : vector<256x65xf32> to vector<256x64xf32>
    %slice3A_790 = vector.extract_strided_slice %add3A_724 {offsets = [0, 64], sizes = [256, 1], strides = [1, 1]} : vector<256x65xf32> to vector<256x1xf32>
    %div3A_791 = arith.constant 1.000000e+00 : f32
    %div3A_792 = vector.broadcast %div3A_791 : f32 to vector<256x1xf32>
    %div3A_793 = arith.divf %div3A_792, %slice3A_790 : vector<256x1xf32>
    %mul3A_794 = vector.broadcast %div3A_793 : vector<256x1xf32> to vector<256x64xf32>
    %mul3A_795 = arith.mulf %slice3A_789, %mul3A_794 : vector<256x64xf32>
    %slice3A_796 = vector.extract_strided_slice %add3A_735 {offsets = [0, 0], sizes = [256, 64], strides = [1, 1]} : vector<256x65xf32> to vector<256x64xf32>
    %slice3A_797 = vector.extract_strided_slice %add3A_735 {offsets = [0, 64], sizes = [256, 1], strides = [1, 1]} : vector<256x65xf32> to vector<256x1xf32>
    %div3A_798 = arith.constant 1.000000e+00 : f32
    %div3A_799 = vector.broadcast %div3A_798 : f32 to vector<256x1xf32>
    %div3A_800 = arith.divf %div3A_799, %slice3A_797 : vector<256x1xf32>
    %mul3A_801 = vector.broadcast %div3A_800 : vector<256x1xf32> to vector<256x64xf32>
    %mul3A_802 = arith.mulf %slice3A_796, %mul3A_801 : vector<256x64xf32>
    %slice3A_803 = vector.extract_strided_slice %add3A_746 {offsets = [0, 0], sizes = [256, 64], strides = [1, 1]} : vector<256x65xf32> to vector<256x64xf32>
    %slice3A_804 = vector.extract_strided_slice %add3A_746 {offsets = [0, 64], sizes = [256, 1], strides = [1, 1]} : vector<256x65xf32> to vector<256x1xf32>
    %div3A_805 = arith.constant 1.000000e+00 : f32
    %div3A_806 = vector.broadcast %div3A_805 : f32 to vector<256x1xf32>
    %div3A_807 = arith.divf %div3A_806, %slice3A_804 : vector<256x1xf32>
    %mul3A_808 = vector.broadcast %div3A_807 : vector<256x1xf32> to vector<256x64xf32>
    %mul3A_809 = arith.mulf %slice3A_803, %mul3A_808 : vector<256x64xf32>
    %slice3A_810 = vector.extract_strided_slice %add3A_757 {offsets = [0, 0], sizes = [256, 64], strides = [1, 1]} : vector<256x65xf32> to vector<256x64xf32>
    %slice3A_811 = vector.extract_strided_slice %add3A_757 {offsets = [0, 64], sizes = [256, 1], strides = [1, 1]} : vector<256x65xf32> to vector<256x1xf32>
    %div3A_812 = arith.constant 1.000000e+00 : f32
    %div3A_813 = vector.broadcast %div3A_812 : f32 to vector<256x1xf32>
    %div3A_814 = arith.divf %div3A_813, %slice3A_811 : vector<256x1xf32>
    %mul3A_815 = vector.broadcast %div3A_814 : vector<256x1xf32> to vector<256x64xf32>
    %mul3A_816 = arith.mulf %slice3A_810, %mul3A_815 : vector<256x64xf32>
    %slice3A_817 = vector.extract_strided_slice %add3A_768 {offsets = [0, 0], sizes = [256, 64], strides = [1, 1]} : vector<256x65xf32> to vector<256x64xf32>
    %slice3A_818 = vector.extract_strided_slice %add3A_768 {offsets = [0, 64], sizes = [256, 1], strides = [1, 1]} : vector<256x65xf32> to vector<256x1xf32>
    %div3A_819 = arith.constant 1.000000e+00 : f32
    %div3A_820 = vector.broadcast %div3A_819 : f32 to vector<256x1xf32>
    %div3A_821 = arith.divf %div3A_820, %slice3A_818 : vector<256x1xf32>
    %mul3A_822 = vector.broadcast %div3A_821 : vector<256x1xf32> to vector<256x64xf32>
    %mul3A_823 = arith.mulf %slice3A_817, %mul3A_822 : vector<256x64xf32>
    %concatenate3A_824 = tpu.concatenate %mul3A_774, %mul3A_781, %mul3A_788, %mul3A_795, %mul3A_802, %mul3A_809, %mul3A_816, %mul3A_823 in 1 : vector<256x64xf32>, vector<256x64xf32>, vector<256x64xf32>, vector<256x64xf32>, vector<256x64xf32>, vector<256x64xf32>, vector<256x64xf32>, vector<256x64xf32> -> vector<256x512xf32>
    %convert_element_type3A_825 = arith.truncf %concatenate3A_824 : vector<256x512xf32> to vector<256x512xbf16>
    %swap3A = arith.constant 0 : index
    %swap3A_826 = arith.constant 0 : index
    %swap3A_827 = vector.load %arg5[%swap3A, %swap3A_826] : memref<256x512xbf16, #tpu.memory_space<vmem>>, vector<256x512xbf16>
    tpu.vector_store %arg5[%swap3A, %swap3A_826], %convert_element_type3A_825 {strides = array<i32>} : memref<256x512xbf16, #tpu.memory_space<vmem>>, vector<256x512xbf16>,
    return
  }
  func.func @transform_0(%arg0: i32, %arg1: i32) -> (i32, i32) {
    %c0_i32 = arith.constant 0 : i32
    return %arg1, %arg0 : i32, i32
  }
  func.func @transform_1(%arg0: i32, %arg1: i32) -> (i32, i32) {
    %add3A = arith.constant 2 : i32
    %add3A_0 = arith.addi %add3A, %arg0 : i32
    %c0_i32 = arith.constant 0 : i32
    %c0_i32_1 = arith.constant 0 : i32
    return %c0_i32, %add3A_0 : i32, i32
  }
  func.func @transform_2(%arg0: i32, %arg1: i32) -> (i32, i32) {
    %add3A = arith.constant 4 : i32
    %add3A_0 = arith.addi %add3A, %arg0 : i32
    %c0_i32 = arith.constant 0 : i32
    %c0_i32_1 = arith.constant 0 : i32
    return %c0_i32, %add3A_0 : i32, i32
  }
  func.func @transform_3(%arg0: i32, %arg1: i32) -> (i32, i32) {
    %c0_i32 = arith.constant 0 : i32
    return %arg1, %arg0 : i32, i32
  }
}

module attributes {stable_mosaic.version = 14 : i64} {
  func.func @_post_body(%arg0: i32, %arg1: memref<256x1024xf32, #tpu.memory_space<vmem>>, %arg2: memref<256x1024xbf16, #tpu.memory_space<vmem>>, %arg3: memref<1024x1024xbf16, #tpu.memory_space<vmem>>, %arg4: memref<1x1024xf32, #tpu.memory_space<vmem>>, %arg5: memref<1x1024xf32, #tpu.memory_space<vmem>>, %arg6: memref<1x1024xf32, #tpu.memory_space<vmem>>, %arg7: memref<1024x256xbf16, #tpu.memory_space<vmem>>, %arg8: memref<1x256xf32, #tpu.memory_space<vmem>>, %arg9: memref<256x1024xbf16, #tpu.memory_space<vmem>>, %arg10: memref<1x1024xf32, #tpu.memory_space<vmem>>, %arg11: memref<1024x128xf32, #tpu.memory_space<vmem>>, %arg12: memref<1x128xf32, #tpu.memory_space<vmem>>, %arg13: memref<1024x128xf32, #tpu.memory_space<vmem>>, %arg14: memref<1x128xf32, #tpu.memory_space<vmem>>, %arg15: memref<256x128xf32, #tpu.memory_space<vmem>>, %arg16: memref<256x1024xf32, #tpu.memory_space<vmem>>, %arg17: memref<256x512xi32, #tpu.memory_space<vmem>>, %arg18: memref<256x128xf32, #tpu.memory_space<vmem>>) attributes {dimension_semantics = [#tpu.dimension_semantics<arbitrary>], iteration_bounds = array<i64: 8>, scalar_prefetch = 0 : i64, scratch_operands = 0 : i64, tpu.core_type = #tpu.core_type<tc>, window_params = [{transform_indices = @transform_0, window_bounds = array<i64: 256, 1024>}, {transform_indices = @transform_1, window_bounds = array<i64: 256, 1024>}, {pipeline_mode = #tpu.pipeline_mode<synchronous>, transform_indices = @transform_2, window_bounds = array<i64: 1024, 1024>}, {pipeline_mode = #tpu.pipeline_mode<synchronous>, transform_indices = @transform_3, window_bounds = array<i64: 1, 1024>}, {pipeline_mode = #tpu.pipeline_mode<synchronous>, transform_indices = @transform_4, window_bounds = array<i64: 1, 1024>}, {pipeline_mode = #tpu.pipeline_mode<synchronous>, transform_indices = @transform_5, window_bounds = array<i64: 1, 1024>}, {pipeline_mode = #tpu.pipeline_mode<synchronous>, transform_indices = @transform_6, window_bounds = array<i64: 1024, 256>}, {pipeline_mode = #tpu.pipeline_mode<synchronous>, transform_indices = @transform_7, window_bounds = array<i64: 1, 256>}, {pipeline_mode = #tpu.pipeline_mode<synchronous>, transform_indices = @transform_8, window_bounds = array<i64: 256, 1024>}, {pipeline_mode = #tpu.pipeline_mode<synchronous>, transform_indices = @transform_9, window_bounds = array<i64: 1, 1024>}, {pipeline_mode = #tpu.pipeline_mode<synchronous>, transform_indices = @transform_10, window_bounds = array<i64: 1024, 128>}, {pipeline_mode = #tpu.pipeline_mode<synchronous>, transform_indices = @transform_11, window_bounds = array<i64: 1, 128>}, {pipeline_mode = #tpu.pipeline_mode<synchronous>, transform_indices = @transform_12, window_bounds = array<i64: 1024, 128>}, {pipeline_mode = #tpu.pipeline_mode<synchronous>, transform_indices = @transform_13, window_bounds = array<i64: 1, 128>}, {transform_indices = @transform_14, window_bounds = array<i64: 256, 128>}, {transform_indices = @transform_15, window_bounds = array<i64: 256, 1024>}, {transform_indices = @transform_16, window_bounds = array<i64: 256, 512>}, {transform_indices = @transform_17, window_bounds = array<i64: 256, 128>}]} {
    %get3A = arith.constant 0 : index
    %get3A_0 = arith.constant 0 : index
    %get3A_1 = vector.load %arg1[%get3A, %get3A_0] : memref<256x1024xf32, #tpu.memory_space<vmem>>, vector<256x1024xf32>
    %get3A_2 = arith.constant 0 : index
    %get3A_3 = arith.constant 0 : index
    %get3A_4 = vector.load %arg2[%get3A_2, %get3A_3] : memref<256x1024xbf16, #tpu.memory_space<vmem>>, vector<256x1024xbf16>
    %get3A_5 = arith.constant 0 : index
    %get3A_6 = arith.constant 0 : index
    %get3A_7 = vector.load %arg3[%get3A_5, %get3A_6] : memref<1024x1024xbf16, #tpu.memory_space<vmem>>, vector<1024x1024xbf16>
    %dot_general3A = arith.constant dense<0.000000e+00> : vector<256x1024xf32>
    %dot_general3A_8 = tpu.matmul %get3A_4, %get3A_7, %dot_general3A {dimension_numbers = #tpu.dot_dimension_numbers<[1], [0], [0], [1], [0, 0, 1, 1], [], []>, transpose_lhs_hint = false} : vector<256x1024xbf16>, vector<1024x1024xbf16>, vector<256x1024xf32> -> vector<256x1024xf32>
    %add3A = arith.addf %get3A_1, %dot_general3A_8 : vector<256x1024xf32>
    %get3A_9 = arith.constant 0 : index
    %get3A_10 = arith.constant 0 : index
    %get3A_11 = vector.load %arg4[%get3A_9, %get3A_10] : memref<1x1024xf32, #tpu.memory_space<vmem>>, vector<1x1024xf32>
    %add3A_12 = vector.broadcast %get3A_11 : vector<1x1024xf32> to vector<256x1024xf32>
    %add3A_13 = arith.addf %add3A, %add3A_12 : vector<256x1024xf32>
    %reduce_sum3A = arith.constant dense<0.000000e+00> : vector<256xf32>
    %reduce_sum3A_14 = vector.multi_reduction <add>, %add3A_13, %reduce_sum3A [1] : vector<256x1024xf32> to vector<256xf32>
    %broadcast_in_dim3A = vector.shape_cast %reduce_sum3A_14 : vector<256xf32> to vector<256x1xf32>
    %div3A = arith.constant 1.024000e+03 : f32
    %div3A_15 = vector.broadcast %div3A : f32 to vector<256x1xf32>
    %div3A_16 = arith.divf %broadcast_in_dim3A, %div3A_15 : vector<256x1xf32>
    %sub3A = vector.broadcast %div3A_16 : vector<256x1xf32> to vector<256x1024xf32>
    %sub3A_17 = arith.subf %add3A_13, %sub3A : vector<256x1024xf32>
    %integer_pow3A = arith.mulf %sub3A_17, %sub3A_17 : vector<256x1024xf32>
    %reduce_sum3A_18 = arith.constant dense<0.000000e+00> : vector<256xf32>
    %reduce_sum3A_19 = vector.multi_reduction <add>, %integer_pow3A, %reduce_sum3A_18 [1] : vector<256x1024xf32> to vector<256xf32>
    %broadcast_in_dim3A_20 = vector.shape_cast %reduce_sum3A_19 : vector<256xf32> to vector<256x1xf32>
    %div3A_21 = arith.constant 1.024000e+03 : f32
    %div3A_22 = vector.broadcast %div3A_21 : f32 to vector<256x1xf32>
    %div3A_23 = arith.divf %broadcast_in_dim3A_20, %div3A_22 : vector<256x1xf32>
    %sub3A_24 = vector.broadcast %div3A_16 : vector<256x1xf32> to vector<256x1024xf32>
    %sub3A_25 = arith.subf %add3A_13, %sub3A_24 : vector<256x1024xf32>
    %add3A_26 = arith.constant 9.99999974E-6 : f32
    %add3A_27 = vector.broadcast %add3A_26 : f32 to vector<256x1xf32>
    %add3A_28 = arith.addf %div3A_23, %add3A_27 : vector<256x1xf32>
    %rsqrt3A = math.rsqrt %add3A_28 : vector<256x1xf32>
    %mul3A = vector.broadcast %rsqrt3A : vector<256x1xf32> to vector<256x1024xf32>
    %mul3A_29 = arith.mulf %sub3A_25, %mul3A : vector<256x1024xf32>
    %get3A_30 = arith.constant 0 : index
    %get3A_31 = arith.constant 0 : index
    %get3A_32 = vector.load %arg5[%get3A_30, %get3A_31] : memref<1x1024xf32, #tpu.memory_space<vmem>>, vector<1x1024xf32>
    %mul3A_33 = vector.broadcast %get3A_32 : vector<1x1024xf32> to vector<256x1024xf32>
    %mul3A_34 = arith.mulf %mul3A_29, %mul3A_33 : vector<256x1024xf32>
    %get3A_35 = arith.constant 0 : index
    %get3A_36 = arith.constant 0 : index
    %get3A_37 = vector.load %arg6[%get3A_35, %get3A_36] : memref<1x1024xf32, #tpu.memory_space<vmem>>, vector<1x1024xf32>
    %add3A_38 = vector.broadcast %get3A_37 : vector<1x1024xf32> to vector<256x1024xf32>
    %add3A_39 = arith.addf %mul3A_34, %add3A_38 : vector<256x1024xf32>
    %get3A_40 = arith.constant 0 : index
    %get3A_41 = arith.constant 0 : index
    %get3A_42 = vector.load %arg11[%get3A_40, %get3A_41] : memref<1024x128xf32, #tpu.memory_space<vmem>>, vector<1024x128xf32>
    %dot_general3A_43 = arith.constant dense<0.000000e+00> : vector<256x128xf32>
    %dot_general3A_44 = tpu.matmul %add3A_39, %get3A_42, %dot_general3A_43 {dimension_numbers = #tpu.dot_dimension_numbers<[1], [0], [0], [1], [0, 0, 1, 1], [], []>, transpose_lhs_hint = false} : vector<256x1024xf32>, vector<1024x128xf32>, vector<256x128xf32> -> vector<256x128xf32>
    %get3A_45 = arith.constant 0 : index
    %get3A_46 = arith.constant 0 : index
    %get3A_47 = vector.load %arg12[%get3A_45, %get3A_46] : memref<1x128xf32, #tpu.memory_space<vmem>>, vector<1x128xf32>
    %add3A_48 = vector.broadcast %get3A_47 : vector<1x128xf32> to vector<256x128xf32>
    %add3A_49 = arith.addf %dot_general3A_44, %add3A_48 : vector<256x128xf32>
    %get3A_50 = arith.constant 0 : index
    %get3A_51 = arith.constant 0 : index
    %get3A_52 = vector.load %arg13[%get3A_50, %get3A_51] : memref<1024x128xf32, #tpu.memory_space<vmem>>, vector<1024x128xf32>
    %dot_general3A_53 = arith.constant dense<0.000000e+00> : vector<256x128xf32>
    %dot_general3A_54 = tpu.matmul %add3A_39, %get3A_52, %dot_general3A_53 {dimension_numbers = #tpu.dot_dimension_numbers<[1], [0], [0], [1], [0, 0, 1, 1], [], []>, transpose_lhs_hint = false} : vector<256x1024xf32>, vector<1024x128xf32>, vector<256x128xf32> -> vector<256x128xf32>
    %get3A_55 = arith.constant 0 : index
    %get3A_56 = arith.constant 0 : index
    %get3A_57 = vector.load %arg14[%get3A_55, %get3A_56] : memref<1x128xf32, #tpu.memory_space<vmem>>, vector<1x128xf32>
    %add3A_58 = vector.broadcast %get3A_57 : vector<1x128xf32> to vector<256x128xf32>
    %add3A_59 = arith.addf %dot_general3A_54, %add3A_58 : vector<256x128xf32>
    %get3A_60 = arith.constant 0 : index
    %get3A_61 = arith.constant 0 : index
    %get3A_62 = vector.load %arg15[%get3A_60, %get3A_61] : memref<256x128xf32, #tpu.memory_space<vmem>>, vector<256x128xf32>
    %max3A = arith.constant 0.000000e+00 : f32
    %max3A_63 = vector.broadcast %max3A : f32 to vector<256x128xf32>
    %max3A_64 = arith.maximumf %add3A_59, %max3A_63 : vector<256x128xf32>
    %abs3A = math.absf %add3A_59 : vector<256x128xf32>
    %neg3A = arith.constant 0.000000e+00 : f32
    %neg3A_65 = vector.broadcast %neg3A : f32 to vector<256x128xf32>
    %neg3A_66 = arith.subf %neg3A_65, %abs3A : vector<256x128xf32>
    %exp3A = math.exp %neg3A_66 : vector<256x128xf32>
    %log1p3A = math.log1p %exp3A : vector<256x128xf32>
    %add3A_67 = arith.addf %max3A_64, %log1p3A : vector<256x128xf32>
    %mul3A_68 = arith.mulf %get3A_62, %add3A_67 : vector<256x128xf32>
    %add3A_69 = arith.addf %add3A_49, %mul3A_68 : vector<256x128xf32>
    %convert_element_type3A = arith.truncf %add3A_39 : vector<256x1024xf32> to vector<256x1024xbf16>
    %get3A_70 = arith.constant 0 : index
    %get3A_71 = arith.constant 0 : index
    %get3A_72 = vector.load %arg7[%get3A_70, %get3A_71] : memref<1024x256xbf16, #tpu.memory_space<vmem>>, vector<1024x256xbf16>
    %dot_general3A_73 = arith.constant dense<0.000000e+00> : vector<256x256xf32>
    %dot_general3A_74 = tpu.matmul %convert_element_type3A, %get3A_72, %dot_general3A_73 {dimension_numbers = #tpu.dot_dimension_numbers<[1], [0], [0], [1], [0, 0, 1, 1], [], []>, transpose_lhs_hint = false} : vector<256x1024xbf16>, vector<1024x256xbf16>, vector<256x256xf32> -> vector<256x256xf32>
    %get3A_75 = arith.constant 0 : index
    %get3A_76 = arith.constant 0 : index
    %get3A_77 = vector.load %arg8[%get3A_75, %get3A_76] : memref<1x256xf32, #tpu.memory_space<vmem>>, vector<1x256xf32>
    %add3A_78 = vector.broadcast %get3A_77 : vector<1x256xf32> to vector<256x256xf32>
    %add3A_79 = arith.addf %dot_general3A_74, %add3A_78 : vector<256x256xf32>
    %mul3A_80 = arith.constant 5.000000e-01 : f32
    %mul3A_81 = vector.broadcast %mul3A_80 : f32 to vector<256x256xf32>
    %mul3A_82 = arith.mulf %mul3A_81, %add3A_79 : vector<256x256xf32>
    %mul3A_83 = arith.constant 0.707106769 : f32
    %mul3A_84 = vector.broadcast %mul3A_83 : f32 to vector<256x256xf32>
    %mul3A_85 = arith.mulf %add3A_79, %mul3A_84 : vector<256x256xf32>
    %erf3A = math.erf %mul3A_85 : vector<256x256xf32>
    %add3A_86 = arith.constant 1.000000e+00 : f32
    %add3A_87 = vector.broadcast %add3A_86 : f32 to vector<256x256xf32>
    %add3A_88 = arith.addf %add3A_87, %erf3A : vector<256x256xf32>
    %mul3A_89 = arith.mulf %mul3A_82, %add3A_88 : vector<256x256xf32>
    %convert_element_type3A_90 = arith.truncf %mul3A_89 : vector<256x256xf32> to vector<256x256xbf16>
    %get3A_91 = arith.constant 0 : index
    %get3A_92 = arith.constant 0 : index
    %get3A_93 = vector.load %arg9[%get3A_91, %get3A_92] : memref<256x1024xbf16, #tpu.memory_space<vmem>>, vector<256x1024xbf16>
    %dot_general3A_94 = arith.constant dense<0.000000e+00> : vector<256x1024xf32>
    %dot_general3A_95 = tpu.matmul %convert_element_type3A_90, %get3A_93, %dot_general3A_94 {dimension_numbers = #tpu.dot_dimension_numbers<[1], [0], [0], [1], [0, 0, 1, 1], [], []>, transpose_lhs_hint = false} : vector<256x256xbf16>, vector<256x1024xbf16>, vector<256x1024xf32> -> vector<256x1024xf32>
    %add3A_96 = arith.addf %add3A_13, %dot_general3A_95 : vector<256x1024xf32>
    %get3A_97 = arith.constant 0 : index
    %get3A_98 = arith.constant 0 : index
    %get3A_99 = vector.load %arg10[%get3A_97, %get3A_98] : memref<1x1024xf32, #tpu.memory_space<vmem>>, vector<1x1024xf32>
    %add3A_100 = vector.broadcast %get3A_99 : vector<1x1024xf32> to vector<256x1024xf32>
    %add3A_101 = arith.addf %add3A_96, %add3A_100 : vector<256x1024xf32>
    %swap3A = arith.constant 0 : index
    %swap3A_102 = arith.constant 0 : index
    %swap3A_103 = vector.load %arg16[%swap3A, %swap3A_102] : memref<256x1024xf32, #tpu.memory_space<vmem>>, vector<256x1024xf32>
    tpu.vector_store %arg16[%swap3A, %swap3A_102], %add3A_101 {strides = array<i32>} : memref<256x1024xf32, #tpu.memory_space<vmem>>, vector<256x1024xf32>,
    %convert_element_type3A_104 = arith.truncf %add3A_39 : vector<256x1024xf32> to vector<256x1024xbf16>
    %reshape3A = vector.shape_cast %convert_element_type3A_104 : vector<256x1024xbf16> to vector<256x8x128xbf16>
    %bitcast3A = tpu.bitcast %reshape3A : vector<256x8x128xbf16> -> vector<256x4x128xi32>
    %reshape3A_105 = vector.shape_cast %bitcast3A : vector<256x4x128xi32> to vector<256x512xi32>
    %swap3A_106 = arith.constant 0 : index
    %swap3A_107 = arith.constant 0 : index
    %swap3A_108 = vector.load %arg17[%swap3A_106, %swap3A_107] : memref<256x512xi32, #tpu.memory_space<vmem>>, vector<256x512xi32>
    tpu.vector_store %arg17[%swap3A_106, %swap3A_107], %reshape3A_105 {strides = array<i32>} : memref<256x512xi32, #tpu.memory_space<vmem>>, vector<256x512xi32>,
    %swap3A_109 = arith.constant 0 : index
    %swap3A_110 = arith.constant 0 : index
    %swap3A_111 = vector.load %arg18[%swap3A_109, %swap3A_110] : memref<256x128xf32, #tpu.memory_space<vmem>>, vector<256x128xf32>
    tpu.vector_store %arg18[%swap3A_109, %swap3A_110], %add3A_69 {strides = array<i32>} : memref<256x128xf32, #tpu.memory_space<vmem>>, vector<256x128xf32>,
    return
  }
  func.func @transform_0(%arg0: i32) -> (i32, i32) {
    %c0_i32 = arith.constant 0 : i32
    %c0_i32_0 = arith.constant 0 : i32
    return %arg0, %c0_i32 : i32, i32
  }
  func.func @transform_1(%arg0: i32) -> (i32, i32) {
    %c0_i32 = arith.constant 0 : i32
    %c0_i32_0 = arith.constant 0 : i32
    return %arg0, %c0_i32 : i32, i32
  }
  func.func @transform_2(%arg0: i32) -> (i32, i32) {
    %c0_i32 = arith.constant 0 : i32
    %c0_i32_0 = arith.constant 0 : i32
    %c0_i32_1 = arith.constant 0 : i32
    return %c0_i32, %c0_i32_0 : i32, i32
  }
  func.func @transform_3(%arg0: i32) -> (i32, i32) {
    %c0_i32 = arith.constant 0 : i32
    %c0_i32_0 = arith.constant 0 : i32
    %c0_i32_1 = arith.constant 0 : i32
    return %c0_i32, %c0_i32_0 : i32, i32
  }
  func.func @transform_4(%arg0: i32) -> (i32, i32) {
    %c0_i32 = arith.constant 0 : i32
    %c0_i32_0 = arith.constant 0 : i32
    %c0_i32_1 = arith.constant 0 : i32
    return %c0_i32, %c0_i32_0 : i32, i32
  }
  func.func @transform_5(%arg0: i32) -> (i32, i32) {
    %c0_i32 = arith.constant 0 : i32
    %c0_i32_0 = arith.constant 0 : i32
    %c0_i32_1 = arith.constant 0 : i32
    return %c0_i32, %c0_i32_0 : i32, i32
  }
  func.func @transform_6(%arg0: i32) -> (i32, i32) {
    %c0_i32 = arith.constant 0 : i32
    %c0_i32_0 = arith.constant 0 : i32
    %c0_i32_1 = arith.constant 0 : i32
    return %c0_i32, %c0_i32_0 : i32, i32
  }
  func.func @transform_7(%arg0: i32) -> (i32, i32) {
    %c0_i32 = arith.constant 0 : i32
    %c0_i32_0 = arith.constant 0 : i32
    %c0_i32_1 = arith.constant 0 : i32
    return %c0_i32, %c0_i32_0 : i32, i32
  }
  func.func @transform_8(%arg0: i32) -> (i32, i32) {
    %c0_i32 = arith.constant 0 : i32
    %c0_i32_0 = arith.constant 0 : i32
    %c0_i32_1 = arith.constant 0 : i32
    return %c0_i32, %c0_i32_0 : i32, i32
  }
  func.func @transform_9(%arg0: i32) -> (i32, i32) {
    %c0_i32 = arith.constant 0 : i32
    %c0_i32_0 = arith.constant 0 : i32
    %c0_i32_1 = arith.constant 0 : i32
    return %c0_i32, %c0_i32_0 : i32, i32
  }
  func.func @transform_10(%arg0: i32) -> (i32, i32) {
    %c0_i32 = arith.constant 0 : i32
    %c0_i32_0 = arith.constant 0 : i32
    %c0_i32_1 = arith.constant 0 : i32
    return %c0_i32, %c0_i32_0 : i32, i32
  }
  func.func @transform_11(%arg0: i32) -> (i32, i32) {
    %c0_i32 = arith.constant 0 : i32
    %c0_i32_0 = arith.constant 0 : i32
    %c0_i32_1 = arith.constant 0 : i32
    return %c0_i32, %c0_i32_0 : i32, i32
  }
  func.func @transform_12(%arg0: i32) -> (i32, i32) {
    %c0_i32 = arith.constant 0 : i32
    %c0_i32_0 = arith.constant 0 : i32
    %c0_i32_1 = arith.constant 0 : i32
    return %c0_i32, %c0_i32_0 : i32, i32
  }
  func.func @transform_13(%arg0: i32) -> (i32, i32) {
    %c0_i32 = arith.constant 0 : i32
    %c0_i32_0 = arith.constant 0 : i32
    %c0_i32_1 = arith.constant 0 : i32
    return %c0_i32, %c0_i32_0 : i32, i32
  }
  func.func @transform_14(%arg0: i32) -> (i32, i32) {
    %c0_i32 = arith.constant 0 : i32
    %c0_i32_0 = arith.constant 0 : i32
    return %arg0, %c0_i32 : i32, i32
  }
  func.func @transform_15(%arg0: i32) -> (i32, i32) {
    %c0_i32 = arith.constant 0 : i32
    %c0_i32_0 = arith.constant 0 : i32
    return %arg0, %c0_i32 : i32, i32
  }
  func.func @transform_16(%arg0: i32) -> (i32, i32) {
    %c0_i32 = arith.constant 0 : i32
    %c0_i32_0 = arith.constant 0 : i32
    return %arg0, %c0_i32 : i32, i32
  }
  func.func @transform_17(%arg0: i32) -> (i32, i32) {
    %c0_i32 = arith.constant 0 : i32
    %c0_i32_0 = arith.constant 0 : i32
    return %arg0, %c0_i32 : i32, i32
  }
}

module attributes {stable_mosaic.version = 14 : i64} {
  func.func @_route_body(%arg0: i32, %arg1: memref<2048x128xf32, #tpu.memory_space<vmem>>, %arg2: memref<8x2048xi32, #tpu.memory_space<vmem>>, %arg3: memref<2048x128xf32, #tpu.memory_space<vmem>>) attributes {dimension_semantics = [#tpu.dimension_semantics<arbitrary>], iteration_bounds = array<i64: 1>, scalar_prefetch = 0 : i64, scratch_operands = 0 : i64, tpu.core_type = #tpu.core_type<tc>, window_params = [{pipeline_mode = #tpu.pipeline_mode<synchronous>, transform_indices = @transform_0, window_bounds = array<i64: 2048, 128>}, {pipeline_mode = #tpu.pipeline_mode<synchronous>, transform_indices = @transform_1, window_bounds = array<i64: 8, 2048>}, {pipeline_mode = #tpu.pipeline_mode<synchronous>, transform_indices = @transform_2, window_bounds = array<i64: 2048, 128>}]} {
    %get3A = arith.constant 0 : index
    %get3A_0 = arith.constant 0 : index
    %get3A_1 = vector.load %arg1[%get3A, %get3A_0] : memref<2048x128xf32, #tpu.memory_space<vmem>>, vector<2048x128xf32>
    %slice3A = vector.extract_strided_slice %get3A_1 {offsets = [0, 0], sizes = [2048, 8], strides = [1, 1]} : vector<2048x128xf32> to vector<2048x8xf32>
    %iota3A = tpu.iota {dimensions = array<i32: 1>} : vector<2048x8xi32>
    %reduce_max3A = arith.constant dense<0xFF800000> : vector<2048xf32>
    %reduce_max3A_2 = vector.multi_reduction <maximumf>, %slice3A, %reduce_max3A [1] : vector<2048x8xf32> to vector<2048xf32>
    %broadcast_in_dim3A = vector.shape_cast %reduce_max3A_2 : vector<2048xf32> to vector<2048x1xf32>
    %eq3A = vector.broadcast %broadcast_in_dim3A : vector<2048x1xf32> to vector<2048x8xf32>
    %eq3A_3 = arith.cmpf oeq, %slice3A, %eq3A : vector<2048x8xf32>
    %jit3A = arith.constant 8 : i32
    %broadcast_in_dim3A_4 = vector.broadcast %jit3A : i32 to vector<2048x8xi32>
    %select_n3A = arith.select %eq3A_3, %iota3A, %broadcast_in_dim3A_4 : vector<2048x8xi1>, vector<2048x8xi32>
    %reduce_min3A = arith.constant dense<2147483647> : vector<2048xi32>
    %reduce_min3A_5 = vector.multi_reduction <minsi>, %select_n3A, %reduce_min3A [1] : vector<2048x8xi32> to vector<2048xi32>
    %broadcast_in_dim3A_6 = vector.shape_cast %reduce_min3A_5 : vector<2048xi32> to vector<2048x1xi32>
    %eq3A_7 = vector.broadcast %broadcast_in_dim3A_6 : vector<2048x1xi32> to vector<2048x8xi32>
    %eq3A_8 = arith.cmpi eq, %iota3A, %eq3A_7 : vector<2048x8xi32>
    %jit3A_9 = arith.constant 0xFF800000 : f32
    %broadcast_in_dim3A_10 = vector.broadcast %jit3A_9 : f32 to vector<2048x8xf32>
    %select_n3A_11 = arith.select %eq3A_8, %broadcast_in_dim3A_10, %slice3A : vector<2048x8xi1>, vector<2048x8xf32>
    %reduce_max3A_12 = arith.constant dense<0xFF800000> : vector<2048xf32>
    %reduce_max3A_13 = vector.multi_reduction <maximumf>, %select_n3A_11, %reduce_max3A_12 [1] : vector<2048x8xf32> to vector<2048xf32>
    %broadcast_in_dim3A_14 = vector.shape_cast %reduce_max3A_13 : vector<2048xf32> to vector<2048x1xf32>
    %eq3A_15 = vector.broadcast %broadcast_in_dim3A_14 : vector<2048x1xf32> to vector<2048x8xf32>
    %eq3A_16 = arith.cmpf oeq, %select_n3A_11, %eq3A_15 : vector<2048x8xf32>
    %jit3A_17 = arith.constant 8 : i32
    %broadcast_in_dim3A_18 = vector.broadcast %jit3A_17 : i32 to vector<2048x8xi32>
    %select_n3A_19 = arith.select %eq3A_16, %iota3A, %broadcast_in_dim3A_18 : vector<2048x8xi1>, vector<2048x8xi32>
    %reduce_min3A_20 = arith.constant dense<2147483647> : vector<2048xi32>
    %reduce_min3A_21 = vector.multi_reduction <minsi>, %select_n3A_19, %reduce_min3A_20 [1] : vector<2048x8xi32> to vector<2048xi32>
    %broadcast_in_dim3A_22 = vector.shape_cast %reduce_min3A_21 : vector<2048xi32> to vector<2048x1xi32>
    %sub3A = arith.subf %broadcast_in_dim3A_14, %broadcast_in_dim3A : vector<2048x1xf32>
    %exp3A = math.exp %sub3A : vector<2048x1xf32>
    %add3A = arith.constant 1.000000e+00 : f32
    %add3A_23 = vector.broadcast %add3A : f32 to vector<2048x1xf32>
    %add3A_24 = arith.addf %add3A_23, %exp3A : vector<2048x1xf32>
    %div3A = arith.constant 1.000000e+00 : f32
    %div3A_25 = vector.broadcast %div3A : f32 to vector<2048x1xf32>
    %div3A_26 = arith.divf %div3A_25, %add3A_24 : vector<2048x1xf32>
    %add3A_27 = arith.constant 1.000000e+00 : f32
    %add3A_28 = vector.broadcast %add3A_27 : f32 to vector<2048x1xf32>
    %add3A_29 = arith.addf %add3A_28, %exp3A : vector<2048x1xf32>
    %div3A_30 = arith.divf %exp3A, %add3A_29 : vector<2048x1xf32>
    %eq3A_31 = vector.broadcast %broadcast_in_dim3A_6 : vector<2048x1xi32> to vector<2048x8xi32>
    %eq3A_32 = arith.cmpi eq, %iota3A, %eq3A_31 : vector<2048x8xi32>
    %eq3A_33 = vector.broadcast %broadcast_in_dim3A_22 : vector<2048x1xi32> to vector<2048x8xi32>
    %eq3A_34 = arith.cmpi eq, %iota3A, %eq3A_33 : vector<2048x8xi32>
    %or3A = arith.ori %eq3A_32, %eq3A_34 : vector<2048x8xi1>
    %convert_element_type3A = arith.extui %or3A : vector<2048x8xi1> to vector<2048x8xi32>
    %convert_element_type3A_35 = arith.sitofp %convert_element_type3A : vector<2048x8xi32> to vector<2048x8xf32>
    %broadcast_in_dim3A_36 = arith.constant 0.000000e+00 : f32
    %broadcast_in_dim3A_37 = vector.broadcast %broadcast_in_dim3A_36 : f32 to vector<1x8xf32>
    %slice3A_38 = vector.extract_strided_slice %convert_element_type3A_35 {offsets = [0, 0], sizes = [2047, 8], strides = [1, 1]} : vector<2048x8xf32> to vector<2047x8xf32>
    %concatenate3A = tpu.concatenate %broadcast_in_dim3A_37, %slice3A_38 in 0 : vector<1x8xf32>, vector<2047x8xf32> -> vector<2048x8xf32>
    %add3A_39 = arith.addf %convert_element_type3A_35, %concatenate3A : vector<2048x8xf32>
    %broadcast_in_dim3A_40 = arith.constant 0.000000e+00 : f32
    %broadcast_in_dim3A_41 = vector.broadcast %broadcast_in_dim3A_40 : f32 to vector<2x8xf32>
    %slice3A_42 = vector.extract_strided_slice %add3A_39 {offsets = [0, 0], sizes = [2046, 8], strides = [1, 1]} : vector<2048x8xf32> to vector<2046x8xf32>
    %concatenate3A_43 = tpu.concatenate %broadcast_in_dim3A_41, %slice3A_42 in 0 : vector<2x8xf32>, vector<2046x8xf32> -> vector<2048x8xf32>
    %add3A_44 = arith.addf %add3A_39, %concatenate3A_43 : vector<2048x8xf32>
    %broadcast_in_dim3A_45 = arith.constant 0.000000e+00 : f32
    %broadcast_in_dim3A_46 = vector.broadcast %broadcast_in_dim3A_45 : f32 to vector<4x8xf32>
    %slice3A_47 = vector.extract_strided_slice %add3A_44 {offsets = [0, 0], sizes = [2044, 8], strides = [1, 1]} : vector<2048x8xf32> to vector<2044x8xf32>
    %concatenate3A_48 = tpu.concatenate %broadcast_in_dim3A_46, %slice3A_47 in 0 : vector<4x8xf32>, vector<2044x8xf32> -> vector<2048x8xf32>
    %add3A_49 = arith.addf %add3A_44, %concatenate3A_48 : vector<2048x8xf32>
    %broadcast_in_dim3A_50 = arith.constant 0.000000e+00 : f32
    %broadcast_in_dim3A_51 = vector.broadcast %broadcast_in_dim3A_50 : f32 to vector<8x8xf32>
    %slice3A_52 = vector.extract_strided_slice %add3A_49 {offsets = [0, 0], sizes = [2040, 8], strides = [1, 1]} : vector<2048x8xf32> to vector<2040x8xf32>
    %concatenate3A_53 = tpu.concatenate %broadcast_in_dim3A_51, %slice3A_52 in 0 : vector<8x8xf32>, vector<2040x8xf32> -> vector<2048x8xf32>
    %add3A_54 = arith.addf %add3A_49, %concatenate3A_53 : vector<2048x8xf32>
    %broadcast_in_dim3A_55 = arith.constant 0.000000e+00 : f32
    %broadcast_in_dim3A_56 = vector.broadcast %broadcast_in_dim3A_55 : f32 to vector<16x8xf32>
    %slice3A_57 = vector.extract_strided_slice %add3A_54 {offsets = [0, 0], sizes = [2032, 8], strides = [1, 1]} : vector<2048x8xf32> to vector<2032x8xf32>
    %concatenate3A_58 = tpu.concatenate %broadcast_in_dim3A_56, %slice3A_57 in 0 : vector<16x8xf32>, vector<2032x8xf32> -> vector<2048x8xf32>
    %add3A_59 = arith.addf %add3A_54, %concatenate3A_58 : vector<2048x8xf32>
    %broadcast_in_dim3A_60 = arith.constant 0.000000e+00 : f32
    %broadcast_in_dim3A_61 = vector.broadcast %broadcast_in_dim3A_60 : f32 to vector<32x8xf32>
    %slice3A_62 = vector.extract_strided_slice %add3A_59 {offsets = [0, 0], sizes = [2016, 8], strides = [1, 1]} : vector<2048x8xf32> to vector<2016x8xf32>
    %concatenate3A_63 = tpu.concatenate %broadcast_in_dim3A_61, %slice3A_62 in 0 : vector<32x8xf32>, vector<2016x8xf32> -> vector<2048x8xf32>
    %add3A_64 = arith.addf %add3A_59, %concatenate3A_63 : vector<2048x8xf32>
    %broadcast_in_dim3A_65 = arith.constant 0.000000e+00 : f32
    %broadcast_in_dim3A_66 = vector.broadcast %broadcast_in_dim3A_65 : f32 to vector<64x8xf32>
    %slice3A_67 = vector.extract_strided_slice %add3A_64 {offsets = [0, 0], sizes = [1984, 8], strides = [1, 1]} : vector<2048x8xf32> to vector<1984x8xf32>
    %concatenate3A_68 = tpu.concatenate %broadcast_in_dim3A_66, %slice3A_67 in 0 : vector<64x8xf32>, vector<1984x8xf32> -> vector<2048x8xf32>
    %add3A_69 = arith.addf %add3A_64, %concatenate3A_68 : vector<2048x8xf32>
    %broadcast_in_dim3A_70 = arith.constant 0.000000e+00 : f32
    %broadcast_in_dim3A_71 = vector.broadcast %broadcast_in_dim3A_70 : f32 to vector<128x8xf32>
    %slice3A_72 = vector.extract_strided_slice %add3A_69 {offsets = [0, 0], sizes = [1920, 8], strides = [1, 1]} : vector<2048x8xf32> to vector<1920x8xf32>
    %concatenate3A_73 = tpu.concatenate %broadcast_in_dim3A_71, %slice3A_72 in 0 : vector<128x8xf32>, vector<1920x8xf32> -> vector<2048x8xf32>
    %add3A_74 = arith.addf %add3A_69, %concatenate3A_73 : vector<2048x8xf32>
    %broadcast_in_dim3A_75 = arith.constant 0.000000e+00 : f32
    %broadcast_in_dim3A_76 = vector.broadcast %broadcast_in_dim3A_75 : f32 to vector<256x8xf32>
    %slice3A_77 = vector.extract_strided_slice %add3A_74 {offsets = [0, 0], sizes = [1792, 8], strides = [1, 1]} : vector<2048x8xf32> to vector<1792x8xf32>
    %concatenate3A_78 = tpu.concatenate %broadcast_in_dim3A_76, %slice3A_77 in 0 : vector<256x8xf32>, vector<1792x8xf32> -> vector<2048x8xf32>
    %add3A_79 = arith.addf %add3A_74, %concatenate3A_78 : vector<2048x8xf32>
    %broadcast_in_dim3A_80 = arith.constant 0.000000e+00 : f32
    %broadcast_in_dim3A_81 = vector.broadcast %broadcast_in_dim3A_80 : f32 to vector<512x8xf32>
    %slice3A_82 = vector.extract_strided_slice %add3A_79 {offsets = [0, 0], sizes = [1536, 8], strides = [1, 1]} : vector<2048x8xf32> to vector<1536x8xf32>
    %concatenate3A_83 = tpu.concatenate %broadcast_in_dim3A_81, %slice3A_82 in 0 : vector<512x8xf32>, vector<1536x8xf32> -> vector<2048x8xf32>
    %add3A_84 = arith.addf %add3A_79, %concatenate3A_83 : vector<2048x8xf32>
    %broadcast_in_dim3A_85 = arith.constant 0.000000e+00 : f32
    %broadcast_in_dim3A_86 = vector.broadcast %broadcast_in_dim3A_85 : f32 to vector<1024x8xf32>
    %slice3A_87 = vector.extract_strided_slice %add3A_84 {offsets = [0, 0], sizes = [1024, 8], strides = [1, 1]} : vector<2048x8xf32> to vector<1024x8xf32>
    %concatenate3A_88 = tpu.concatenate %broadcast_in_dim3A_86, %slice3A_87 in 0 : vector<1024x8xf32>, vector<1024x8xf32> -> vector<2048x8xf32>
    %add3A_89 = arith.addf %add3A_84, %concatenate3A_88 : vector<2048x8xf32>
    %sub3A_90 = arith.subf %add3A_89, %convert_element_type3A_35 : vector<2048x8xf32>
    %eq3A_91 = vector.broadcast %broadcast_in_dim3A_6 : vector<2048x1xi32> to vector<2048x8xi32>
    %eq3A_92 = arith.cmpi eq, %iota3A, %eq3A_91 : vector<2048x8xi32>
    %jit3A_93 = arith.constant 0.000000e+00 : f32
    %broadcast_in_dim3A_94 = vector.broadcast %jit3A_93 : f32 to vector<2048x8xf32>
    %select_n3A_95 = arith.select %eq3A_92, %sub3A_90, %broadcast_in_dim3A_94 : vector<2048x8xi1>, vector<2048x8xf32>
    %reduce_sum3A = arith.constant dense<0.000000e+00> : vector<2048xf32>
    %reduce_sum3A_96 = vector.multi_reduction <add>, %select_n3A_95, %reduce_sum3A [1] : vector<2048x8xf32> to vector<2048xf32>
    %broadcast_in_dim3A_97 = vector.shape_cast %reduce_sum3A_96 : vector<2048xf32> to vector<2048x1xf32>
    %convert_element_type3A_98 = arith.fptosi %broadcast_in_dim3A_97 : vector<2048x1xf32> to vector<2048x1xi32>
    %eq3A_99 = vector.broadcast %broadcast_in_dim3A_22 : vector<2048x1xi32> to vector<2048x8xi32>
    %eq3A_100 = arith.cmpi eq, %iota3A, %eq3A_99 : vector<2048x8xi32>
    %jit3A_101 = arith.constant 0.000000e+00 : f32
    %broadcast_in_dim3A_102 = vector.broadcast %jit3A_101 : f32 to vector<2048x8xf32>
    %select_n3A_103 = arith.select %eq3A_100, %sub3A_90, %broadcast_in_dim3A_102 : vector<2048x8xi1>, vector<2048x8xf32>
    %reduce_sum3A_104 = arith.constant dense<0.000000e+00> : vector<2048xf32>
    %reduce_sum3A_105 = vector.multi_reduction <add>, %select_n3A_103, %reduce_sum3A_104 [1] : vector<2048x8xf32> to vector<2048xf32>
    %broadcast_in_dim3A_106 = vector.shape_cast %reduce_sum3A_105 : vector<2048xf32> to vector<2048x1xf32>
    %convert_element_type3A_107 = arith.fptosi %broadcast_in_dim3A_106 : vector<2048x1xf32> to vector<2048x1xi32>
    %mul3A = arith.constant 512 : i32
    %mul3A_108 = vector.broadcast %mul3A : i32 to vector<2048x1xi32>
    %mul3A_109 = arith.muli %broadcast_in_dim3A_6, %mul3A_108 : vector<2048x1xi32>
    %add3A_110 = arith.addi %mul3A_109, %convert_element_type3A_98 : vector<2048x1xi32>
    %mul3A_111 = arith.constant 512 : i32
    %mul3A_112 = vector.broadcast %mul3A_111 : i32 to vector<2048x1xi32>
    %mul3A_113 = arith.muli %broadcast_in_dim3A_22, %mul3A_112 : vector<2048x1xi32>
    %add3A_114 = arith.addi %mul3A_113, %convert_element_type3A_107 : vector<2048x1xi32>
    %lt3A = arith.constant 512 : i32
    %lt3A_115 = vector.broadcast %lt3A : i32 to vector<2048x1xi32>
    %lt3A_116 = arith.cmpi slt, %convert_element_type3A_98, %lt3A_115 : vector<2048x1xi32>
    %lt3A_117 = arith.constant 512 : i32
    %lt3A_118 = vector.broadcast %lt3A_117 : i32 to vector<2048x1xi32>
    %lt3A_119 = arith.cmpi slt, %convert_element_type3A_107, %lt3A_118 : vector<2048x1xi32>
    %jit3A_120 = arith.constant 4096 : i32
    %broadcast_in_dim3A_121 = vector.broadcast %jit3A_120 : i32 to vector<2048x1xi32>
    %select_n3A_122 = arith.select %lt3A_116, %add3A_110, %broadcast_in_dim3A_121 : vector<2048x1xi1>, vector<2048x1xi32>
    %jit3A_123 = arith.constant 4096 : i32
    %broadcast_in_dim3A_124 = vector.broadcast %jit3A_123 : i32 to vector<2048x1xi32>
    %select_n3A_125 = arith.select %lt3A_119, %add3A_114, %broadcast_in_dim3A_124 : vector<2048x1xi1>, vector<2048x1xi32>
    %jit3A_126 = arith.constant 0 : i32
    %broadcast_in_dim3A_127 = vector.broadcast %jit3A_126 : i32 to vector<2048x1xi32>
    %select_n3A_128 = arith.select %lt3A_116, %add3A_110, %broadcast_in_dim3A_127 : vector<2048x1xi1>, vector<2048x1xi32>
    %jit3A_129 = arith.constant 0 : i32
    %broadcast_in_dim3A_130 = vector.broadcast %jit3A_129 : i32 to vector<2048x1xi32>
    %select_n3A_131 = arith.select %lt3A_119, %add3A_114, %broadcast_in_dim3A_130 : vector<2048x1xi1>, vector<2048x1xi32>
    %broadcast_in_dim3A_132 = arith.constant 0 : i32
    %broadcast_in_dim3A_133 = vector.broadcast %broadcast_in_dim3A_132 : i32 to vector<2048x1xi32>
    %concatenate3A_134 = tpu.concatenate %select_n3A_122, %select_n3A_125, %select_n3A_128, %select_n3A_131, %broadcast_in_dim3A_133, %broadcast_in_dim3A_133, %broadcast_in_dim3A_133, %broadcast_in_dim3A_133 in 1 : vector<2048x1xi32>, vector<2048x1xi32>, vector<2048x1xi32>, vector<2048x1xi32>, vector<2048x1xi32>, vector<2048x1xi32>, vector<2048x1xi32>, vector<2048x1xi32> -> vector<2048x8xi32>
    %transpose3A = tpu.transpose %concatenate3A_134, [1, 0] : vector<2048x8xi32> -> vector<8x2048xi32>
    %swap3A = arith.constant 0 : index
    %swap3A_135 = arith.constant 0 : index
    %swap3A_136 = vector.load %arg2[%swap3A, %swap3A_135] : memref<8x2048xi32, #tpu.memory_space<vmem>>, vector<8x2048xi32>
    tpu.vector_store %arg2[%swap3A, %swap3A_135], %transpose3A {strides = array<i32>} : memref<8x2048xi32, #tpu.memory_space<vmem>>, vector<8x2048xi32>,
    %jit3A_137 = arith.constant 0.000000e+00 : f32
    %broadcast_in_dim3A_138 = vector.broadcast %jit3A_137 : f32 to vector<2048x1xf32>
    %select_n3A_139 = arith.select %lt3A_116, %div3A_26, %broadcast_in_dim3A_138 : vector<2048x1xi1>, vector<2048x1xf32>
    %jit3A_140 = arith.constant 0.000000e+00 : f32
    %broadcast_in_dim3A_141 = vector.broadcast %jit3A_140 : f32 to vector<2048x1xf32>
    %select_n3A_142 = arith.select %lt3A_119, %div3A_30, %broadcast_in_dim3A_141 : vector<2048x1xi1>, vector<2048x1xf32>
    %broadcast_in_dim3A_143 = arith.constant 0.000000e+00 : f32
    %broadcast_in_dim3A_144 = vector.broadcast %broadcast_in_dim3A_143 : f32 to vector<2048x126xf32>
    %concatenate3A_145 = tpu.concatenate %select_n3A_139, %select_n3A_142, %broadcast_in_dim3A_144 in 1 : vector<2048x1xf32>, vector<2048x1xf32>, vector<2048x126xf32> -> vector<2048x128xf32>
    %swap3A_146 = arith.constant 0 : index
    %swap3A_147 = arith.constant 0 : index
    %swap3A_148 = vector.load %arg3[%swap3A_146, %swap3A_147] : memref<2048x128xf32, #tpu.memory_space<vmem>>, vector<2048x128xf32>
    tpu.vector_store %arg3[%swap3A_146, %swap3A_147], %concatenate3A_145 {strides = array<i32>} : memref<2048x128xf32, #tpu.memory_space<vmem>>, vector<2048x128xf32>,
    return
  }
  func.func @transform_0(%arg0: i32) -> (i32, i32) {
    %c0_i32 = arith.constant 0 : i32
    %c0_i32_0 = arith.constant 0 : i32
    %c0_i32_1 = arith.constant 0 : i32
    return %c0_i32, %c0_i32_0 : i32, i32
  }
  func.func @transform_1(%arg0: i32) -> (i32, i32) {
    %c0_i32 = arith.constant 0 : i32
    %c0_i32_0 = arith.constant 0 : i32
    %c0_i32_1 = arith.constant 0 : i32
    return %c0_i32, %c0_i32_0 : i32, i32
  }
  func.func @transform_2(%arg0: i32) -> (i32, i32) {
    %c0_i32 = arith.constant 0 : i32
    %c0_i32_0 = arith.constant 0 : i32
    %c0_i32_1 = arith.constant 0 : i32
    return %c0_i32, %c0_i32_0 : i32, i32
  }
}

module attributes {stable_mosaic.version = 14 : i64} {
  func.func @_expert_body(%arg0: i32, %arg1: memref<512x512xi32, #tpu.memory_space<vmem>>, %arg2: memref<1x1024x256xbf16, #tpu.memory_space<vmem>>, %arg3: memref<1x1x256xf32, #tpu.memory_space<vmem>>, %arg4: memref<1x256x1024xbf16, #tpu.memory_space<vmem>>, %arg5: memref<1x1x1024xf32, #tpu.memory_space<vmem>>, %arg6: memref<512x512xi32, #tpu.memory_space<vmem>>) attributes {dimension_semantics = [#tpu.dimension_semantics<arbitrary>], iteration_bounds = array<i64: 8>, scalar_prefetch = 0 : i64, scratch_operands = 0 : i64, tpu.core_type = #tpu.core_type<tc>, window_params = [{transform_indices = @transform_0, window_bounds = array<i64: 512, 512>}, {transform_indices = @transform_1, window_bounds = array<i64: 1, 1024, 256>}, {transform_indices = @transform_2, window_bounds = array<i64: 1, 1, 256>}, {transform_indices = @transform_3, window_bounds = array<i64: 1, 256, 1024>}, {transform_indices = @transform_4, window_bounds = array<i64: 1, 1, 1024>}, {transform_indices = @transform_5, window_bounds = array<i64: 512, 512>}]} {
    %get3A = arith.constant 0 : index
    %get3A_0 = arith.constant 0 : index
    %get3A_1 = vector.load %arg1[%get3A, %get3A_0] : memref<512x512xi32, #tpu.memory_space<vmem>>, vector<512x512xi32>
    %reshape3A = vector.shape_cast %get3A_1 : vector<512x512xi32> to vector<512x4x128xi32>
    %bitcast3A = tpu.bitcast %reshape3A : vector<512x4x128xi32> -> vector<512x8x128xbf16>
    %reshape3A_2 = vector.shape_cast %bitcast3A : vector<512x8x128xbf16> to vector<512x1024xbf16>
    %get3A_3 = arith.constant 0 : index
    %get3A_4 = arith.constant 0 : index
    %get3A_5 = arith.constant 0 : index
    %get3A_6 = vector.load %arg2[%get3A_3, %get3A_4, %get3A_5] : memref<1x1024x256xbf16, #tpu.memory_space<vmem>>, vector<1x1024x256xbf16>
    %get3A_7 = vector.shape_cast %get3A_6 : vector<1x1024x256xbf16> to vector<1024x256xbf16>
    %dot_general3A = arith.constant dense<0.000000e+00> : vector<512x256xf32>
    %dot_general3A_8 = tpu.matmul %reshape3A_2, %get3A_7, %dot_general3A {dimension_numbers = #tpu.dot_dimension_numbers<[1], [0], [0], [1], [0, 0, 1, 1], [], []>, transpose_lhs_hint = false} : vector<512x1024xbf16>, vector<1024x256xbf16>, vector<512x256xf32> -> vector<512x256xf32>
    %get3A_9 = arith.constant 0 : index
    %get3A_10 = arith.constant 0 : index
    %get3A_11 = arith.constant 0 : index
    %get3A_12 = vector.load %arg3[%get3A_9, %get3A_10, %get3A_11] : memref<1x1x256xf32, #tpu.memory_space<vmem>>, vector<1x1x256xf32>
    %get3A_13 = vector.shape_cast %get3A_12 : vector<1x1x256xf32> to vector<1x256xf32>
    %add3A = vector.broadcast %get3A_13 : vector<1x256xf32> to vector<512x256xf32>
    %add3A_14 = arith.addf %dot_general3A_8, %add3A : vector<512x256xf32>
    %mul3A = arith.constant 5.000000e-01 : f32
    %mul3A_15 = vector.broadcast %mul3A : f32 to vector<512x256xf32>
    %mul3A_16 = arith.mulf %mul3A_15, %add3A_14 : vector<512x256xf32>
    %mul3A_17 = arith.constant 0.707106769 : f32
    %mul3A_18 = vector.broadcast %mul3A_17 : f32 to vector<512x256xf32>
    %mul3A_19 = arith.mulf %add3A_14, %mul3A_18 : vector<512x256xf32>
    %erf3A = math.erf %mul3A_19 : vector<512x256xf32>
    %add3A_20 = arith.constant 1.000000e+00 : f32
    %add3A_21 = vector.broadcast %add3A_20 : f32 to vector<512x256xf32>
    %add3A_22 = arith.addf %add3A_21, %erf3A : vector<512x256xf32>
    %mul3A_23 = arith.mulf %mul3A_16, %add3A_22 : vector<512x256xf32>
    %convert_element_type3A = arith.truncf %mul3A_23 : vector<512x256xf32> to vector<512x256xbf16>
    %get3A_24 = arith.constant 0 : index
    %get3A_25 = arith.constant 0 : index
    %get3A_26 = arith.constant 0 : index
    %get3A_27 = vector.load %arg4[%get3A_24, %get3A_25, %get3A_26] : memref<1x256x1024xbf16, #tpu.memory_space<vmem>>, vector<1x256x1024xbf16>
    %get3A_28 = vector.shape_cast %get3A_27 : vector<1x256x1024xbf16> to vector<256x1024xbf16>
    %dot_general3A_29 = arith.constant dense<0.000000e+00> : vector<512x1024xf32>
    %dot_general3A_30 = tpu.matmul %convert_element_type3A, %get3A_28, %dot_general3A_29 {dimension_numbers = #tpu.dot_dimension_numbers<[1], [0], [0], [1], [0, 0, 1, 1], [], []>, transpose_lhs_hint = false} : vector<512x256xbf16>, vector<256x1024xbf16>, vector<512x1024xf32> -> vector<512x1024xf32>
    %get3A_31 = arith.constant 0 : index
    %get3A_32 = arith.constant 0 : index
    %get3A_33 = arith.constant 0 : index
    %get3A_34 = vector.load %arg5[%get3A_31, %get3A_32, %get3A_33] : memref<1x1x1024xf32, #tpu.memory_space<vmem>>, vector<1x1x1024xf32>
    %get3A_35 = vector.shape_cast %get3A_34 : vector<1x1x1024xf32> to vector<1x1024xf32>
    %add3A_36 = vector.broadcast %get3A_35 : vector<1x1024xf32> to vector<512x1024xf32>
    %add3A_37 = arith.addf %dot_general3A_30, %add3A_36 : vector<512x1024xf32>
    %convert_element_type3A_38 = arith.truncf %add3A_37 : vector<512x1024xf32> to vector<512x1024xbf16>
    %reshape3A_39 = vector.shape_cast %convert_element_type3A_38 : vector<512x1024xbf16> to vector<512x8x128xbf16>
    %bitcast3A_40 = tpu.bitcast %reshape3A_39 : vector<512x8x128xbf16> -> vector<512x4x128xi32>
    %reshape3A_41 = vector.shape_cast %bitcast3A_40 : vector<512x4x128xi32> to vector<512x512xi32>
    %swap3A = arith.constant 0 : index
    %swap3A_42 = arith.constant 0 : index
    %swap3A_43 = vector.load %arg6[%swap3A, %swap3A_42] : memref<512x512xi32, #tpu.memory_space<vmem>>, vector<512x512xi32>
    tpu.vector_store %arg6[%swap3A, %swap3A_42], %reshape3A_41 {strides = array<i32>} : memref<512x512xi32, #tpu.memory_space<vmem>>, vector<512x512xi32>,
    return
  }
  func.func @transform_0(%arg0: i32) -> (i32, i32) {
    %c0_i32 = arith.constant 0 : i32
    %c0_i32_0 = arith.constant 0 : i32
    return %arg0, %c0_i32 : i32, i32
  }
  func.func @transform_1(%arg0: i32) -> (i32, i32, i32) {
    %c0_i32 = arith.constant 0 : i32
    %c0_i32_0 = arith.constant 0 : i32
    %c0_i32_1 = arith.constant 0 : i32
    return %arg0, %c0_i32, %c0_i32_0 : i32, i32, i32
  }
  func.func @transform_2(%arg0: i32) -> (i32, i32, i32) {
    %c0_i32 = arith.constant 0 : i32
    %c0_i32_0 = arith.constant 0 : i32
    %c0_i32_1 = arith.constant 0 : i32
    return %arg0, %c0_i32, %c0_i32_0 : i32, i32, i32
  }
  func.func @transform_3(%arg0: i32) -> (i32, i32, i32) {
    %c0_i32 = arith.constant 0 : i32
    %c0_i32_0 = arith.constant 0 : i32
    %c0_i32_1 = arith.constant 0 : i32
    return %arg0, %c0_i32, %c0_i32_0 : i32, i32, i32
  }
  func.func @transform_4(%arg0: i32) -> (i32, i32, i32) {
    %c0_i32 = arith.constant 0 : i32
    %c0_i32_0 = arith.constant 0 : i32
    %c0_i32_1 = arith.constant 0 : i32
    return %arg0, %c0_i32, %c0_i32_0 : i32, i32, i32
  }
  func.func @transform_5(%arg0: i32) -> (i32, i32) {
    %c0_i32 = arith.constant 0 : i32
    %c0_i32_0 = arith.constant 0 : i32
    return %arg0, %c0_i32 : i32, i32
  }
}

module attributes {stable_mosaic.version = 14 : i64} {
  func.func @_final_body(%arg0: i32, %arg1: memref<256x1024xf32, #tpu.memory_space<vmem>>, %arg2: memref<256x512xi32, #tpu.memory_space<vmem>>, %arg3: memref<256x512xi32, #tpu.memory_space<vmem>>, %arg4: memref<256x128xf32, #tpu.memory_space<vmem>>, %arg5: memref<256x1024xf32, #tpu.memory_space<vmem>>) attributes {dimension_semantics = [#tpu.dimension_semantics<arbitrary>], iteration_bounds = array<i64: 8>, scalar_prefetch = 0 : i64, scratch_operands = 0 : i64, tpu.core_type = #tpu.core_type<tc>, window_params = [{transform_indices = @transform_0, window_bounds = array<i64: 256, 1024>}, {transform_indices = @transform_1, window_bounds = array<i64: 256, 512>}, {transform_indices = @transform_2, window_bounds = array<i64: 256, 512>}, {transform_indices = @transform_3, window_bounds = array<i64: 256, 128>}, {transform_indices = @transform_4, window_bounds = array<i64: 256, 1024>}]} {
    %get3A = arith.constant 0 : index
    %get3A_0 = arith.constant 0 : index
    %get3A_1 = vector.load %arg4[%get3A, %get3A_0] : memref<256x128xf32, #tpu.memory_space<vmem>>, vector<256x1xf32>
    %get3A_2 = arith.constant 0 : index
    %get3A_3 = arith.constant 1 : index
    %get3A_4 = vector.load %arg4[%get3A_2, %get3A_3] : memref<256x128xf32, #tpu.memory_space<vmem>>, vector<256x1xf32>
    %get3A_5 = arith.constant 0 : index
    %get3A_6 = arith.constant 0 : index
    %get3A_7 = vector.load %arg2[%get3A_5, %get3A_6] : memref<256x512xi32, #tpu.memory_space<vmem>>, vector<256x512xi32>
    %reshape3A = vector.shape_cast %get3A_7 : vector<256x512xi32> to vector<256x4x128xi32>
    %bitcast3A = tpu.bitcast %reshape3A : vector<256x4x128xi32> -> vector<256x8x128xbf16>
    %reshape3A_8 = vector.shape_cast %bitcast3A : vector<256x8x128xbf16> to vector<256x1024xbf16>
    %get3A_9 = arith.constant 0 : index
    %get3A_10 = arith.constant 0 : index
    %get3A_11 = vector.load %arg3[%get3A_9, %get3A_10] : memref<256x512xi32, #tpu.memory_space<vmem>>, vector<256x512xi32>
    %reshape3A_12 = vector.shape_cast %get3A_11 : vector<256x512xi32> to vector<256x4x128xi32>
    %bitcast3A_13 = tpu.bitcast %reshape3A_12 : vector<256x4x128xi32> -> vector<256x8x128xbf16>
    %reshape3A_14 = vector.shape_cast %bitcast3A_13 : vector<256x8x128xbf16> to vector<256x1024xbf16>
    %gt3A = arith.constant 0.000000e+00 : f32
    %gt3A_15 = vector.broadcast %gt3A : f32 to vector<256x1xf32>
    %gt3A_16 = arith.cmpf ogt, %get3A_1, %gt3A_15 : vector<256x1xf32>
    %convert_element_type3A = arith.extf %reshape3A_8 : vector<256x1024xbf16> to vector<256x1024xf32>
    %mul3A = vector.broadcast %get3A_1 : vector<256x1xf32> to vector<256x1024xf32>
    %mul3A_17 = arith.mulf %mul3A, %convert_element_type3A : vector<256x1024xf32>
    %jit3A = arith.constant 0.000000e+00 : f32
    %broadcast_in_dim3A = vector.shape_cast %gt3A_16 : vector<256x1xi1> to vector<256x1xi1>
    %broadcast_in_dim3A_18 = vector.broadcast %broadcast_in_dim3A : vector<256x1xi1> to vector<256x1024xi1>
    %broadcast_in_dim3A_19 = vector.broadcast %jit3A : f32 to vector<256x1024xf32>
    %select_n3A = arith.select %broadcast_in_dim3A_18, %mul3A_17, %broadcast_in_dim3A_19 : vector<256x1024xi1>, vector<256x1024xf32>
    %gt3A_20 = arith.constant 0.000000e+00 : f32
    %gt3A_21 = vector.broadcast %gt3A_20 : f32 to vector<256x1xf32>
    %gt3A_22 = arith.cmpf ogt, %get3A_4, %gt3A_21 : vector<256x1xf32>
    %convert_element_type3A_23 = arith.extf %reshape3A_14 : vector<256x1024xbf16> to vector<256x1024xf32>
    %mul3A_24 = vector.broadcast %get3A_4 : vector<256x1xf32> to vector<256x1024xf32>
    %mul3A_25 = arith.mulf %mul3A_24, %convert_element_type3A_23 : vector<256x1024xf32>
    %jit3A_26 = arith.constant 0.000000e+00 : f32
    %broadcast_in_dim3A_27 = vector.shape_cast %gt3A_22 : vector<256x1xi1> to vector<256x1xi1>
    %broadcast_in_dim3A_28 = vector.broadcast %broadcast_in_dim3A_27 : vector<256x1xi1> to vector<256x1024xi1>
    %broadcast_in_dim3A_29 = vector.broadcast %jit3A_26 : f32 to vector<256x1024xf32>
    %select_n3A_30 = arith.select %broadcast_in_dim3A_28, %mul3A_25, %broadcast_in_dim3A_29 : vector<256x1024xi1>, vector<256x1024xf32>
    %get3A_31 = arith.constant 0 : index
    %get3A_32 = arith.constant 0 : index
    %get3A_33 = vector.load %arg1[%get3A_31, %get3A_32] : memref<256x1024xf32, #tpu.memory_space<vmem>>, vector<256x1024xf32>
    %add3A = arith.addf %get3A_33, %select_n3A : vector<256x1024xf32>
    %add3A_34 = arith.addf %add3A, %select_n3A_30 : vector<256x1024xf32>
    %swap3A = arith.constant 0 : index
    %swap3A_35 = arith.constant 0 : index
    %swap3A_36 = vector.load %arg5[%swap3A, %swap3A_35] : memref<256x1024xf32, #tpu.memory_space<vmem>>, vector<256x1024xf32>
    tpu.vector_store %arg5[%swap3A, %swap3A_35], %add3A_34 {strides = array<i32>} : memref<256x1024xf32, #tpu.memory_space<vmem>>, vector<256x1024xf32>,
    return
  }
  func.func @transform_0(%arg0: i32) -> (i32, i32) {
    %c0_i32 = arith.constant 0 : i32
    %c0_i32_0 = arith.constant 0 : i32
    return %arg0, %c0_i32 : i32, i32
  }
  func.func @transform_1(%arg0: i32) -> (i32, i32) {
    %c0_i32 = arith.constant 0 : i32
    %c0_i32_0 = arith.constant 0 : i32
    return %arg0, %c0_i32 : i32, i32
  }
  func.func @transform_2(%arg0: i32) -> (i32, i32) {
    %c0_i32 = arith.constant 0 : i32
    %c0_i32_0 = arith.constant 0 : i32
    return %arg0, %c0_i32 : i32, i32
  }
  func.func @transform_3(%arg0: i32) -> (i32, i32) {
    %c0_i32 = arith.constant 0 : i32
    %c0_i32_0 = arith.constant 0 : i32
    return %arg0, %c0_i32 : i32, i32
  }
  func.func @transform_4(%arg0: i32) -> (i32, i32) {
    %c0_i32 = arith.constant 0 : i32
    %c0_i32_0 = arith.constant 0 : i32
    return %arg0, %c0_i32 : i32, i32
  }
}

</mosaic_0001>

<sc_bundles>
// kernel: kernel.10.cloned.1.call-start
scs
__scs_entry_jumppad:
0x0: {  	(pc) =	sbr.rel $0x88, $3  }
0x1: {  	(tag) =	ssettag $0x0;
	lr =	simm.s32 $0x1  }
0x2: {  	[smem:$0x3F8D] =	sst lr;
	_ =	strace $0xD0000000  }
0x3: {  	_ = 	snop  }
0x4: {  	_ = 	snop  }
0x5: {  	_ = 	snop  }
0x6: {  	_ = 	snop  }
0x7: {  	_ = 	snop  }
__scs_overlays_trampoline_lowered:
0x8: {  	[smem:$0x3F9C] =	sst s0  }
0x9: {  	[smem:$0x3F9D] =	sst s1  }
0xa: {  	[smem:$0x3F9E] =	sst s2  }
0xb: {  	[smem:$0x3F9F] =	sst s3  }
0xc: {  	[smem:$0x3FA0] =	sst s4  }
0xd: {  	[smem:$0x3FA1] =	sst s5  }
0xe: {  	[smem:$0x3FA2] =	sst s6  }
0xf: {  	[smem:$0x3FA3] =	sst s7  }
0x10: {  	[smem:$0x3FA4] =	sst s8  }
0x11: {  	[smem:$0x3FA5] =	sst s9;
	s0 =	simm.s32 @!p0 $0x0  }
0x12: {  	s1 =	sld [smem:$0x3F8B];
	s0 =	simm.s32 @p0 $0x1  }
0x13: {  	[smem:$0x3FA6] =	sst s0;
	s0 =	simm.s32 @!p1 $0x0  }
0x14: {  	s2 =	sld [smem:$0x3F8A];
	s0 =	simm.s32 @p1 $0x1  }
0x15: {  	[smem:$0x3FA7] =	sst s0;
	s0 =	simm.s32 @!p2 $0x0  }
0x16: {  	s3 =	sld [smem:$0x3FDB];
	s0 =	simm.s32 @p2 $0x1  }
0x17: {  	s4 =	simm.s32 $0x1BF5;
	[smem:$0x3FA9] =	sst s0  }
0x18: {  	s0 =	sld [smem:$0x3F8C];
	_ =	swait.ge [sflag:s4], $0x0  }
0x19: {  	s7 =	sld [smem:$0x3F8D]  }
0x1a: {  	s8 =	sadd.s32 $0xFFFFE003, lr  }
0x1b: {  	s9 =	sadd.s32 $0xFFFFFEF7, lr;
	s5 =	simm.s32 $0xFFFFFFFF;
	p2 =	slt.u32 s8, $0xFFFFF086  }
0x1c: {  	p1 =	slt.u32 s9, $0xF7A;
	s5 =	simm.s32 @!p2 $0x0  }
0x1d: {  	s5 =	simm.s32 @p1 $0x1;
	p0 =	seq.s32 s7, s2  }
0x1e: {  	s7 =	smul.u32 @!p0 $0xF7A, s2;
	p2 =	seq.s32 @!p0 s5, $0x0  }
0x1f: {  	s9 =	smul.u32 $0xF7A, s1;
	s8 =	simm.s32 @!p0 $0x1BF5;
	p2 =	por !p2, p0  }
0x20: {  	[sflag:s8] =	ssyncset.s32 @!p0 $0xFFFFF086;
	s6 =	sadd.s32 @!p0 s3, s7;
	s7 =	simm.s32 @!p0 $0x108  }
0x21: {  	s3 =	sadd.s32 s3, s9;
	s6 =	sadd.s32 @!p0 $0x88, s6;
	s7 =	simm.s32 @p2 $0x1082  }
0x22: {  	[simem:s7], [sflag:s8] =	dma.local @!p0 [hbm:s6], $0xF7A  }
0x23: {  	s9 =	sor.u32 $0xD0000000, s2;
	s6 =	simm.s32 $0x108;
	_ =	swait.ge @!p0 [sflag:s8], $0x0  }
0x24: {  	s3 =	sadd.s32 $0x88, s3;
	s6 =	simm.s32 @!p1 $0x1082;
	[sflag:s4] =	ssyncset.s32 $0xFFFFF086  }
0x25: {  	[simem:s6], [sflag:s4] =	dma.local [hbm:s3], $0xF7A  }
0x26: {  	[smem:$0x3F8D] =	sst s1;
	(tag) =	ssettag s2;
	_ =	strace s9  }
0x27: {  	s1 =	sld [smem:$0x3F9D]  }
0x28: {  	s2 =	sld [smem:$0x3F9E]  }
0x29: {  	s4 =	sld [smem:$0x3FA0]  }
0x2a: {  	p0 =	seq.s32 s5, $0x0;
	s5 =	sld [smem:$0x3FA1]  }
0x2b: {  	s6 =	sld [smem:$0x3FA2]  }
0x2c: {  	s7 =	sld [smem:$0x3FA3]  }
0x2d: {  	s3 =	simm.s32 $0x108;
	s8 =	sld [smem:$0x3FA4]  }
0x2e: {  	s3 =	simm.s32 @!p0 $0x1082;
	s9 =	sld [smem:$0x3FA5]  }
0x2f: {  	lr =	sadd.s32 s0, s3;
	s0 =	sld [smem:$0x3F9C]  }
0x30: {  	s3 =	sld [smem:$0x3F9F]  }
0x31: {  	[smem:$0x3FA8] =	sst s10  }
0x32: {  	s10 =	sld [smem:$0x3FA6];
	_ =	sdelay $0x3  }
0x33: {  	p0 =	seq.s32 s10, $0x1;
	s10 =	sld [smem:$0x3FA8];
	_ =	sdelay $0x3  }
0x34: {  	[smem:$0x3FA8] =	sst s10  }
0x35: {  	s10 =	sld [smem:$0x3FA7];
	_ =	sdelay $0x3  }
0x36: {  	p1 =	seq.s32 s10, $0x1;
	s10 =	sld [smem:$0x3FA8];
	_ =	sdelay $0x3  }
0x37: {  	[smem:$0x3FA8] =	sst s10  }
0x38: {  	s10 =	sld [smem:$0x3FA9]  }
0x39: {  	_ = 	snop;
	(pc) =	sbr.ind lr, $3  }
0x3a: {  	_ = 	snop  }
0x3b: {  	_ = 	snop  }
0x3c: {  	p2 =	seq.s32 s10, $0x1;
	s10 =	sld [smem:$0x3FA8]  }
0x3d: {  	_ =	shalt  }
0x3e: {  	_ =	shalt  }
0x3f: {  	_ =	shalt  }
0x40: {  	_ =	shalt  }
0x41: {  	_ =	shalt  }
0x42: {  	_ =	shalt  }
0x43: {  	_ =	shalt  }
0x44: {  	_ =	shalt  }
0x45: {  	_ =	shalt  }
0x46: {  	_ =	shalt  }
0x47: {  	_ =	shalt  }
0x48: {  	_ =	shalt  }
0x49: {  	_ =	shalt  }
0x4a: {  	_ =	shalt  }
0x4b: {  	_ =	shalt  }
0x4c: {  	_ =	shalt  }
0x4d: {  	_ =	shalt  }
0x4e: {  	_ =	shalt  }
0x4f: {  	_ =	shalt  }
0x50: {  	_ =	shalt  }
0x51: {  	_ =	shalt  }
0x52: {  	_ =	shalt  }
0x53: {  	_ =	shalt  }
0x54: {  	_ =	shalt  }
0x55: {  	_ =	shalt  }
0x56: {  	_ =	shalt  }
0x57: {  	_ =	shalt  }
0x58: {  	_ =	shalt  }
0x59: {  	_ =	shalt  }
0x5a: {  	_ =	shalt  }
0x5b: {  	_ =	shalt  }
0x5c: {  	_ =	shalt  }
0x5d: {  	_ =	shalt  }
0x5e: {  	_ =	shalt  }
0x5f: {  	_ =	shalt  }
0x60: {  	_ =	shalt  }
0x61: {  	_ =	shalt  }
0x62: {  	_ =	shalt  }
0x63: {  	_ =	shalt  }
0x64: {  	_ =	shalt  }
0x65: {  	_ =	shalt  }
0x66: {  	_ =	shalt  }
0x67: {  	_ =	shalt  }
0x68: {  	_ =	shalt  }
0x69: {  	_ =	shalt  }
0x6a: {  	_ =	shalt  }
0x6b: {  	_ =	shalt  }
0x6c: {  	_ =	shalt  }
0x6d: {  	_ =	shalt  }
0x6e: {  	_ =	shalt  }
0x6f: {  	_ =	shalt  }
0x70: {  	_ =	shalt  }
0x71: {  	_ =	shalt  }
0x72: {  	_ =	shalt  }
0x73: {  	_ =	shalt  }
0x74: {  	_ =	shalt  }
0x75: {  	_ =	shalt  }
0x76: {  	_ =	shalt  }
0x77: {  	_ =	shalt  }
0x78: {  	_ =	shalt  }
0x79: {  	_ =	shalt  }
0x7a: {  	_ =	shalt  }
0x7b: {  	_ =	shalt  }
0x7c: {  	_ =	shalt  }
0x7d: {  	_ =	shalt  }
0x7e: {  	_ =	shalt  }
0x7f: {  	_ =	shalt  }
0x80: {  	_ =	shalt  }
0x81: {  	_ =	shalt  }
0x82: {  	_ =	shalt  }
0x83: {  	_ =	shalt  }
0x84: {  	_ =	shalt  }
0x85: {  	_ =	shalt  }
0x86: {  	_ =	shalt  }
0x87: {  	_ =	shalt  }
.Lfunc_end0:
.L_simem_size_0:
called_computation_lowered:
.L_overlay_start_0:
0x88: {  	s2 =	sld [smem:$0x3FD9]  }
0x89: {  	s3 =	sld [smem:$0x3FFE];
	_ =	sdelay $0x1  }
0x8a: {  	s1 =	srdreg.scid  }
0x8b: {  	s0 =	sand.u32 $0x1, s1  }
0x8c: {  	s16 =	sshll.u32 s0, $0xA;
	s2 =	sadd.s32 s3, s2  }
0x8d: {  	s2 =	sadd.s32 s2, s16  }
0x8e: {  	[smem:$0x3FB4] =	sst s2  }
0x8f: {  	_ = 	snop  }
0x90: {  	(tm) =	ssettm $0x1  }
0x91: {  	s17 =	sld [smem:$0x3FFB];
	_ =	sdelay $0x3  }
0x92: {  	_ =	strace s17  }
0x93: {  	s2 =	sld [smem:$0x3FFC];
	_ =	sdelay $0x3  }
0x94: {  	_ =	strace s2  }
0x95: {  	s2 =	sld [smem:$0x3FFD];
	_ =	sdelay $0x3  }
0x96: {  	_ =	strace s2  }
0x97: {  	_ =	strace $0x8FFFFFFF  }
0x98: {  	s18 =	sld [smem:$0x3FDB];
	_ =	sdelay $0x1  }
0x99: {  	s19 =	simm.s32 $_scs_section_size  }
0x9a: {  	s4 =	simm.s32 $_size__tile_overlayer_lowered;
	s5 =	simm.s32 $_tile_overlayer_lowered  }
0x9b: {  	s22 =	simm.s32 $0x1BFF;
	s21 =	sshll.u32 s5, $0x1;
	s2 =	sadd.s32 s19, s18  }
0x9c: {  	s6 =	simm.s32 $0x0;
	s20 =	sshll.u32 s4, $0x1;
	s4 =	sadd.s32 s21, s2  }
0x9d: {  	[timem:s6], [sflag:s22] =	dma.local [hbm:s4], s20  }
0x9e: {  	_ =	swait.ge [sflag:s22], s20  }
0x9f: {  	s3 =	ssub.s32 $0x0, s20;
	[sflag:s22] =	ssyncset.done $0x0  }
0xa0: {  	[sflag:s22] =	ssyncadd.s32 s3;
	_ =	sdelay $0x1  }
0xa1: {  	s23 =	simm.s32 $0x1B8B  }
0xa2: {  	_ =	swait.ge [sflag:s23], $0x1  }
0xa3: {  	[sflag:s23] =	ssyncset.done $0x0  }
0xa4: {  	s25 =	simm.s32 $0x1B8E;
	s24 =	sld [smem:$0x3FFE];
	[sflag:s23] =	ssyncadd.s32 $0xFFFFFFFF  }
0xa5: {  	s26 =	simm.s32 $execute0_lowered;
	[smem:$0x3FD2] =	sst s25  }
0xa6: {  	s4 =	sshll.u32 s26, $0x1;
	_ =	strace $0x80000046;
	[dreg:$0x1] =	wrdreg $0xFFFFFFFF  }
0xa7: {  	s28 =	simm.s32 $_size_execute0_lowered;
	s2 =	sadd.s32 s2, s4;
	[dreg:$0x0] =	wrdreg $0x0  }
0xa8: {  	s4 =	sshll.u32 s28, $0x1;
	[dreg:$0x2] =	wrdreg s2  }
0xa9: {  	[dreg:$0x3] =	wrdreg s4  }
0xaa: {  	[dreg:$0x4] =	wrdreg $0xC0  }
0xab: {  	_ =	task [dreg:s6], $0x5FFFF  }
0xac: {  	[dreg:$0x1] =	wrdreg $0xFFFFFFFF  }
0xad: {  	[dreg:$0x0] =	wrdreg $0x60  }
0xae: {  	[dreg:$0x2] =	wrdreg s24  }
0xaf: {  	[dreg:$0x3] =	wrdreg $0x9  }
0xb0: {  	_ =	task.clear_ibuf [dreg:s6], $0x4FFFF;
	_ =	strace $0x90000046  }
0xb1: {  	s29 =	simm.s32 $0x9;
	_ =	strace $0x80000048  }
0xb2: {  	_ =	swait.ge [sflag:s29], $0x1  }
0xb3: {  	[sflag:s29] =	ssyncadd.s32 $0xFFFFFFFF  }
0xb4: {  	_ =	strace $0x90000048  }
0xb5: {  	_ =	sfence  }
0xb6: {  	s30 =	sld [smem:$0x0];
	_ =	sdelay $0x2  }
0xb7: {  	s31 =	sshll.u32 s1, $0xD;
	s1 =	sshrl.u32 s1, $0x2  }
0xb8: {  	s3 =	sand.u32 $0x4000, s31;
	s1 =	sadd.s32 s1, s30  }
0xb9: {  	s0 =	sor.u32 s3, s0;
	s1 =	sshll.u32 s1, $0x11  }
0xba: {  	s0 =	sor.u32 s1, s0  }
0xbb: {  	s0 =	sadd.s32 $0x8F2B, s0  }
0xbc: {  	[sflag:s0] =	ssyncadd.remote.s32 $0x1  }
0xbd: {  	_ =	sfence.sel $0xFFFF  }
0xbe: {  	[dreg:$0x0] =	wrdreg $0xFFFFFFFF;
	(pc) =	sbr.abs _section_cstart, $3  }
0xbf: {  	[dreg:$0x1] =	wrdreg $0xFFFFFFFF  }
0xc0: {  	_ =	task.clear_ibuf [dreg:s6], $0x2FFFF;
	_ =	strace $0x9FFFFFFF  }
0xc1: {  	(tm) =	ssettm $0x7FFFFFFF  }
tec
execute0_lowered:
.L_overlay_start_1:
0x0: {  	(tag) =	ssettag $0x1  }
0x1: {  	s7 =	rddreg [dreg:$0x0];
	s2 =	srdreg.scid  }
0x2: {  	s0 =	rddreg [dreg:$0x1];
	s1 =	stileid.u32  }
0x3: {  	s10 =	simm.s32 $0x8000;
	s11 =	simm.s32 $0x8080;
	s12 =	simm.s32 $0x800  }
0x4: {  	s13 =	simm.s32 $0x1000;
	s14 =	simm.s32 $0x1800;
	s15 =	simm.s32 $0x2000  }
0x5: {  	s16 =	simm.s32 $0x2800;
	s17 =	simm.s32 $0x3000;
	s18 =	simm.s32 $0x3800  }
0x6: {  	s19 =	simm.s32 $0x4000;
	s20 =	simm.s32 $0x4800;
	s21 =	simm.s32 $0x5000  }
0x7: {  	s22 =	simm.s32 $0x5800;
	s23 =	simm.s32 $0x6000;
	s24 =	simm.s32 $0x6800  }
0x8: {  	s25 =	simm.s32 $0x7000;
	s26 =	simm.s32 $0x7800;
	s28 =	simm.s32 $0x1  }
0x9: {  	s3 =	sand.u32 $0x1, s2;
	s2 =	simm.s32 $0x0;
	s4 =	sshll.u32 s1, $0x7  }
0xa: {  	s5 =	sshll.u32 s3, $0x6;
	[smem:$0x7FF] =	sst s2;
	s6 =	ssub.s32 $0x2, s3  }
0xb: {  	s3 =	sadd.s32 $0x26000, s7;
	s4 =	sor.u32 s5, s4;
	_ =	strace $0x80000047  }
0xc: {  	s31 =	sshrl.u32 s6, $0x1;
	s5 =	sshll.u32 s4, $0x6;
	s30 =	sshrl.u32 s4, $0x3  }
0xd: {  	v2 =	vlaneseq.u32;
	s9 =	ssub.s32 s6, s31;
	s5 =	sadd.s32 s5, s7;
	s8 =	sadd.s32 s30, s7  }
0xe: {  	vm0 =	vmmov $0xffff;
	v1 =	vshrl.u32 v2, $0x3;
	s7 =	sadd.s32 $0x26100, s7;
	s4 =	sadd.s32 $0x5800, s5;
	s5 =	sadd.s32 $0x25A00, s8  }
0xf: {  	v0 =	vand.u32 $0x7, v2;
	v2 =	vor.u32 $0x8, v2;
	v1 =	vmul.u32 $0x8, v1;
	s6 =	sadd.s32 $0x25800, s8;
	s8 =	smax.u32 s9, $0x1;
	s9 =	simm.s32 $0x2  }
.LBB2_1:
0x10: {  	[tilespmem:s2], [sflag:$0x2] =	stream.linear.gather [hbm4b:s4+s2], $0x8000, $0x38;
	[tilespmem:$0x8100] =	vst v63  }
0x11: {  	_ =	swait.ge [sflag:s9], $0x8000  }
0x12: {  	[sflag:s9] =	ssyncset.done $0x0  }
0x13: {  	[sflag:s9] =	ssyncadd.s32 $0xFFFF8000  }
0x14: {  	[tilespmem:s10], [sflag:$0x2] =	stream.linear.gather [hbm4b:s5+s2], $0x40, $0x38;
	[tilespmem:$0x8100] =	vst v63  }
0x15: {  	_ =	swait.ge [sflag:s9], $0x40  }
0x16: {  	[sflag:s9] =	ssyncset.done $0x0  }
0x17: {  	[sflag:s9] =	ssyncadd.s32 $0xFFFFFFC0  }
0x18: {  	[tilespmem:s11], [sflag:$0x2] =	stream.linear.gather [hbm4b:s6+s2], $0x40, $0x38;
	[tilespmem:$0x8100] =	vst v63  }
0x19: {  	_ =	swait.ge [sflag:s9], $0x40  }
0x1a: {  	[sflag:s9] =	ssyncset.done $0x0  }
0x1b: {  	[sflag:s9] =	ssyncadd.s32 $0xFFFFFFC0  }
0x1c: {  	v3 =	vld [tilespmem:$0x8000];
	_ =	sdelay $0x4  }
0x1d: {  	v4 =	vshll.u32 v3, $0x2  }
0x1e: {  	v3 =	vand.u32 $0x7, v3;
	v4 =	vand.u32 $0xFFFFFFE0, v4  }
0x1f: {  	v3 =	vor.u32 v3, v4  }
0x20: {  	v4 =	vperm.xlane v3, v0;
	_ =	sdelay $0x1  }
0x21: {  	v4 =	vadd.s32 v1, v4;
	_ =	sdelay $0x1  }
0x22: {  	v3 =	vperm.xlane v3, v2;
	_ =	sdelay $0x1  }
0x23: {  	v3 =	vadd.s32 v1, v3  }
0x24: {  	[hbm4b:s3+s2] =	stream.indirect_vreg.scatter [tilespmem:s2], [sflag:$0x1], $0x80, v4, vm0, $0xb8;
	[tilespmem:$0x8100] =	vst v63  }
0x25: {  	_ = 	snop  }
0x26: {  	[hbm4b:s7+s2] =	stream.indirect_vreg.scatter [tilespmem:s12], [sflag:$0x1], $0x80, v4, vm0, $0xb8;
	[tilespmem:$0x8100] =	vst v63  }
0x27: {  	_ = 	snop  }
0x28: {  	[hbm4b:s3+s2] =	stream.indirect_vreg.scatter [tilespmem:s13], [sflag:$0x1], $0x80, v3, vm0, $0xb8;
	[tilespmem:$0x8100] =	vst v63  }
0x29: {  	_ = 	snop  }
0x2a: {  	[hbm4b:s7+s2] =	stream.indirect_vreg.scatter [tilespmem:s14], [sflag:$0x1], $0x80, v3, vm0, $0xb8;
	[tilespmem:$0x8100] =	vst v63  }
0x2b: {  	v3 =	vld [tilespmem:$0x8010];
	_ =	sdelay $0x4  }
0x2c: {  	v57 =	vshll.u32 v3, $0x2  }
0x2d: {  	v3 =	vand.u32 $0x7, v3;
	v4 =	vand.u32 $0xFFFFFFE0, v57  }
0x2e: {  	v3 =	vor.u32 v3, v4  }
0x2f: {  	v4 =	vperm.xlane v3, v0;
	_ =	sdelay $0x1  }
0x30: {  	v4 =	vadd.s32 v1, v4;
	_ =	sdelay $0x1  }
0x31: {  	v3 =	vperm.xlane v3, v2;
	_ =	sdelay $0x1  }
0x32: {  	v3 =	vadd.s32 v1, v3  }
0x33: {  	[hbm4b:s3+s2] =	stream.indirect_vreg.scatter [tilespmem:s15], [sflag:$0x1], $0x80, v4, vm0, $0xb8;
	[tilespmem:$0x8100] =	vst v63  }
0x34: {  	_ = 	snop  }
0x35: {  	[hbm4b:s7+s2] =	stream.indirect_vreg.scatter [tilespmem:s16], [sflag:$0x1], $0x80, v4, vm0, $0xb8;
	[tilespmem:$0x8100] =	vst v63  }
0x36: {  	_ = 	snop  }
0x37: {  	[hbm4b:s3+s2] =	stream.indirect_vreg.scatter [tilespmem:s17], [sflag:$0x1], $0x80, v3, vm0, $0xb8;
	[tilespmem:$0x8100] =	vst v63  }
0x38: {  	_ = 	snop  }
0x39: {  	[hbm4b:s7+s2] =	stream.indirect_vreg.scatter [tilespmem:s18], [sflag:$0x1], $0x80, v3, vm0, $0xb8;
	[tilespmem:$0x8100] =	vst v63  }
0x3a: {  	v3 =	vld [tilespmem:$0x8020];
	_ =	sdelay $0x4  }
0x3b: {  	v58 =	vshll.u32 v3, $0x2  }
0x3c: {  	v3 =	vand.u32 $0x7, v3;
	v4 =	vand.u32 $0xFFFFFFE0, v58  }
0x3d: {  	v3 =	vor.u32 v3, v4  }
0x3e: {  	v4 =	vperm.xlane v3, v0;
	_ =	sdelay $0x1  }
0x3f: {  	v4 =	vadd.s32 v1, v4;
	_ =	sdelay $0x1  }
0x40: {  	v3 =	vperm.xlane v3, v2;
	_ =	sdelay $0x1  }
0x41: {  	v3 =	vadd.s32 v1, v3  }
0x42: {  	[hbm4b:s3+s2] =	stream.indirect_vreg.scatter [tilespmem:s19], [sflag:$0x1], $0x80, v4, vm0, $0xb8;
	[tilespmem:$0x8100] =	vst v63  }
0x43: {  	_ = 	snop  }
0x44: {  	[hbm4b:s7+s2] =	stream.indirect_vreg.scatter [tilespmem:s20], [sflag:$0x1], $0x80, v4, vm0, $0xb8;
	[tilespmem:$0x8100] =	vst v63  }
0x45: {  	_ = 	snop  }
0x46: {  	[hbm4b:s3+s2] =	stream.indirect_vreg.scatter [tilespmem:s21], [sflag:$0x1], $0x80, v3, vm0, $0xb8;
	[tilespmem:$0x8100] =	vst v63  }
0x47: {  	_ = 	snop  }
0x48: {  	[hbm4b:s7+s2] =	stream.indirect_vreg.scatter [tilespmem:s22], [sflag:$0x1], $0x80, v3, vm0, $0xb8;
	[tilespmem:$0x8100] =	vst v63  }
0x49: {  	v3 =	vld [tilespmem:$0x8030];
	_ =	sdelay $0x4  }
0x4a: {  	v59 =	vshll.u32 v3, $0x2  }
0x4b: {  	v3 =	vand.u32 $0x7, v3;
	v4 =	vand.u32 $0xFFFFFFE0, v59  }
0x4c: {  	v3 =	vor.u32 v3, v4  }
0x4d: {  	v4 =	vperm.xlane v3, v0;
	_ =	sdelay $0x1  }
0x4e: {  	v4 =	vadd.s32 v1, v4;
	_ =	sdelay $0x1  }
0x4f: {  	v3 =	vperm.xlane v3, v2;
	_ =	sdelay $0x1  }
0x50: {  	v3 =	vadd.s32 v1, v3  }
0x51: {  	[hbm4b:s3+s2] =	stream.indirect_vreg.scatter [tilespmem:s23], [sflag:$0x1], $0x80, v4, vm0, $0xb8;
	[tilespmem:$0x8100] =	vst v63  }
0x52: {  	_ = 	snop  }
0x53: {  	[hbm4b:s7+s2] =	stream.indirect_vreg.scatter [tilespmem:s24], [sflag:$0x1], $0x80, v4, vm0, $0xb8;
	[tilespmem:$0x8100] =	vst v63  }
0x54: {  	_ = 	snop  }
0x55: {  	[hbm4b:s3+s2] =	stream.indirect_vreg.scatter [tilespmem:s25], [sflag:$0x1], $0x80, v3, vm0, $0xb8;
	[tilespmem:$0x8100] =	vst v63  }
0x56: {  	_ = 	snop  }
0x57: {  	[hbm4b:s7+s2] =	stream.indirect_vreg.scatter [tilespmem:s26], [sflag:$0x1], $0x80, v3, vm0, $0xb8;
	[tilespmem:$0x8100] =	vst v63  }
0x58: {  	v3 =	vld [tilespmem:$0x8080];
	_ =	sdelay $0x4  }
0x59: {  	v60 =	vshll.u32 v3, $0x2  }
0x5a: {  	v3 =	vand.u32 $0x7, v3;
	v4 =	vand.u32 $0xFFFFFFE0, v60  }
0x5b: {  	v3 =	vor.u32 v3, v4  }
0x5c: {  	v4 =	vperm.xlane v3, v0;
	_ =	sdelay $0x1  }
0x5d: {  	v4 =	vadd.s32 v1, v4;
	_ =	sdelay $0x1  }
0x5e: {  	v3 =	vperm.xlane v3, v2;
	_ =	sdelay $0x1  }
0x5f: {  	v3 =	vadd.s32 v1, v3  }
0x60: {  	[hbm4b:s3+s2] =	stream.indirect_vreg.scatter [tilespmem:s2], [sflag:$0x1], $0x80, v4, vm0, $0xb8;
	[tilespmem:$0x8100] =	vst v63  }
0x61: {  	_ = 	snop  }
0x62: {  	[hbm4b:s7+s2] =	stream.indirect_vreg.scatter [tilespmem:s12], [sflag:$0x1], $0x80, v4, vm0, $0xb8;
	[tilespmem:$0x8100] =	vst v63  }
0x63: {  	_ = 	snop  }
0x64: {  	[hbm4b:s3+s2] =	stream.indirect_vreg.scatter [tilespmem:s13], [sflag:$0x1], $0x80, v3, vm0, $0xb8;
	[tilespmem:$0x8100] =	vst v63  }
0x65: {  	_ = 	snop  }
0x66: {  	[hbm4b:s7+s2] =	stream.indirect_vreg.scatter [tilespmem:s14], [sflag:$0x1], $0x80, v3, vm0, $0xb8;
	[tilespmem:$0x8100] =	vst v63  }
0x67: {  	v3 =	vld [tilespmem:$0x8090];
	_ =	sdelay $0x4  }
0x68: {  	v61 =	vshll.u32 v3, $0x2  }
0x69: {  	v3 =	vand.u32 $0x7, v3;
	v4 =	vand.u32 $0xFFFFFFE0, v61  }
0x6a: {  	v3 =	vor.u32 v3, v4  }
0x6b: {  	v4 =	vperm.xlane v3, v0;
	_ =	sdelay $0x1  }
0x6c: {  	v4 =	vadd.s32 v1, v4;
	_ =	sdelay $0x1  }
0x6d: {  	v3 =	vperm.xlane v3, v2;
	_ =	sdelay $0x1  }
0x6e: {  	v3 =	vadd.s32 v1, v3  }
0x6f: {  	[hbm4b:s3+s2] =	stream.indirect_vreg.scatter [tilespmem:s15], [sflag:$0x1], $0x80, v4, vm0, $0xb8;
	[tilespmem:$0x8100] =	vst v63  }
0x70: {  	_ = 	snop  }
0x71: {  	[hbm4b:s7+s2] =	stream.indirect_vreg.scatter [tilespmem:s16], [sflag:$0x1], $0x80, v4, vm0, $0xb8;
	[tilespmem:$0x8100] =	vst v63  }
0x72: {  	_ = 	snop  }
0x73: {  	[hbm4b:s3+s2] =	stream.indirect_vreg.scatter [tilespmem:s17], [sflag:$0x1], $0x80, v3, vm0, $0xb8;
	[tilespmem:$0x8100] =	vst v63  }
0x74: {  	_ = 	snop  }
0x75: {  	[hbm4b:s7+s2] =	stream.indirect_vreg.scatter [tilespmem:s18], [sflag:$0x1], $0x80, v3, vm0, $0xb8;
	[tilespmem:$0x8100] =	vst v63  }
0x76: {  	v3 =	vld [tilespmem:$0x80A0];
	_ =	sdelay $0x4  }
0x77: {  	v62 =	vshll.u32 v3, $0x2  }
0x78: {  	v3 =	vand.u32 $0x7, v3;
	v4 =	vand.u32 $0xFFFFFFE0, v62  }
0x79: {  	v3 =	vor.u32 v3, v4  }
0x7a: {  	v4 =	vperm.xlane v3, v0;
	_ =	sdelay $0x1  }
0x7b: {  	v4 =	vadd.s32 v1, v4;
	_ =	sdelay $0x1  }
0x7c: {  	v3 =	vperm.xlane v3, v2;
	_ =	sdelay $0x1  }
0x7d: {  	v3 =	vadd.s32 v1, v3  }
0x7e: {  	[hbm4b:s3+s2] =	stream.indirect_vreg.scatter [tilespmem:s19], [sflag:$0x1], $0x80, v4, vm0, $0xb8;
	[tilespmem:$0x8100] =	vst v63  }
0x7f: {  	_ = 	snop  }
0x80: {  	[hbm4b:s7+s2] =	stream.indirect_vreg.scatter [tilespmem:s20], [sflag:$0x1], $0x80, v4, vm0, $0xb8;
	[tilespmem:$0x8100] =	vst v63  }
0x81: {  	_ = 	snop  }
0x82: {  	[hbm4b:s3+s2] =	stream.indirect_vreg.scatter [tilespmem:s21], [sflag:$0x1], $0x80, v3, vm0, $0xb8;
	[tilespmem:$0x8100] =	vst v63  }
0x83: {  	_ = 	snop  }
0x84: {  	[hbm4b:s7+s2] =	stream.indirect_vreg.scatter [tilespmem:s22], [sflag:$0x1], $0x80, v3, vm0, $0xb8;
	[tilespmem:$0x8100] =	vst v63  }
0x85: {  	v3 =	vld [tilespmem:$0x80B0];
	_ =	sdelay $0x4  }
0x86: {  	v63 =	vshll.u32 v3, $0x2  }
0x87: {  	v3 =	vand.u32 $0x7, v3;
	v4 =	vand.u32 $0xFFFFFFE0, v63  }
0x88: {  	v3 =	vor.u32 v3, v4  }
0x89: {  	v4 =	vperm.xlane v3, v0;
	_ =	sdelay $0x1  }
0x8a: {  	v4 =	vadd.s32 v1, v4;
	_ =	sdelay $0x1  }
0x8b: {  	v3 =	vperm.xlane v3, v2;
	_ =	sdelay $0x1  }
0x8c: {  	v3 =	vadd.s32 v1, v3  }
0x8d: {  	[hbm4b:s3+s2] =	stream.indirect_vreg.scatter [tilespmem:s23], [sflag:$0x1], $0x80, v4, vm0, $0xb8;
	[tilespmem:$0x8100] =	vst v63  }
0x8e: {  	_ = 	snop  }
0x8f: {  	[hbm4b:s7+s2] =	stream.indirect_vreg.scatter [tilespmem:s24], [sflag:$0x1], $0x80, v4, vm0, $0xb8;
	[tilespmem:$0x8100] =	vst v63  }
0x90: {  	_ = 	snop  }
0x91: {  	[hbm4b:s3+s2] =	stream.indirect_vreg.scatter [tilespmem:s25], [sflag:$0x1], $0x80, v3, vm0, $0xb8;
	[tilespmem:$0x8100] =	vst v63  }
0x92: {  	_ = 	snop  }
0x93: {  	[hbm4b:s7+s2] =	stream.indirect_vreg.scatter [tilespmem:s26], [sflag:$0x1], $0x80, v3, vm0, $0xb8;
	[tilespmem:$0x8100] =	vst v63  }
0x94: {  	p0 =	sne.s32 s8, $0x1;
	_ =	swait.ge [sflag:s28], $0x8000  }
.Ltmp0:
0x95: {  	[sflag:s28] =	ssyncset.done $0x0;
	(pc) =	sbr.rel @p0 .LBB2_1-.Ltmp0, $4  }
0x96: {  	[sflag:s28] =	ssyncadd.s32 $0xFFFF8000  }
0x97: {  	_ =	swait.ge [sflag:s28], $0x8000  }
0x98: {  	[sflag:s28] =	ssyncset.done $0x0  }
0x99: {  	s8 =	sadd.s32 $0xFFFFFFFF, s8;
	[sflag:s28] =	ssyncadd.s32 $0xFFFF8000  }
0x9a: {  	_ =	sfence.sel $0x180000  }
0x9b: {  	[bflag:$0x0] =	sbarrier.arrive $0xFFFF  }
0x9c: {  	p0 =	sne.s32 s1, $0x0;
	_ =	strace $0x90000047  }
0x9d: {  	s0 =	sadd.s32 @!p0 $0x100000, s0;
	[bflag:$0x2] =	sbarrier.arrive $0xFFFF  }
0x9e: {  	[sflag:s0] =	ssyncadd.tile.s32 @!p0 $0x1;
	_ =	shalt  }
.Lfunc_end2:
_tile_overlayer_lowered:
.L_overlay_start_2:
0x9f: {  	(tag) =	ssettag $0x2  }
0xa0: {  	s0 =	rddreg [dreg:$0x0];
	s2 =	stileid.u32  }
0xa1: {  	s1 =	rddreg [dreg:$0x1];
	p0 =	sne.s32 s2, $0x0  }
0xa2: {  	s3 =	rddreg [dreg:$0x2];
	[bflag:$0x3] =	sbarrier.arrive $0xFFFF;
	s2 =	simm.s32 @!p0 $0x1C02  }
0xa3: {  	[timem:s3], [sflag:s2] =	dma.local @!p0 [hbm:s0], s1  }
0xa4: {  	s0 =	simm.s32 @!p0 $0x2  }
0xa5: {  	_ =	swait.ge @!p0 [sflag:s0], s1  }
0xa6: {  	s1 =	ssub.s32 @!p0 $0x0, s1;
	[sflag:s0] =	ssyncset.done @!p0 $0x0  }
0xa7: {  	[sflag:s0] =	ssyncadd.s32 @!p0 s1  }
0xa8: {  	[bflag:$0x3] =	sbarrier.arrive $0xFFFF  }
0xa9: {  	_ =	shalt  }

// kernel: kernel.13.cloned.1.call-start
scs
__scs_entry_jumppad:
0x0: {  	(pc) =	sbr.rel $0x88, $3  }
0x1: {  	(tag) =	ssettag $0x0;
	lr =	simm.s32 $0x1  }
0x2: {  	[smem:$0x3F8D] =	sst lr;
	_ =	strace $0xD0000000  }
0x3: {  	_ = 	snop  }
0x4: {  	_ = 	snop  }
0x5: {  	_ = 	snop  }
0x6: {  	_ = 	snop  }
0x7: {  	_ = 	snop  }
__scs_overlays_trampoline_lowered:
0x8: {  	[smem:$0x3F9C] =	sst s0  }
0x9: {  	[smem:$0x3F9D] =	sst s1  }
0xa: {  	[smem:$0x3F9E] =	sst s2  }
0xb: {  	[smem:$0x3F9F] =	sst s3  }
0xc: {  	[smem:$0x3FA0] =	sst s4  }
0xd: {  	[smem:$0x3FA1] =	sst s5  }
0xe: {  	[smem:$0x3FA2] =	sst s6  }
0xf: {  	[smem:$0x3FA3] =	sst s7  }
0x10: {  	[smem:$0x3FA4] =	sst s8  }
0x11: {  	[smem:$0x3FA5] =	sst s9;
	s0 =	simm.s32 @!p0 $0x0  }
0x12: {  	s1 =	sld [smem:$0x3F8B];
	s0 =	simm.s32 @p0 $0x1  }
0x13: {  	[smem:$0x3FA6] =	sst s0;
	s0 =	simm.s32 @!p1 $0x0  }
0x14: {  	s2 =	sld [smem:$0x3F8A];
	s0 =	simm.s32 @p1 $0x1  }
0x15: {  	[smem:$0x3FA7] =	sst s0;
	s0 =	simm.s32 @!p2 $0x0  }
0x16: {  	s3 =	sld [smem:$0x3FDB];
	s0 =	simm.s32 @p2 $0x1  }
0x17: {  	s4 =	simm.s32 $0x1BF5;
	[smem:$0x3FA9] =	sst s0  }
0x18: {  	s0 =	sld [smem:$0x3F8C];
	_ =	swait.ge [sflag:s4], $0x0  }
0x19: {  	s7 =	sld [smem:$0x3F8D]  }
0x1a: {  	s8 =	sadd.s32 $0xFFFFE003, lr  }
0x1b: {  	s9 =	sadd.s32 $0xFFFFFEF7, lr;
	s5 =	simm.s32 $0xFFFFFFFF;
	p2 =	slt.u32 s8, $0xFFFFF086  }
0x1c: {  	p1 =	slt.u32 s9, $0xF7A;
	s5 =	simm.s32 @!p2 $0x0  }
0x1d: {  	s5 =	simm.s32 @p1 $0x1;
	p0 =	seq.s32 s7, s2  }
0x1e: {  	s7 =	smul.u32 @!p0 $0xF7A, s2;
	p2 =	seq.s32 @!p0 s5, $0x0  }
0x1f: {  	s9 =	smul.u32 $0xF7A, s1;
	s8 =	simm.s32 @!p0 $0x1BF5;
	p2 =	por !p2, p0  }
0x20: {  	[sflag:s8] =	ssyncset.s32 @!p0 $0xFFFFF086;
	s6 =	sadd.s32 @!p0 s3, s7;
	s7 =	simm.s32 @!p0 $0x108  }
0x21: {  	s3 =	sadd.s32 s3, s9;
	s6 =	sadd.s32 @!p0 $0x88, s6;
	s7 =	simm.s32 @p2 $0x1082  }
0x22: {  	[simem:s7], [sflag:s8] =	dma.local @!p0 [hbm:s6], $0xF7A  }
0x23: {  	s9 =	sor.u32 $0xD0000000, s2;
	s6 =	simm.s32 $0x108;
	_ =	swait.ge @!p0 [sflag:s8], $0x0  }
0x24: {  	s3 =	sadd.s32 $0x88, s3;
	s6 =	simm.s32 @!p1 $0x1082;
	[sflag:s4] =	ssyncset.s32 $0xFFFFF086  }
0x25: {  	[simem:s6], [sflag:s4] =	dma.local [hbm:s3], $0xF7A  }
0x26: {  	[smem:$0x3F8D] =	sst s1;
	(tag) =	ssettag s2;
	_ =	strace s9  }
0x27: {  	s1 =	sld [smem:$0x3F9D]  }
0x28: {  	s2 =	sld [smem:$0x3F9E]  }
0x29: {  	s4 =	sld [smem:$0x3FA0]  }
0x2a: {  	p0 =	seq.s32 s5, $0x0;
	s5 =	sld [smem:$0x3FA1]  }
0x2b: {  	s6 =	sld [smem:$0x3FA2]  }
0x2c: {  	s7 =	sld [smem:$0x3FA3]  }
0x2d: {  	s3 =	simm.s32 $0x108;
	s8 =	sld [smem:$0x3FA4]  }
0x2e: {  	s3 =	simm.s32 @!p0 $0x1082;
	s9 =	sld [smem:$0x3FA5]  }
0x2f: {  	lr =	sadd.s32 s0, s3;
	s0 =	sld [smem:$0x3F9C]  }
0x30: {  	s3 =	sld [smem:$0x3F9F]  }
0x31: {  	[smem:$0x3FA8] =	sst s10  }
0x32: {  	s10 =	sld [smem:$0x3FA6];
	_ =	sdelay $0x3  }
0x33: {  	p0 =	seq.s32 s10, $0x1;
	s10 =	sld [smem:$0x3FA8];
	_ =	sdelay $0x3  }
0x34: {  	[smem:$0x3FA8] =	sst s10  }
0x35: {  	s10 =	sld [smem:$0x3FA7];
	_ =	sdelay $0x3  }
0x36: {  	p1 =	seq.s32 s10, $0x1;
	s10 =	sld [smem:$0x3FA8];
	_ =	sdelay $0x3  }
0x37: {  	[smem:$0x3FA8] =	sst s10  }
0x38: {  	s10 =	sld [smem:$0x3FA9]  }
0x39: {  	_ = 	snop;
	(pc) =	sbr.ind lr, $3  }
0x3a: {  	_ = 	snop  }
0x3b: {  	_ = 	snop  }
0x3c: {  	p2 =	seq.s32 s10, $0x1;
	s10 =	sld [smem:$0x3FA8]  }
0x3d: {  	_ =	shalt  }
0x3e: {  	_ =	shalt  }
0x3f: {  	_ =	shalt  }
0x40: {  	_ =	shalt  }
0x41: {  	_ =	shalt  }
0x42: {  	_ =	shalt  }
0x43: {  	_ =	shalt  }
0x44: {  	_ =	shalt  }
0x45: {  	_ =	shalt  }
0x46: {  	_ =	shalt  }
0x47: {  	_ =	shalt  }
0x48: {  	_ =	shalt  }
0x49: {  	_ =	shalt  }
0x4a: {  	_ =	shalt  }
0x4b: {  	_ =	shalt  }
0x4c: {  	_ =	shalt  }
0x4d: {  	_ =	shalt  }
0x4e: {  	_ =	shalt  }
0x4f: {  	_ =	shalt  }
0x50: {  	_ =	shalt  }
0x51: {  	_ =	shalt  }
0x52: {  	_ =	shalt  }
0x53: {  	_ =	shalt  }
0x54: {  	_ =	shalt  }
0x55: {  	_ =	shalt  }
0x56: {  	_ =	shalt  }
0x57: {  	_ =	shalt  }
0x58: {  	_ =	shalt  }
0x59: {  	_ =	shalt  }
0x5a: {  	_ =	shalt  }
0x5b: {  	_ =	shalt  }
0x5c: {  	_ =	shalt  }
0x5d: {  	_ =	shalt  }
0x5e: {  	_ =	shalt  }
0x5f: {  	_ =	shalt  }
0x60: {  	_ =	shalt  }
0x61: {  	_ =	shalt  }
0x62: {  	_ =	shalt  }
0x63: {  	_ =	shalt  }
0x64: {  	_ =	shalt  }
0x65: {  	_ =	shalt  }
0x66: {  	_ =	shalt  }
0x67: {  	_ =	shalt  }
0x68: {  	_ =	shalt  }
0x69: {  	_ =	shalt  }
0x6a: {  	_ =	shalt  }
0x6b: {  	_ =	shalt  }
0x6c: {  	_ =	shalt  }
0x6d: {  	_ =	shalt  }
0x6e: {  	_ =	shalt  }
0x6f: {  	_ =	shalt  }
0x70: {  	_ =	shalt  }
0x71: {  	_ =	shalt  }
0x72: {  	_ =	shalt  }
0x73: {  	_ =	shalt  }
0x74: {  	_ =	shalt  }
0x75: {  	_ =	shalt  }
0x76: {  	_ =	shalt  }
0x77: {  	_ =	shalt  }
0x78: {  	_ =	shalt  }
0x79: {  	_ =	shalt  }
0x7a: {  	_ =	shalt  }
0x7b: {  	_ =	shalt  }
0x7c: {  	_ =	shalt  }
0x7d: {  	_ =	shalt  }
0x7e: {  	_ =	shalt  }
0x7f: {  	_ =	shalt  }
0x80: {  	_ =	shalt  }
0x81: {  	_ =	shalt  }
0x82: {  	_ =	shalt  }
0x83: {  	_ =	shalt  }
0x84: {  	_ =	shalt  }
0x85: {  	_ =	shalt  }
0x86: {  	_ =	shalt  }
0x87: {  	_ =	shalt  }
.Lfunc_end0:
.L_simem_size_0:
called_computation.1_lowered:
.L_overlay_start_0:
0x88: {  	s2 =	sld [smem:$0x3FD9]  }
0x89: {  	s3 =	sld [smem:$0x3FFE];
	_ =	sdelay $0x1  }
0x8a: {  	s1 =	srdreg.scid  }
0x8b: {  	s0 =	sand.u32 $0x1, s1  }
0x8c: {  	s16 =	sshll.u32 s0, $0xA;
	s2 =	sadd.s32 s3, s2  }
0x8d: {  	s2 =	sadd.s32 s2, s16  }
0x8e: {  	[smem:$0x3FB4] =	sst s2  }
0x8f: {  	_ = 	snop  }
0x90: {  	(tm) =	ssettm $0x1  }
0x91: {  	s17 =	sld [smem:$0x3FFB];
	_ =	sdelay $0x3  }
0x92: {  	_ =	strace s17  }
0x93: {  	s2 =	sld [smem:$0x3FFC];
	_ =	sdelay $0x3  }
0x94: {  	_ =	strace s2  }
0x95: {  	s2 =	sld [smem:$0x3FFD];
	_ =	sdelay $0x3  }
0x96: {  	_ =	strace s2  }
0x97: {  	_ =	strace $0x8FFFFFFF  }
0x98: {  	s18 =	sld [smem:$0x3FDB];
	_ =	sdelay $0x1  }
0x99: {  	s19 =	simm.s32 $_scs_section_size  }
0x9a: {  	s4 =	simm.s32 $_size__tile_overlayer_lowered;
	s5 =	simm.s32 $_tile_overlayer_lowered  }
0x9b: {  	s22 =	simm.s32 $0x1BFF;
	s21 =	sshll.u32 s5, $0x1;
	s2 =	sadd.s32 s19, s18  }
0x9c: {  	s6 =	simm.s32 $0x0;
	s20 =	sshll.u32 s4, $0x1;
	s4 =	sadd.s32 s21, s2  }
0x9d: {  	[timem:s6], [sflag:s22] =	dma.local [hbm:s4], s20  }
0x9e: {  	_ =	swait.ge [sflag:s22], s20  }
0x9f: {  	s3 =	ssub.s32 $0x0, s20;
	[sflag:s22] =	ssyncset.done $0x0  }
0xa0: {  	[sflag:s22] =	ssyncadd.s32 s3;
	_ =	sdelay $0x1  }
0xa1: {  	s23 =	simm.s32 $0x1B8B  }
0xa2: {  	_ =	swait.ge [sflag:s23], $0x1  }
0xa3: {  	[sflag:s23] =	ssyncset.done $0x0  }
0xa4: {  	s25 =	simm.s32 $0x1B8E;
	s24 =	sld [smem:$0x3FFE];
	[sflag:s23] =	ssyncadd.s32 $0xFFFFFFFF  }
0xa5: {  	s26 =	simm.s32 $execute0_lowered;
	[smem:$0x3FD2] =	sst s25  }
0xa6: {  	s4 =	sshll.u32 s26, $0x1;
	_ =	strace $0x80000049;
	[dreg:$0x1] =	wrdreg $0xFFFFFFFF  }
0xa7: {  	s28 =	simm.s32 $_size_execute0_lowered;
	s2 =	sadd.s32 s2, s4;
	[dreg:$0x0] =	wrdreg $0x0  }
0xa8: {  	s4 =	sshll.u32 s28, $0x1;
	[dreg:$0x2] =	wrdreg s2  }
0xa9: {  	[dreg:$0x3] =	wrdreg s4  }
0xaa: {  	[dreg:$0x4] =	wrdreg $0xC0  }
0xab: {  	_ =	task [dreg:s6], $0x5FFFF  }
0xac: {  	[dreg:$0x1] =	wrdreg $0xFFFFFFFF  }
0xad: {  	[dreg:$0x0] =	wrdreg $0x60  }
0xae: {  	[dreg:$0x2] =	wrdreg s24  }
0xaf: {  	[dreg:$0x3] =	wrdreg $0x9  }
0xb0: {  	_ =	task.clear_ibuf [dreg:s6], $0x4FFFF;
	_ =	strace $0x90000049  }
0xb1: {  	s29 =	simm.s32 $0x9;
	_ =	strace $0x8000004B  }
0xb2: {  	_ =	swait.ge [sflag:s29], $0x1  }
0xb3: {  	[sflag:s29] =	ssyncadd.s32 $0xFFFFFFFF  }
0xb4: {  	_ =	strace $0x9000004B  }
0xb5: {  	_ =	sfence  }
0xb6: {  	s30 =	sld [smem:$0x0];
	_ =	sdelay $0x2  }
0xb7: {  	s31 =	sshll.u32 s1, $0xD;
	s1 =	sshrl.u32 s1, $0x2  }
0xb8: {  	s3 =	sand.u32 $0x4000, s31;
	s1 =	sadd.s32 s1, s30  }
0xb9: {  	s0 =	sor.u32 s3, s0;
	s1 =	sshll.u32 s1, $0x11  }
0xba: {  	s0 =	sor.u32 s1, s0  }
0xbb: {  	s0 =	sadd.s32 $0x8F2B, s0  }
0xbc: {  	[sflag:s0] =	ssyncadd.remote.s32 $0x1  }
0xbd: {  	_ =	sfence.sel $0xFFFF  }
0xbe: {  	[dreg:$0x0] =	wrdreg $0xFFFFFFFF;
	(pc) =	sbr.abs _section_cstart, $3  }
0xbf: {  	[dreg:$0x1] =	wrdreg $0xFFFFFFFF  }
0xc0: {  	_ =	task.clear_ibuf [dreg:s6], $0x2FFFF;
	_ =	strace $0x9FFFFFFF  }
0xc1: {  	(tm) =	ssettm $0x7FFFFFFF  }
tec
execute0_lowered:
.L_overlay_start_1:
0x0: {  	(tag) =	ssettag $0x1  }
0x1: {  	s1 =	srdreg.scid;
	s0 =	stileid.u32  }
0x2: {  	s4 =	rddreg [dreg:$0x0];
	s17 =	simm.s32 $0x10000;
	s18 =	simm.s32 $0x10080  }
0x3: {  	s19 =	simm.s32 $0x800;
	s20 =	simm.s32 $0x1000;
	s21 =	simm.s32 $0x1800  }
0x4: {  	s23 =	simm.s32 $0x2000;
	s24 =	simm.s32 $0x2800;
	s25 =	simm.s32 $0x3000  }
0x5: {  	s26 =	simm.s32 $0x3800;
	s8 =	simm.s32 $0x4800;
	s1 =	sand.u32 $0x1, s1  }
0x6: {  	s9 =	simm.s32 $0x5000;
	s2 =	sshll.u32 s0, $0x7;
	s3 =	sshll.u32 s1, $0x6  }
0x7: {  	s10 =	simm.s32 $0x5800;
	s3 =	sor.u32 s3, s2;
	s2 =	simm.s32 $0x0  }
0x8: {  	s11 =	simm.s32 $0x6000;
	s12 =	simm.s32 $0x6800;
	[smem:$0x7FF] =	sst s2  }
0x9: {  	s13 =	simm.s32 $0x7000;
	_ =	strace $0x8000004A;
	[dreg:$0x6] =	wrdreg s17  }
0xa: {  	s14 =	simm.s32 $0x7800;
	s15 =	simm.s32 $0x8000;
	[dreg:$0x7] =	wrdreg s18  }
0xb: {  	s28 =	simm.s32 $0xE000;
	s29 =	simm.s32 $0xE800;
	[dreg:$0x8] =	wrdreg s19  }
0xc: {  	s30 =	simm.s32 $0xF000;
	s1 =	ssub.s32 $0x2, s1;
	[dreg:$0x9] =	wrdreg s20  }
0xd: {  	s31 =	simm.s32 $0xF800;
	s22 =	sshrl.u32 s1, $0x1;
	[dreg:$0xa] =	wrdreg s21  }
0xe: {  	s5 =	sshrl.u32 s3, $0x3;
	s3 =	sshll.u32 s3, $0x6;
	[dreg:$0xb] =	wrdreg s23  }
0xf: {  	s1 =	ssub.s32 s1, s22;
	s22 =	simm.s32 $0xB800;
	[dreg:$0xc] =	wrdreg s24  }
0x10: {  	s5 =	sadd.s32 s5, s4;
	s3 =	sadd.s32 s3, s4;
	[dreg:$0xd] =	wrdreg s25  }
0x11: {  	[dreg:$0xe] =	wrdreg s26;
	s17 =	simm.s32 $0x9000;
	s18 =	simm.s32 $0x9800  }
0x12: {  	s19 =	simm.s32 $0xA000;
	s20 =	simm.s32 $0xA800;
	s6 =	sadd.s32 $0x25E00, s5  }
0x13: {  	s21 =	simm.s32 $0xB000;
	s5 =	sadd.s32 $0x25C00, s5;
	[dreg:$0x2] =	wrdreg s6  }
0x14: {  	s23 =	simm.s32 $0xC000;
	s16 =	sadd.s32 $0x5800, s3;
	[dreg:$0x3] =	wrdreg s5  }
0x15: {  	s24 =	simm.s32 $0xC800;
	s3 =	sadd.s32 $0x66000, s3;
	[dreg:$0x4] =	wrdreg s16  }
0x16: {  	v2 =	vlaneseq.u32;
	s25 =	simm.s32 $0xD000;
	s26 =	simm.s32 $0xD800;
	[dreg:$0x5] =	wrdreg s3  }
0x17: {  	vm0 =	vmmov $0xffff;
	v1 =	vshrl.u32 v2, $0x3;
	s3 =	sadd.s32 $0x26000, s4;
	s4 =	sadd.s32 $0x26100, s4;
	s5 =	smax.u32 s1, $0x1  }
0x18: {  	v0 =	vand.u32 $0x7, v2;
	v2 =	vor.u32 $0x8, v2;
	v1 =	vmul.u32 $0x8, v1;
	s6 =	simm.s32 $0x2;
	s16 =	simm.s32 $0x8800;
	s1 =	simm.s32 $0x1  }
.LBB2_1:
0x19: {  	s0 =	rddreg [dreg:$0x2]  }
0x1a: {  	s7 =	rddreg [dreg:$0x6]  }
0x1b: {  	[tilespmem:s7], [sflag:$0x2] =	stream.linear.gather [hbm4b:s0+s2], $0x40, $0x38;
	[tilespmem:$0x10100] =	vst v63  }
0x1c: {  	_ =	swait.ge [sflag:s6], $0x40  }
0x1d: {  	s0 =	rddreg [dreg:$0x3];
	[sflag:s6] =	ssyncset.done $0x0  }
0x1e: {  	s7 =	rddreg [dreg:$0x7];
	[sflag:s6] =	ssyncadd.s32 $0xFFFFFFC0  }
0x1f: {  	[tilespmem:s7], [sflag:$0x2] =	stream.linear.gather [hbm4b:s0+s2], $0x40, $0x38;
	[tilespmem:$0x10100] =	vst v63  }
0x20: {  	_ =	swait.ge [sflag:s6], $0x40  }
0x21: {  	[sflag:s6] =	ssyncset.done $0x0  }
0x22: {  	[sflag:s6] =	ssyncadd.s32 $0xFFFFFFC0  }
0x23: {  	v3 =	vld [tilespmem:$0x10000];
	_ =	sdelay $0x4  }
0x24: {  	v4 =	vshll.u32 v3, $0x2  }
0x25: {  	v3 =	vand.u32 $0x7, v3;
	v4 =	vand.u32 $0xFFFFFFE0, v4  }
0x26: {  	v3 =	vor.u32 v3, v4  }
0x27: {  	v4 =	vperm.xlane v3, v0;
	_ =	sdelay $0x1  }
0x28: {  	v4 =	vadd.s32 v1, v4;
	_ =	sdelay $0x1  }
0x29: {  	v3 =	vperm.xlane v3, v2;
	_ =	sdelay $0x1  }
0x2a: {  	v3 =	vadd.s32 v1, v3  }
0x2b: {  	[tilespmem:s2], [sflag:$0x1] =	stream.indirect_vreg.gather [hbm4b:s3+s2], $0x80, v4, vm0, $0xb8;
	[tilespmem:$0x10100] =	vst v63  }
0x2c: {  	s0 =	rddreg [dreg:$0x8]  }
0x2d: {  	[tilespmem:s0], [sflag:$0x1] =	stream.indirect_vreg.gather [hbm4b:s4+s2], $0x80, v4, vm0, $0xb8;
	[tilespmem:$0x10100] =	vst v63  }
0x2e: {  	s7 =	rddreg [dreg:$0x9]  }
0x2f: {  	[tilespmem:s7], [sflag:$0x1] =	stream.indirect_vreg.gather [hbm4b:s3+s2], $0x80, v3, vm0, $0xb8;
	[tilespmem:$0x10100] =	vst v63  }
0x30: {  	s0 =	rddreg [dreg:$0xa]  }
0x31: {  	[tilespmem:s0], [sflag:$0x1] =	stream.indirect_vreg.gather [hbm4b:s4+s2], $0x80, v3, vm0, $0xb8;
	[tilespmem:$0x10100] =	vst v63  }
0x32: {  	v3 =	vld [tilespmem:$0x10010];
	_ =	sdelay $0x4  }
0x33: {  	v57 =	vshll.u32 v3, $0x2  }
0x34: {  	v3 =	vand.u32 $0x7, v3;
	v4 =	vand.u32 $0xFFFFFFE0, v57  }
0x35: {  	v3 =	vor.u32 v3, v4  }
0x36: {  	v4 =	vperm.xlane v3, v0;
	_ =	sdelay $0x1  }
0x37: {  	v4 =	vadd.s32 v1, v4;
	_ =	sdelay $0x1  }
0x38: {  	v3 =	vperm.xlane v3, v2;
	_ =	sdelay $0x1  }
0x39: {  	s0 =	rddreg [dreg:$0xb];
	v3 =	vadd.s32 v1, v3  }
0x3a: {  	[tilespmem:s0], [sflag:$0x1] =	stream.indirect_vreg.gather [hbm4b:s3+s2], $0x80, v4, vm0, $0xb8;
	[tilespmem:$0x10100] =	vst v63  }
0x3b: {  	s7 =	rddreg [dreg:$0xc]  }
0x3c: {  	[tilespmem:s7], [sflag:$0x1] =	stream.indirect_vreg.gather [hbm4b:s4+s2], $0x80, v4, vm0, $0xb8;
	[tilespmem:$0x10100] =	vst v63  }
0x3d: {  	s0 =	rddreg [dreg:$0xd]  }
0x3e: {  	[tilespmem:s0], [sflag:$0x1] =	stream.indirect_vreg.gather [hbm4b:s3+s2], $0x80, v3, vm0, $0xb8;
	[tilespmem:$0x10100] =	vst v63  }
0x3f: {  	s7 =	rddreg [dreg:$0xe]  }
0x40: {  	[tilespmem:s7], [sflag:$0x1] =	stream.indirect_vreg.gather [hbm4b:s4+s2], $0x80, v3, vm0, $0xb8;
	[tilespmem:$0x10100] =	vst v63  }
0x41: {  	v3 =	vld [tilespmem:$0x10020];
	_ =	sdelay $0x4  }
0x42: {  	v58 =	vshll.u32 v3, $0x2  }
0x43: {  	v3 =	vand.u32 $0x7, v3;
	v4 =	vand.u32 $0xFFFFFFE0, v58  }
0x44: {  	v3 =	vor.u32 v3, v4  }
0x45: {  	v4 =	vperm.xlane v3, v0;
	_ =	sdelay $0x1  }
0x46: {  	v4 =	vadd.s32 v1, v4;
	_ =	sdelay $0x1  }
0x47: {  	v3 =	vperm.xlane v3, v2;
	_ =	sdelay $0x1  }
0x48: {  	s7 =	simm.s32 $0x4000;
	v3 =	vadd.s32 v1, v3  }
0x49: {  	[tilespmem:s7], [sflag:$0x1] =	stream.indirect_vreg.gather [hbm4b:s3+s2], $0x80, v4, vm0, $0xb8;
	[tilespmem:$0x10100] =	vst v63  }
0x4a: {  	_ = 	snop  }
0x4b: {  	[tilespmem:s8], [sflag:$0x1] =	stream.indirect_vreg.gather [hbm4b:s4+s2], $0x80, v4, vm0, $0xb8;
	[tilespmem:$0x10100] =	vst v63  }
0x4c: {  	_ = 	snop  }
0x4d: {  	[tilespmem:s9], [sflag:$0x1] =	stream.indirect_vreg.gather [hbm4b:s3+s2], $0x80, v3, vm0, $0xb8;
	[tilespmem:$0x10100] =	vst v63  }
0x4e: {  	_ = 	snop  }
0x4f: {  	[tilespmem:s10], [sflag:$0x1] =	stream.indirect_vreg.gather [hbm4b:s4+s2], $0x80, v3, vm0, $0xb8;
	[tilespmem:$0x10100] =	vst v63  }
0x50: {  	v3 =	vld [tilespmem:$0x10030];
	_ =	sdelay $0x4  }
0x51: {  	v59 =	vshll.u32 v3, $0x2  }
0x52: {  	v3 =	vand.u32 $0x7, v3;
	v4 =	vand.u32 $0xFFFFFFE0, v59  }
0x53: {  	v3 =	vor.u32 v3, v4  }
0x54: {  	v4 =	vperm.xlane v3, v0;
	_ =	sdelay $0x1  }
0x55: {  	v4 =	vadd.s32 v1, v4;
	_ =	sdelay $0x1  }
0x56: {  	v3 =	vperm.xlane v3, v2;
	_ =	sdelay $0x1  }
0x57: {  	v3 =	vadd.s32 v1, v3  }
0x58: {  	[tilespmem:s11], [sflag:$0x1] =	stream.indirect_vreg.gather [hbm4b:s3+s2], $0x80, v4, vm0, $0xb8;
	[tilespmem:$0x10100] =	vst v63  }
0x59: {  	_ = 	snop  }
0x5a: {  	[tilespmem:s12], [sflag:$0x1] =	stream.indirect_vreg.gather [hbm4b:s4+s2], $0x80, v4, vm0, $0xb8;
	[tilespmem:$0x10100] =	vst v63  }
0x5b: {  	_ = 	snop  }
0x5c: {  	[tilespmem:s13], [sflag:$0x1] =	stream.indirect_vreg.gather [hbm4b:s3+s2], $0x80, v3, vm0, $0xb8;
	[tilespmem:$0x10100] =	vst v63  }
0x5d: {  	_ = 	snop  }
0x5e: {  	[tilespmem:s14], [sflag:$0x1] =	stream.indirect_vreg.gather [hbm4b:s4+s2], $0x80, v3, vm0, $0xb8;
	[tilespmem:$0x10100] =	vst v63  }
0x5f: {  	v3 =	vld [tilespmem:$0x10080];
	_ =	sdelay $0x4  }
0x60: {  	v60 =	vshll.u32 v3, $0x2  }
0x61: {  	v3 =	vand.u32 $0x7, v3;
	v4 =	vand.u32 $0xFFFFFFE0, v60  }
0x62: {  	v3 =	vor.u32 v3, v4  }
0x63: {  	v4 =	vperm.xlane v3, v0;
	_ =	sdelay $0x1  }
0x64: {  	v4 =	vadd.s32 v1, v4;
	_ =	sdelay $0x1  }
0x65: {  	v3 =	vperm.xlane v3, v2;
	_ =	sdelay $0x1  }
0x66: {  	v3 =	vadd.s32 v1, v3  }
0x67: {  	[tilespmem:s15], [sflag:$0x1] =	stream.indirect_vreg.gather [hbm4b:s3+s2], $0x80, v4, vm0, $0xb8;
	[tilespmem:$0x10100] =	vst v63  }
0x68: {  	_ = 	snop  }
0x69: {  	[tilespmem:s16], [sflag:$0x1] =	stream.indirect_vreg.gather [hbm4b:s4+s2], $0x80, v4, vm0, $0xb8;
	[tilespmem:$0x10100] =	vst v63  }
0x6a: {  	_ = 	snop  }
0x6b: {  	[tilespmem:s17], [sflag:$0x1] =	stream.indirect_vreg.gather [hbm4b:s3+s2], $0x80, v3, vm0, $0xb8;
	[tilespmem:$0x10100] =	vst v63  }
0x6c: {  	_ = 	snop  }
0x6d: {  	[tilespmem:s18], [sflag:$0x1] =	stream.indirect_vreg.gather [hbm4b:s4+s2], $0x80, v3, vm0, $0xb8;
	[tilespmem:$0x10100] =	vst v63  }
0x6e: {  	v3 =	vld [tilespmem:$0x10090];
	_ =	sdelay $0x4  }
0x6f: {  	v61 =	vshll.u32 v3, $0x2  }
0x70: {  	v3 =	vand.u32 $0x7, v3;
	v4 =	vand.u32 $0xFFFFFFE0, v61  }
0x71: {  	v3 =	vor.u32 v3, v4  }
0x72: {  	v4 =	vperm.xlane v3, v0;
	_ =	sdelay $0x1  }
0x73: {  	v4 =	vadd.s32 v1, v4;
	_ =	sdelay $0x1  }
0x74: {  	v3 =	vperm.xlane v3, v2;
	_ =	sdelay $0x1  }
0x75: {  	v3 =	vadd.s32 v1, v3  }
0x76: {  	[tilespmem:s19], [sflag:$0x1] =	stream.indirect_vreg.gather [hbm4b:s3+s2], $0x80, v4, vm0, $0xb8;
	[tilespmem:$0x10100] =	vst v63  }
0x77: {  	_ = 	snop  }
0x78: {  	[tilespmem:s20], [sflag:$0x1] =	stream.indirect_vreg.gather [hbm4b:s4+s2], $0x80, v4, vm0, $0xb8;
	[tilespmem:$0x10100] =	vst v63  }
0x79: {  	_ = 	snop  }
0x7a: {  	[tilespmem:s21], [sflag:$0x1] =	stream.indirect_vreg.gather [hbm4b:s3+s2], $0x80, v3, vm0, $0xb8;
	[tilespmem:$0x10100] =	vst v63  }
0x7b: {  	_ = 	snop  }
0x7c: {  	[tilespmem:s22], [sflag:$0x1] =	stream.indirect_vreg.gather [hbm4b:s4+s2], $0x80, v3, vm0, $0xb8;
	[tilespmem:$0x10100] =	vst v63  }
0x7d: {  	v3 =	vld [tilespmem:$0x100A0];
	_ =	sdelay $0x4  }
0x7e: {  	v62 =	vshll.u32 v3, $0x2  }
0x7f: {  	v3 =	vand.u32 $0x7, v3;
	v4 =	vand.u32 $0xFFFFFFE0, v62  }
0x80: {  	v3 =	vor.u32 v3, v4  }
0x81: {  	v4 =	vperm.xlane v3, v0;
	_ =	sdelay $0x1  }
0x82: {  	v4 =	vadd.s32 v1, v4;
	_ =	sdelay $0x1  }
0x83: {  	v3 =	vperm.xlane v3, v2;
	_ =	sdelay $0x1  }
0x84: {  	v3 =	vadd.s32 v1, v3  }
0x85: {  	[tilespmem:s23], [sflag:$0x1] =	stream.indirect_vreg.gather [hbm4b:s3+s2], $0x80, v4, vm0, $0xb8;
	[tilespmem:$0x10100] =	vst v63  }
0x86: {  	_ = 	snop  }
0x87: {  	[tilespmem:s24], [sflag:$0x1] =	stream.indirect_vreg.gather [hbm4b:s4+s2], $0x80, v4, vm0, $0xb8;
	[tilespmem:$0x10100] =	vst v63  }
0x88: {  	_ = 	snop  }
0x89: {  	[tilespmem:s25], [sflag:$0x1] =	stream.indirect_vreg.gather [hbm4b:s3+s2], $0x80, v3, vm0, $0xb8;
	[tilespmem:$0x10100] =	vst v63  }
0x8a: {  	_ = 	snop  }
0x8b: {  	[tilespmem:s26], [sflag:$0x1] =	stream.indirect_vreg.gather [hbm4b:s4+s2], $0x80, v3, vm0, $0xb8;
	[tilespmem:$0x10100] =	vst v63  }
0x8c: {  	v3 =	vld [tilespmem:$0x100B0];
	_ =	sdelay $0x4  }
0x8d: {  	v63 =	vshll.u32 v3, $0x2  }
0x8e: {  	v3 =	vand.u32 $0x7, v3;
	v4 =	vand.u32 $0xFFFFFFE0, v63  }
0x8f: {  	v3 =	vor.u32 v3, v4  }
0x90: {  	v4 =	vperm.xlane v3, v0;
	_ =	sdelay $0x1  }
0x91: {  	v4 =	vadd.s32 v1, v4;
	_ =	sdelay $0x1  }
0x92: {  	v3 =	vperm.xlane v3, v2;
	_ =	sdelay $0x1  }
0x93: {  	v3 =	vadd.s32 v1, v3  }
0x94: {  	[tilespmem:s28], [sflag:$0x1] =	stream.indirect_vreg.gather [hbm4b:s3+s2], $0x80, v4, vm0, $0xb8;
	[tilespmem:$0x10100] =	vst v63  }
0x95: {  	_ = 	snop  }
0x96: {  	[tilespmem:s29], [sflag:$0x1] =	stream.indirect_vreg.gather [hbm4b:s4+s2], $0x80, v4, vm0, $0xb8;
	[tilespmem:$0x10100] =	vst v63  }
0x97: {  	_ = 	snop  }
0x98: {  	[tilespmem:s30], [sflag:$0x1] =	stream.indirect_vreg.gather [hbm4b:s3+s2], $0x80, v3, vm0, $0xb8;
	[tilespmem:$0x10100] =	vst v63  }
0x99: {  	_ = 	snop  }
0x9a: {  	[tilespmem:s31], [sflag:$0x1] =	stream.indirect_vreg.gather [hbm4b:s4+s2], $0x80, v3, vm0, $0xb8;
	[tilespmem:$0x10100] =	vst v63  }
0x9b: {  	_ =	swait.ge [sflag:s1], $0x8000  }
0x9c: {  	[sflag:s1] =	ssyncset.done $0x0  }
0x9d: {  	[sflag:s1] =	ssyncadd.s32 $0xFFFF8000  }
0x9e: {  	_ =	swait.ge [sflag:s1], $0x8000  }
0x9f: {  	[sflag:s1] =	ssyncset.done $0x0  }
0xa0: {  	s7 =	rddreg [dreg:$0x4];
	[sflag:s1] =	ssyncadd.s32 $0xFFFF8000  }
0xa1: {  	[hbm4b:s7+s2] =	stream.linear.scatter [tilespmem:s2], [sflag:$0x2], $0x8000, $0x38;
	[tilespmem:$0x10100] =	vst v63  }
0xa2: {  	_ =	swait.ge [sflag:s6], $0x8000  }
0xa3: {  	p0 =	sne.s32 s5, $0x1;
	[sflag:s6] =	ssyncset.done $0x0  }
.Ltmp0:
0xa4: {  	s7 =	rddreg [dreg:$0x5];
	[sflag:s6] =	ssyncadd.s32 $0xFFFF8000;
	(pc) =	sbr.rel @p0 .LBB2_1-.Ltmp0, $4  }
0xa5: {  	[hbm4b:s7+s2] =	stream.linear.scatter [tilespmem:s15], [sflag:$0x2], $0x8000, $0x38;
	[tilespmem:$0x10100] =	vst v63  }
0xa6: {  	_ =	swait.ge [sflag:s6], $0x8000  }
0xa7: {  	[sflag:s6] =	ssyncset.done $0x0  }
0xa8: {  	s5 =	sadd.s32 $0xFFFFFFFF, s5;
	[sflag:s6] =	ssyncadd.s32 $0xFFFF8000  }
0xa9: {  	_ =	sfence.sel $0x180000  }
0xaa: {  	[bflag:$0x0] =	sbarrier.arrive $0xFFFF  }
0xab: {  	_ =	strace $0x9000004A  }
0xac: {  	s0 =	stileid.u32;
	[bflag:$0x2] =	sbarrier.arrive $0xFFFF  }
0xad: {  	p0 =	sne.s32 s0, $0x0;
	s0 =	rddreg [dreg:$0x1]  }
0xae: {  	s0 =	sadd.s32 @!p0 $0x100000, s0  }
0xaf: {  	[sflag:s0] =	ssyncadd.tile.s32 @!p0 $0x1;
	_ =	shalt  }
.Lfunc_end2:
_tile_overlayer_lowered:
.L_overlay_start_2:
0xb0: {  	(tag) =	ssettag $0x2  }
0xb1: {  	s0 =	rddreg [dreg:$0x0];
	s2 =	stileid.u32  }
0xb2: {  	s1 =	rddreg [dreg:$0x1];
	p0 =	sne.s32 s2, $0x0  }
0xb3: {  	s3 =	rddreg [dreg:$0x2];
	[bflag:$0x3] =	sbarrier.arrive $0xFFFF;
	s2 =	simm.s32 @!p0 $0x1C02  }
0xb4: {  	[timem:s3], [sflag:s2] =	dma.local @!p0 [hbm:s0], s1  }
0xb5: {  	s0 =	simm.s32 @!p0 $0x2  }
0xb6: {  	_ =	swait.ge @!p0 [sflag:s0], s1  }
0xb7: {  	s1 =	ssub.s32 @!p0 $0x0, s1;
	[sflag:s0] =	ssyncset.done @!p0 $0x0  }
0xb8: {  	[sflag:s0] =	ssyncadd.s32 @!p0 s1  }
0xb9: {  	[bflag:$0x3] =	sbarrier.arrive $0xFFFF  }
0xba: {  	_ =	shalt  }

</sc_bundles>
